<compile_context>
chip_gen: v7x
topology: tpu7x:2x2x1
jax: 0.10.2.dev20260603
libtpu: 0.0.44.dev20260713+nightly
codegen_flags: <defaults>
</compile_context>

<pallas_src>
import functools

import jax
import jax.numpy as jnp
from jax import lax
from jax.experimental import pallas as pl
from jax.experimental.pallas import tpu as pltpu
from jax.experimental.pallas import tpu_sc as plsc

N = 10000
E = 320000
D = 128
HD = D // 2
G = 64
C = 40
EPS = 1e-5

NC = 2
NS = 16
NW = NC * NS
L = 16

CHUNK = 128
CPT = 80
EPAD = NW * CPT * CHUNK
ACCN = 10112
PADROWS = ACCN - N
RPT = ACCN // NS
OUT_TAIL = N - RPT * (NS - 1)
ZR = 8
NBUF = 2
SPT = 40
SETTLE_NS = 10000
FILL_NS = 1000


def _mesh():
    return plsc.VectorSubcoreMesh(
        core_axis_name="c", subcore_axis_name="s", num_cores=NC, num_subcores=NS)


def _pad_edges(idx, sink):
    pad = (sink + jnp.arange(EPAD - E, dtype=idx.dtype) % PADROWS
           if sink is not None else
           (jnp.arange(EPAD - E, dtype=idx.dtype) * 131) % N)
    return jnp.concatenate([idx, pad]).reshape(EPAD // CHUNK, CHUNK)


def _sc_degree(dst2d):

    @functools.partial(
        pl.kernel,
        out_type=jax.ShapeDtypeStruct((NC, N), jnp.float32),
        mesh=_mesh(),
        compiler_params=pltpu.CompilerParams(use_tc_tiling_on_sc=False),
        scratch_types=[
            pltpu.VMEM((CPT, CHUNK), jnp.int32),
            pltpu.VMEM((CHUNK,), jnp.float32),
            pltpu.VMEM((RPT,), jnp.float32),
            pltpu.VMEM_SHARED((ACCN,), jnp.float32),
        ],
    )
    def k(dst_hbm, out_hbm, dsts, ones, zbuf, acc):
        c = lax.axis_index("c")
        s = lax.axis_index("s")
        wid = c * NS + s

        one16 = jnp.ones((L,), jnp.float32)
        zero16 = jnp.zeros((L,), jnp.float32)
        for kk in range(CHUNK // L):
            ones[pl.ds(kk * L, L)] = one16
        for kk in range(RPT // L):
            zbuf[pl.ds(kk * L, L)] = zero16
        pl.delay(FILL_NS)

        pltpu.sync_copy(zbuf, acc.at[pl.ds(s * RPT, RPT)])
        pl.delay(SETTLE_NS)
        plsc.subcore_barrier()

        pltpu.sync_copy(dst_hbm.at[pl.ds(wid * CPT, CPT)], dsts)

        def body(j, carry):
            pltpu.sync_copy(ones, acc.at[dsts.at[j]], add=True)
            return carry

        lax.fori_loop(0, CPT, body, 0)
        pl.delay(SETTLE_NS)
        plsc.subcore_barrier()

        @pl.when(s < NS - 1)
        def _():
            pltpu.sync_copy(acc.at[pl.ds(s * RPT, RPT)],
                            out_hbm.at[c, pl.ds(s * RPT, RPT)])

        @pl.when(s == NS - 1)
        def _():
            pltpu.sync_copy(acc.at[pl.ds((NS - 1) * RPT, OUT_TAIL)],
                            out_hbm.at[c, pl.ds((NS - 1) * RPT, OUT_TAIL)])

    return k(dst2d)


def _sc_propagate(u, src2d, dst2d):

    @functools.partial(
        pl.kernel,
        out_type=jax.ShapeDtypeStruct((NC, N, D), jnp.float32),
        mesh=_mesh(),
        compiler_params=pltpu.CompilerParams(use_tc_tiling_on_sc=False),
        scratch_types=[
            pltpu.VMEM((SPT, CHUNK), jnp.int32),
            pltpu.VMEM((SPT, CHUNK), jnp.int32),
            pltpu.VMEM((NBUF, CHUNK, D), jnp.float32),
            pltpu.VMEM((ZR, D), jnp.float32),
            pltpu.VMEM_SHARED((ACCN, D), jnp.float32),
        ] + [pltpu.SemaphoreType.DMA] * (2 * NBUF),
    )
    def k(u_hbm, src_hbm, dst_hbm, out_hbm, srcs, dsts, rows, zbuf,
          acc, *sems):
        gsems = sems[:NBUF]
        ssems = sems[NBUF:]
        c = lax.axis_index("c")
        s = lax.axis_index("s")
        wid = c * NS + s

        zero16 = jnp.zeros((L,), jnp.float32)

        def zrow(r, carry):
            for kk in range(D // L):
                zbuf[r, pl.ds(kk * L, L)] = zero16
            return carry

        lax.fori_loop(0, ZR, zrow, 0)
        pl.delay(FILL_NS)

        def zcopy(t, carry):
            pltpu.sync_copy(zbuf, acc.at[pl.ds(s * RPT + t * ZR, ZR)])
            return carry

        lax.fori_loop(0, RPT // ZR, zcopy, 0)
        pl.delay(SETTLE_NS)
        plsc.subcore_barrier()

        for seg in range(CPT // SPT):
            c0 = wid * CPT + seg * SPT
            pltpu.sync_copy(src_hbm.at[pl.ds(c0, SPT)], srcs)
            pltpu.sync_copy(dst_hbm.at[pl.ds(c0, SPT)], dsts)

            def body(it, carry):
                j0 = it * NBUF
                gh = [pltpu.async_copy(
                    u_hbm.at[srcs.at[j0 + b]], rows.at[b], gsems[b])
                    for b in range(NBUF)]
                sh = []
                for b in range(NBUF):
                    gh[b].wait()
                    sh.append(pltpu.async_copy(
                        rows.at[b], acc.at[dsts.at[j0 + b]], ssems[b],
                        add=True))
                for h in sh:
                    h.wait()
                return carry

            lax.fori_loop(0, SPT // NBUF, body, 0)

        pl.delay(SETTLE_NS)
        plsc.subcore_barrier()

        @pl.when(s < NS - 1)
        def _():
            pltpu.sync_copy(acc.at[pl.ds(s * RPT, RPT)],
                            out_hbm.at[c, pl.ds(s * RPT, RPT)])

        @pl.when(s == NS - 1)
        def _():
            pltpu.sync_copy(
                acc.at[pl.ds((NS - 1) * RPT, OUT_TAIL)],
                out_hbm.at[c, pl.ds((NS - 1) * RPT, OUT_TAIL)])

    return k(u, src2d, dst2d)


def _combine(p_ref, h, dv, b):
    return dv * (p_ref[0] + p_ref[1]) + (dv * dv) * h + b


def _tc_first(x, W1, degT):

    def body(x_ref, w_ref, deg_ref, h_ref, u_ref, dinv_ref):
        deg = jnp.sum(deg_ref[...], axis=1, keepdims=True) + 1.0
        dinv = lax.rsqrt(deg)
        h = jnp.dot(x_ref[...], w_ref[...], preferred_element_type=jnp.float32)
        h_ref[...] = h
        u_ref[...] = h * dinv
        dinv_ref[...] = dinv

    return pl.pallas_call(
        body,
        out_shape=(
            jax.ShapeDtypeStruct((N, D), jnp.float32),
            jax.ShapeDtypeStruct((N, D), jnp.float32),
            jax.ShapeDtypeStruct((N, 1), jnp.float32),
        ),
    )(x, W1, degT)


def _bn_relu(a, g, be):
    mu = jnp.mean(a, axis=0, keepdims=True)
    d = a - mu
    var = jnp.mean(d * d, axis=0, keepdims=True)
    return jnp.maximum(d * lax.rsqrt(var + EPS) * g + be, 0.0)


def _tc_mid(p, h1, dinv, b1, g1, be1, W2):

    def body(p_ref, h_ref, dinv_ref, b_ref, g_ref, be_ref, w_ref,
             h2_ref, u2_ref):
        dv = dinv_ref[...]
        a = _combine(p_ref, h_ref[...], dv, b_ref[...])
        y = _bn_relu(a, g_ref[...], be_ref[...])
        h2 = jnp.dot(y, w_ref[...], preferred_element_type=jnp.float32)
        h2_ref[...] = h2
        u2_ref[...] = h2 * dv

    return pl.pallas_call(
        body,
        out_shape=(
            jax.ShapeDtypeStruct((N, D), jnp.float32),
            jax.ShapeDtypeStruct((N, D), jnp.float32),
        ),
    )(p, h1, dinv, b1, g1, be1, W2)


def _tc_final(p, h2, dinv, b2, g2, be2, batch2d, Wl, bl):

    def body(p_ref, h_ref, dinv_ref, b_ref, g_ref, be_ref, bat_ref,
             wl_ref, bl_ref, o_ref):
        dv = dinv_ref[...]
        a = _combine(p_ref, h_ref[...], dv, b_ref[...])
        y = _bn_relu(a, g_ref[...], be_ref[...])
        oh = (bat_ref[...] == lax.broadcasted_iota(jnp.int32, (N, G), 1)
              ).astype(jnp.float32)
        dnums = (((0,), (0,)), ((), ()))
        sums = lax.dot_general(oh, y, dnums,
                               preferred_element_type=jnp.float32)
        cnt = lax.dot_general(oh, jnp.ones((N, 1), jnp.float32), dnums,
                              preferred_element_type=jnp.float32)
        pooled = sums / jnp.maximum(cnt, 1.0)
        o_ref[...] = jnp.dot(pooled, wl_ref[...],
                             preferred_element_type=jnp.float32) + bl_ref[...]

    return pl.pallas_call(
        body,
        out_shape=jax.ShapeDtypeStruct((G, C), jnp.float32),
    )(p, h2, dinv, b2, g2, be2, batch2d, Wl, bl)


@jax.jit
def kernel(x, edge_index, batch, W1, b1, g1, be1, W2, b2, g2, be2, Wl, bl):
    src2d = _pad_edges(edge_index[0], None)
    dst2d = _pad_edges(edge_index[1], N)

    degp = _sc_degree(dst2d)
    degT = degp.T
    h1, u1, dinv = _tc_first(x, W1, degT)
    p1 = _sc_propagate(u1, src2d, dst2d)
    h2, u2 = _tc_mid(p1, h1, dinv,
                     b1.reshape(1, D), g1.reshape(1, D),
                     be1.reshape(1, D), W2)
    p2 = _sc_propagate(u2, src2d, dst2d)
    return _tc_final(p2, h2, dinv,
                     b2.reshape(1, D), g2.reshape(1, D), be2.reshape(1, D),
                     batch.reshape(N, 1), Wl, bl.reshape(1, C))

# --- scband reference (transcript-rebuilt; emitter-appended) ---
"""Pipeline reference for scband-base-graph-model-1872605741079 (READ-ONLY COPY).

The authoritative reference and input builder live on the scoring server;
editing this copy changes nothing except your own understanding.
"""

import jax, jax.numpy as jnp
import numpy as np

N = 10000
E = 320000
D = 128
H1 = 128
H2 = 128
C = 40
G = 64
EPS = 1e-5


def setup_inputs(seed: int = 0) -> dict:
    key = jax.random.key(seed)
    ks = jax.random.split(key, 16)
    x = jax.random.normal(ks[0], (N, D), dtype=jnp.float32)
    edge_index = jax.random.randint(ks[1], (2, E), 0, N)
    batch = jnp.sort(jax.random.randint(ks[2], (N,), 0, G))
    s1 = 1.0 / np.sqrt(D)
    s2 = 1.0 / np.sqrt(H1)
    sl = 1.0 / np.sqrt(H2)
    W1 = jax.random.uniform(ks[3], (D, H1), jnp.float32, -s1, s1)
    b1 = jax.random.uniform(ks[4], (H1,), jnp.float32, -s1, s1)
    g1 = jnp.ones((H1,), jnp.float32)
    be1 = jnp.zeros((H1,), jnp.float32)
    W2 = jax.random.uniform(ks[5], (H1, H2), jnp.float32, -s2, s2)
    b2 = jax.random.uniform(ks[6], (H2,), jnp.float32, -s2, s2)
    g2 = jnp.ones((H2,), jnp.float32)
    be2 = jnp.zeros((H2,), jnp.float32)
    Wl = jax.random.uniform(ks[7], (H2, C), jnp.float32, -sl, sl)
    bl = jax.random.uniform(ks[8], (C,), jnp.float32, -sl, sl)
    return {"x": x, "edge_index": edge_index, "batch": batch,
            "W1": W1, "b1": b1, "g1": g1, "be1": be1,
            "W2": W2, "b2": b2, "g2": g2, "be2": be2,
            "Wl": Wl, "bl": bl}


def _gcn_conv(x, edge_index, W, b):
    n = x.shape[0]
    h = x @ W
    loop = jnp.arange(n, dtype=edge_index.dtype)
    src = jnp.concatenate([edge_index[0], loop])
    dst = jnp.concatenate([edge_index[1], loop])
    ones = jnp.ones(src.shape[0], dtype=h.dtype)
    deg = jax.ops.segment_sum(ones, dst, num_segments=n)
    dinv = jnp.where(deg > 0, deg ** -0.5, 0.0)
    coef = dinv[src] * dinv[dst]
    msg = h[src] * coef[:, None]
    agg = jax.ops.segment_sum(msg, dst, num_segments=n)
    return agg + b


def _batchnorm(x, gamma, beta):
    mean = jnp.mean(x, axis=0)
    var = jnp.var(x, axis=0)
    return (x - mean) / jnp.sqrt(var + EPS) * gamma + beta


def _block(x, edge_index, W, b, gamma, beta):
    h = _gcn_conv(x, edge_index, W, b)
    h = _batchnorm(h, gamma, beta)
    return jax.nn.relu(h)


def _global_mean_pool(x, batch, num_graphs):
    sums = jax.ops.segment_sum(x, batch, num_segments=num_graphs)
    cnt = jax.ops.segment_sum(jnp.ones(x.shape[0], x.dtype), batch, num_segments=num_graphs)
    return sums / jnp.clip(cnt, 1.0)[:, None]


def reference(x, edge_index, batch, W1, b1, g1, be1, W2, b2, g2, be2, Wl, bl):
    h = _block(x, edge_index, W1, b1, g1, be1)
    h = _block(h, edge_index, W2, b2, g2, be2)
    pooled = _global_mean_pool(h, batch, G)
    # dropout p=0.5 is identity in eval mode
    out = pooled @ Wl + bl
    return out

if __name__ == "__main__":
    import jax
    _d = setup_inputs()
    print(jax.jit(kernel)(*tuple(_d.values())))

</pallas_src>

<mosaic_0001>
#map = affine_map<(d0, d1) -> (0, 0)>
#map1 = affine_map<(d0, d1) -> (0, 0, 0)>
module attributes {stable_mosaic.version = 14 : i64} {
  func.func @k(%arg0: i32, %arg1: i32, %arg2: memref<10000x128xf32, #tpu.memory_space<hbm>>, %arg3: memref<2560x128xi32, #tpu.memory_space<hbm>>, %arg4: memref<2560x128xi32, #tpu.memory_space<hbm>>, %arg5: memref<2x10000x128xf32, #tpu.memory_space<hbm>>, %arg6: memref<40x128xi32, #tpu.memory_space<vmem>>, %arg7: memref<40x128xi32, #tpu.memory_space<vmem>>, %arg8: memref<2x128x128xf32, #tpu.memory_space<vmem>>, %arg9: memref<8x128xf32, #tpu.memory_space<vmem>>, %arg10: memref<10112x128xf32, #tpu.memory_space<vmem_shared>>, %arg11: memref<!tpu.dma_semaphore, #tpu.memory_space<semaphore_mem>>, %arg12: memref<!tpu.dma_semaphore, #tpu.memory_space<semaphore_mem>>, %arg13: memref<!tpu.dma_semaphore, #tpu.memory_space<semaphore_mem>>, %arg14: memref<!tpu.dma_semaphore, #tpu.memory_space<semaphore_mem>>) attributes {dimension_semantics = [#tpu.dimension_semantics<core_parallel>, #tpu.dimension_semantics<subcore_parallel>], iteration_bounds = array<i64: 2, 16>, scalar_prefetch = 0 : i64, scratch_operands = 9 : i64, tpu.core_type = #tpu.core_type<sc_vector_subcore>, window_params = [{transform_indices = #map}, {transform_indices = #map}, {transform_indices = #map}, {transform_indices = #map1}]} {
    %mul3A = arith.constant 16 : i32
    %mul3A_0 = arith.muli %arg0, %mul3A : i32
    %add3A = arith.addi %mul3A_0, %arg1 : i32
    %broadcast_in_dim3A = arith.constant 0.000000e+00 : f32
    %broadcast_in_dim3A_1 = vector.broadcast %broadcast_in_dim3A : f32 to vector<16xf32>
    %scan3A = arith.constant 0 : i32
    %scan3A_2 = arith.constant 0 : i32
    %scan3A_3 = arith.constant 8 : i32
    %scan3A_4 = arith.addi %scan3A_2, %scan3A_3 : i32
    %scan3A_5 = arith.constant 1 : i32
    scf.for %scan3A_42 = %scan3A_2 to %scan3A_4 step %scan3A_5  : i32 {
      %swap3A = arith.index_cast %scan3A_42 : i32 to index
      %swap3A_43 = arith.constant 0 : index
      %swap3A_44 = tpu.vector_load %arg9[%swap3A, %swap3A_43] {strides = array<i32>} : memref<8x128xf32, #tpu.memory_space<vmem>>, vector<1x16xf32>,
      %swap3A_45 = vector.shape_cast %swap3A_44 : vector<1x16xf32> to vector<16xf32>
      %swap3A_46 = vector.shape_cast %broadcast_in_dim3A_1 : vector<16xf32> to vector<1x16xf32>
      tpu.vector_store %arg9[%swap3A, %swap3A_43], %swap3A_46 {strides = array<i32>} : memref<8x128xf32, #tpu.memory_space<vmem>>, vector<1x16xf32>,
      %swap3A_47 = arith.index_cast %scan3A_42 : i32 to index
      %swap3A_48 = arith.constant 16 : index
      %swap3A_49 = tpu.vector_load %arg9[%swap3A_47, %swap3A_48] {strides = array<i32>} : memref<8x128xf32, #tpu.memory_space<vmem>>, vector<1x16xf32>,
      %swap3A_50 = vector.shape_cast %swap3A_49 : vector<1x16xf32> to vector<16xf32>
      %swap3A_51 = vector.shape_cast %broadcast_in_dim3A_1 : vector<16xf32> to vector<1x16xf32>
      tpu.vector_store %arg9[%swap3A_47, %swap3A_48], %swap3A_51 {strides = array<i32>} : memref<8x128xf32, #tpu.memory_space<vmem>>, vector<1x16xf32>,
      %swap3A_52 = arith.index_cast %scan3A_42 : i32 to index
      %swap3A_53 = arith.constant 32 : index
      %swap3A_54 = tpu.vector_load %arg9[%swap3A_52, %swap3A_53] {strides = array<i32>} : memref<8x128xf32, #tpu.memory_space<vmem>>, vector<1x16xf32>,
      %swap3A_55 = vector.shape_cast %swap3A_54 : vector<1x16xf32> to vector<16xf32>
      %swap3A_56 = vector.shape_cast %broadcast_in_dim3A_1 : vector<16xf32> to vector<1x16xf32>
      tpu.vector_store %arg9[%swap3A_52, %swap3A_53], %swap3A_56 {strides = array<i32>} : memref<8x128xf32, #tpu.memory_space<vmem>>, vector<1x16xf32>,
      %swap3A_57 = arith.index_cast %scan3A_42 : i32 to index
      %swap3A_58 = arith.constant 48 : index
      %swap3A_59 = tpu.vector_load %arg9[%swap3A_57, %swap3A_58] {strides = array<i32>} : memref<8x128xf32, #tpu.memory_space<vmem>>, vector<1x16xf32>,
      %swap3A_60 = vector.shape_cast %swap3A_59 : vector<1x16xf32> to vector<16xf32>
      %swap3A_61 = vector.shape_cast %broadcast_in_dim3A_1 : vector<16xf32> to vector<1x16xf32>
      tpu.vector_store %arg9[%swap3A_57, %swap3A_58], %swap3A_61 {strides = array<i32>} : memref<8x128xf32, #tpu.memory_space<vmem>>, vector<1x16xf32>,
      %swap3A_62 = arith.index_cast %scan3A_42 : i32 to index
      %swap3A_63 = arith.constant 64 : index
      %swap3A_64 = tpu.vector_load %arg9[%swap3A_62, %swap3A_63] {strides = array<i32>} : memref<8x128xf32, #tpu.memory_space<vmem>>, vector<1x16xf32>,
      %swap3A_65 = vector.shape_cast %swap3A_64 : vector<1x16xf32> to vector<16xf32>
      %swap3A_66 = vector.shape_cast %broadcast_in_dim3A_1 : vector<16xf32> to vector<1x16xf32>
      tpu.vector_store %arg9[%swap3A_62, %swap3A_63], %swap3A_66 {strides = array<i32>} : memref<8x128xf32, #tpu.memory_space<vmem>>, vector<1x16xf32>,
      %swap3A_67 = arith.index_cast %scan3A_42 : i32 to index
      %swap3A_68 = arith.constant 80 : index
      %swap3A_69 = tpu.vector_load %arg9[%swap3A_67, %swap3A_68] {strides = array<i32>} : memref<8x128xf32, #tpu.memory_space<vmem>>, vector<1x16xf32>,
      %swap3A_70 = vector.shape_cast %swap3A_69 : vector<1x16xf32> to vector<16xf32>
      %swap3A_71 = vector.shape_cast %broadcast_in_dim3A_1 : vector<16xf32> to vector<1x16xf32>
      tpu.vector_store %arg9[%swap3A_67, %swap3A_68], %swap3A_71 {strides = array<i32>} : memref<8x128xf32, #tpu.memory_space<vmem>>, vector<1x16xf32>,
      %swap3A_72 = arith.index_cast %scan3A_42 : i32 to index
      %swap3A_73 = arith.constant 96 : index
      %swap3A_74 = tpu.vector_load %arg9[%swap3A_72, %swap3A_73] {strides = array<i32>} : memref<8x128xf32, #tpu.memory_space<vmem>>, vector<1x16xf32>,
      %swap3A_75 = vector.shape_cast %swap3A_74 : vector<1x16xf32> to vector<16xf32>
      %swap3A_76 = vector.shape_cast %broadcast_in_dim3A_1 : vector<16xf32> to vector<1x16xf32>
      tpu.vector_store %arg9[%swap3A_72, %swap3A_73], %swap3A_76 {strides = array<i32>} : memref<8x128xf32, #tpu.memory_space<vmem>>, vector<1x16xf32>,
      %swap3A_77 = arith.index_cast %scan3A_42 : i32 to index
      %swap3A_78 = arith.constant 112 : index
      %swap3A_79 = tpu.vector_load %arg9[%swap3A_77, %swap3A_78] {strides = array<i32>} : memref<8x128xf32, #tpu.memory_space<vmem>>, vector<1x16xf32>,
      %swap3A_80 = vector.shape_cast %swap3A_79 : vector<1x16xf32> to vector<16xf32>
      %swap3A_81 = vector.shape_cast %broadcast_in_dim3A_1 : vector<16xf32> to vector<1x16xf32>
      tpu.vector_store %arg9[%swap3A_77, %swap3A_78], %swap3A_81 {strides = array<i32>} : memref<8x128xf32, #tpu.memory_space<vmem>>, vector<1x16xf32>,
    }
    %scan3A_6 = arith.constant 8 : i32
    %delay3A = arith.constant 1000 : i32
    tpu.delay %delay3A
    %scan3A_7 = arith.constant 0 : i32
    %scan3A_8 = arith.constant 0 : i32
    %scan3A_9 = arith.constant 79 : i32
    %scan3A_10 = arith.addi %scan3A_8, %scan3A_9 : i32
    %scan3A_11 = arith.constant 1 : i32
    scf.for %scan3A_42 = %scan3A_8 to %scan3A_10 step %scan3A_11  : i32 {
      %mul3A_43 = arith.constant 632 : i32
      %mul3A_44 = arith.muli %arg1, %mul3A_43 : i32
      %mul3A_45 = arith.constant 8 : i32
      %mul3A_46 = arith.muli %scan3A_42, %mul3A_45 : i32
      %add3A_47 = arith.addi %mul3A_44, %mul3A_46 : i32
      "tpu.region"() ({
        %run_scoped3A = tpu.sem_alloc : memref<!tpu.dma_semaphore, #tpu.memory_space<semaphore_mem>>
        %dma_start3A = arith.constant 0 : i32
        %dma_start3A_48 = tpu.memref_slice %arg10[%add3A_47, %dma_start3A] : memref<10112x128xf32, #tpu.memory_space<vmem_shared>> -> memref<8x128xf32, #tpu.memory_space<vmem_shared>>
        %dma_start3A_49 = arith.constant 0 : i32
        %dma_start3A_50 = tpu.memref_slice %arg10[%add3A_47, %dma_start3A_49] : memref<10112x128xf32, #tpu.memory_space<vmem_shared>> -> memref<8x128xf32, #tpu.memory_space<vmem_shared>>
        tpu.enqueue_dma source(%arg9 : memref<8x128xf32, #tpu.memory_space<vmem>>) target(%dma_start3A_50 : memref<8x128xf32, #tpu.memory_space<vmem_shared>>) target_semaphore(%run_scoped3A : memref<!tpu.dma_semaphore, #tpu.memory_space<semaphore_mem>>)
        %dma_wait3A = arith.constant 0 : i32
        %dma_wait3A_51 = tpu.memref_slice %arg10[%add3A_47, %dma_wait3A] : memref<10112x128xf32, #tpu.memory_space<vmem_shared>> -> memref<8x128xf32, #tpu.memory_space<vmem_shared>>
        %dma_wait3A_52 = arith.constant 0 : i32
        %dma_wait3A_53 = tpu.memref_slice %arg10[%add3A_47, %dma_wait3A_52] : memref<10112x128xf32, #tpu.memory_space<vmem_shared>> -> memref<8x128xf32, #tpu.memory_space<vmem_shared>>
        tpu.wait_dma2 semaphore(%run_scoped3A : memref<!tpu.dma_semaphore, #tpu.memory_space<semaphore_mem>>) src(%arg9 : memref<8x128xf32, #tpu.memory_space<vmem>>) dst(%dma_wait3A_53 : memref<8x128xf32, #tpu.memory_space<vmem_shared>>)
        tpu.yield
      }) : () -> ()
    }
    %scan3A_12 = arith.constant 79 : i32
    %delay3A_13 = arith.constant 10000 : i32
    tpu.delay %delay3A_13
    %barrier3A = arith.constant 0 : index
    tpu.barrier barrier_id(%barrier3A)
    %mul3A_14 = arith.constant 80 : i32
    %mul3A_15 = arith.muli %add3A, %mul3A_14 : i32
    %add3A_16 = arith.constant 0 : i32
    %add3A_17 = arith.addi %mul3A_15, %add3A_16 : i32
    "tpu.region"() ({
      %run_scoped3A = tpu.sem_alloc : memref<!tpu.dma_semaphore, #tpu.memory_space<semaphore_mem>>
      %dma_start3A = arith.constant 0 : i32
      %dma_start3A_42 = tpu.memref_slice %arg3[%add3A_17, %dma_start3A] : memref<2560x128xi32, #tpu.memory_space<hbm>> -> memref<40x128xi32, #tpu.memory_space<hbm>>
      %dma_start3A_43 = arith.constant 0 : i32
      %dma_start3A_44 = tpu.memref_slice %arg3[%add3A_17, %dma_start3A_43] : memref<2560x128xi32, #tpu.memory_space<hbm>> -> memref<40x128xi32, #tpu.memory_space<hbm>>
      tpu.enqueue_dma source(%dma_start3A_44 : memref<40x128xi32, #tpu.memory_space<hbm>>) target(%arg6 : memref<40x128xi32, #tpu.memory_space<vmem>>) target_semaphore(%run_scoped3A : memref<!tpu.dma_semaphore, #tpu.memory_space<semaphore_mem>>)
      %dma_wait3A = arith.constant 0 : i32
      %dma_wait3A_45 = tpu.memref_slice %arg3[%add3A_17, %dma_wait3A] : memref<2560x128xi32, #tpu.memory_space<hbm>> -> memref<40x128xi32, #tpu.memory_space<hbm>>
      %dma_wait3A_46 = arith.constant 0 : i32
      %dma_wait3A_47 = tpu.memref_slice %arg3[%add3A_17, %dma_wait3A_46] : memref<2560x128xi32, #tpu.memory_space<hbm>> -> memref<40x128xi32, #tpu.memory_space<hbm>>
      tpu.wait_dma2 semaphore(%run_scoped3A : memref<!tpu.dma_semaphore, #tpu.memory_space<semaphore_mem>>) src(%dma_wait3A_47 : memref<40x128xi32, #tpu.memory_space<hbm>>) dst(%arg6 : memref<40x128xi32, #tpu.memory_space<vmem>>)
      tpu.yield
    }) : () -> ()
    "tpu.region"() ({
      %run_scoped3A = tpu.sem_alloc : memref<!tpu.dma_semaphore, #tpu.memory_space<semaphore_mem>>
      %dma_start3A = arith.constant 0 : i32
      %dma_start3A_42 = tpu.memref_slice %arg4[%add3A_17, %dma_start3A] : memref<2560x128xi32, #tpu.memory_space<hbm>> -> memref<40x128xi32, #tpu.memory_space<hbm>>
      %dma_start3A_43 = arith.constant 0 : i32
      %dma_start3A_44 = tpu.memref_slice %arg4[%add3A_17, %dma_start3A_43] : memref<2560x128xi32, #tpu.memory_space<hbm>> -> memref<40x128xi32, #tpu.memory_space<hbm>>
      tpu.enqueue_dma source(%dma_start3A_44 : memref<40x128xi32, #tpu.memory_space<hbm>>) target(%arg7 : memref<40x128xi32, #tpu.memory_space<vmem>>) target_semaphore(%run_scoped3A : memref<!tpu.dma_semaphore, #tpu.memory_space<semaphore_mem>>)
      %dma_wait3A = arith.constant 0 : i32
      %dma_wait3A_45 = tpu.memref_slice %arg4[%add3A_17, %dma_wait3A] : memref<2560x128xi32, #tpu.memory_space<hbm>> -> memref<40x128xi32, #tpu.memory_space<hbm>>
      %dma_wait3A_46 = arith.constant 0 : i32
      %dma_wait3A_47 = tpu.memref_slice %arg4[%add3A_17, %dma_wait3A_46] : memref<2560x128xi32, #tpu.memory_space<hbm>> -> memref<40x128xi32, #tpu.memory_space<hbm>>
      tpu.wait_dma2 semaphore(%run_scoped3A : memref<!tpu.dma_semaphore, #tpu.memory_space<semaphore_mem>>) src(%dma_wait3A_47 : memref<40x128xi32, #tpu.memory_space<hbm>>) dst(%arg7 : memref<40x128xi32, #tpu.memory_space<vmem>>)
      tpu.yield
    }) : () -> ()
    %scan3A_18 = arith.constant 0 : i32
    %scan3A_19 = arith.constant 0 : i32
    %scan3A_20 = arith.constant 20 : i32
    %scan3A_21 = arith.addi %scan3A_19, %scan3A_20 : i32
    %scan3A_22 = arith.constant 1 : i32
    scf.for %scan3A_42 = %scan3A_19 to %scan3A_21 step %scan3A_22  : i32 {
      %mul3A_43 = arith.constant 2 : i32
      %mul3A_44 = arith.muli %scan3A_42, %mul3A_43 : i32
      %add3A_45 = arith.constant 0 : i32
      %add3A_46 = arith.addi %mul3A_44, %add3A_45 : i32
      %dma_start3A = arith.constant 0 : i32
      %dma_start3A_47 = arith.constant 0 : i32
      %dma_start3A_48 = arith.constant 0 : i32
      %dma_start3A_49 = tpu.memref_slice %arg8[%dma_start3A, %dma_start3A_47, %dma_start3A_48] : memref<2x128x128xf32, #tpu.memory_space<vmem>> -> memref<1x128x128xf32, #tpu.memory_space<vmem>>
      %dma_start3A_50 = tpu.memref_squeeze %dma_start3A_49 : memref<1x128x128xf32, #tpu.memory_space<vmem>> -> memref<128x128xf32, #tpu.memory_space<vmem>>
      %dma_start3A_51 = arith.constant 0 : i32
      %dma_start3A_52 = tpu.memref_slice %arg6[%add3A_46, %dma_start3A_51] : memref<40x128xi32, #tpu.memory_space<vmem>> -> memref<1x128xi32, #tpu.memory_space<vmem>>
      %dma_start3A_53 = tpu.memref_squeeze %dma_start3A_52 : memref<1x128xi32, #tpu.memory_space<vmem>> -> memref<128xi32, #tpu.memory_space<vmem>>
      %dma_start3A_54 = arith.constant 0 : i32
      %dma_start3A_55 = arith.constant 0 : i32
      %dma_start3A_56 = tpu.memref_slice %arg2[%dma_start3A_54, %dma_start3A_55] : memref<10000x128xf32, #tpu.memory_space<hbm>> -> memref<10000x128xf32, #tpu.memory_space<hbm>>
      tpu.enqueue_indirect_dma source(%dma_start3A_56 : memref<10000x128xf32, #tpu.memory_space<hbm>>) target(%dma_start3A_50 : memref<128x128xf32, #tpu.memory_space<vmem>>) offsets(%dma_start3A_53 : memref<128xi32, #tpu.memory_space<vmem>>) semaphore(%arg11 : memref<!tpu.dma_semaphore, #tpu.memory_space<semaphore_mem>>)
      %add3A_57 = arith.constant 1 : i32
      %add3A_58 = arith.addi %mul3A_44, %add3A_57 : i32
      %dma_start3A_59 = arith.constant 1 : i32
      %dma_start3A_60 = arith.constant 0 : i32
      %dma_start3A_61 = arith.constant 0 : i32
      %dma_start3A_62 = tpu.memref_slice %arg8[%dma_start3A_59, %dma_start3A_60, %dma_start3A_61] : memref<2x128x128xf32, #tpu.memory_space<vmem>> -> memref<1x128x128xf32, #tpu.memory_space<vmem>>
      %dma_start3A_63 = tpu.memref_squeeze %dma_start3A_62 : memref<1x128x128xf32, #tpu.memory_space<vmem>> -> memref<128x128xf32, #tpu.memory_space<vmem>>
      %dma_start3A_64 = arith.constant 0 : i32
      %dma_start3A_65 = tpu.memref_slice %arg6[%add3A_58, %dma_start3A_64] : memref<40x128xi32, #tpu.memory_space<vmem>> -> memref<1x128xi32, #tpu.memory_space<vmem>>
      %dma_start3A_66 = tpu.memref_squeeze %dma_start3A_65 : memref<1x128xi32, #tpu.memory_space<vmem>> -> memref<128xi32, #tpu.memory_space<vmem>>
      %dma_start3A_67 = arith.constant 0 : i32
      %dma_start3A_68 = arith.constant 0 : i32
      %dma_start3A_69 = tpu.memref_slice %arg2[%dma_start3A_67, %dma_start3A_68] : memref<10000x128xf32, #tpu.memory_space<hbm>> -> memref<10000x128xf32, #tpu.memory_space<hbm>>
      tpu.enqueue_indirect_dma source(%dma_start3A_69 : memref<10000x128xf32, #tpu.memory_space<hbm>>) target(%dma_start3A_63 : memref<128x128xf32, #tpu.memory_space<vmem>>) offsets(%dma_start3A_66 : memref<128xi32, #tpu.memory_space<vmem>>) semaphore(%arg12 : memref<!tpu.dma_semaphore, #tpu.memory_space<semaphore_mem>>)
      %dma_wait3A = arith.constant 0 : i32
      %dma_wait3A_70 = arith.constant 0 : i32
      %dma_wait3A_71 = arith.constant 0 : i32
      %dma_wait3A_72 = tpu.memref_slice %arg8[%dma_wait3A, %dma_wait3A_70, %dma_wait3A_71] : memref<2x128x128xf32, #tpu.memory_space<vmem>> -> memref<1x128x128xf32, #tpu.memory_space<vmem>>
      %dma_wait3A_73 = tpu.memref_squeeze %dma_wait3A_72 : memref<1x128x128xf32, #tpu.memory_space<vmem>> -> memref<128x128xf32, #tpu.memory_space<vmem>>
      %dma_wait3A_74 = arith.constant 0 : i32
      %dma_wait3A_75 = tpu.memref_slice %arg6[%add3A_46, %dma_wait3A_74] : memref<40x128xi32, #tpu.memory_space<vmem>> -> memref<1x128xi32, #tpu.memory_space<vmem>>
      %dma_wait3A_76 = tpu.memref_squeeze %dma_wait3A_75 : memref<1x128xi32, #tpu.memory_space<vmem>> -> memref<128xi32, #tpu.memory_space<vmem>>
      %dma_wait3A_77 = arith.constant 0 : i32
      %dma_wait3A_78 = arith.constant 0 : i32
      %dma_wait3A_79 = tpu.memref_slice %arg2[%dma_wait3A_77, %dma_wait3A_78] : memref<10000x128xf32, #tpu.memory_space<hbm>> -> memref<10000x128xf32, #tpu.memory_space<hbm>>
      tpu.wait_indirect_dma semaphore(%arg11 : memref<!tpu.dma_semaphore, #tpu.memory_space<semaphore_mem>>) src(%dma_wait3A_79 : memref<10000x128xf32, #tpu.memory_space<hbm>>) dst(%dma_wait3A_73 : memref<128x128xf32, #tpu.memory_space<vmem>>)
      %add3A_80 = arith.constant 0 : i32
      %add3A_81 = arith.addi %mul3A_44, %add3A_80 : i32
      %dma_start3A_82 = arith.constant 0 : i32
      %dma_start3A_83 = arith.constant 0 : i32
      %dma_start3A_84 = arith.constant 0 : i32
      %dma_start3A_85 = tpu.memref_slice %arg8[%dma_start3A_82, %dma_start3A_83, %dma_start3A_84] : memref<2x128x128xf32, #tpu.memory_space<vmem>> -> memref<1x128x128xf32, #tpu.memory_space<vmem>>
      %dma_start3A_86 = tpu.memref_squeeze %dma_start3A_85 : memref<1x128x128xf32, #tpu.memory_space<vmem>> -> memref<128x128xf32, #tpu.memory_space<vmem>>
      %dma_start3A_87 = arith.constant 0 : i32
      %dma_start3A_88 = tpu.memref_slice %arg7[%add3A_81, %dma_start3A_87] : memref<40x128xi32, #tpu.memory_space<vmem>> -> memref<1x128xi32, #tpu.memory_space<vmem>>
      %dma_start3A_89 = tpu.memref_squeeze %dma_start3A_88 : memref<1x128xi32, #tpu.memory_space<vmem>> -> memref<128xi32, #tpu.memory_space<vmem>>
      %dma_start3A_90 = arith.constant 0 : i32
      %dma_start3A_91 = arith.constant 0 : i32
      %dma_start3A_92 = tpu.memref_slice %arg10[%dma_start3A_90, %dma_start3A_91] : memref<10112x128xf32, #tpu.memory_space<vmem_shared>> -> memref<10112x128xf32, #tpu.memory_space<vmem_shared>>
      tpu.enqueue_indirect_dma source(%dma_start3A_86 : memref<128x128xf32, #tpu.memory_space<vmem>>) target(%dma_start3A_92 : memref<10112x128xf32, #tpu.memory_space<vmem_shared>>) offsets(%dma_start3A_89 : memref<128xi32, #tpu.memory_space<vmem>>) semaphore(%arg13 : memref<!tpu.dma_semaphore, #tpu.memory_space<semaphore_mem>>) {add = true}
      %dma_wait3A_93 = arith.constant 1 : i32
      %dma_wait3A_94 = arith.constant 0 : i32
      %dma_wait3A_95 = arith.constant 0 : i32
      %dma_wait3A_96 = tpu.memref_slice %arg8[%dma_wait3A_93, %dma_wait3A_94, %dma_wait3A_95] : memref<2x128x128xf32, #tpu.memory_space<vmem>> -> memref<1x128x128xf32, #tpu.memory_space<vmem>>
      %dma_wait3A_97 = tpu.memref_squeeze %dma_wait3A_96 : memref<1x128x128xf32, #tpu.memory_space<vmem>> -> memref<128x128xf32, #tpu.memory_space<vmem>>
      %dma_wait3A_98 = arith.constant 0 : i32
      %dma_wait3A_99 = tpu.memref_slice %arg6[%add3A_58, %dma_wait3A_98] : memref<40x128xi32, #tpu.memory_space<vmem>> -> memref<1x128xi32, #tpu.memory_space<vmem>>
      %dma_wait3A_100 = tpu.memref_squeeze %dma_wait3A_99 : memref<1x128xi32, #tpu.memory_space<vmem>> -> memref<128xi32, #tpu.memory_space<vmem>>
      %dma_wait3A_101 = arith.constant 0 : i32
      %dma_wait3A_102 = arith.constant 0 : i32
      %dma_wait3A_103 = tpu.memref_slice %arg2[%dma_wait3A_101, %dma_wait3A_102] : memref<10000x128xf32, #tpu.memory_space<hbm>> -> memref<10000x128xf32, #tpu.memory_space<hbm>>
      tpu.wait_indirect_dma semaphore(%arg12 : memref<!tpu.dma_semaphore, #tpu.memory_space<semaphore_mem>>) src(%dma_wait3A_103 : memref<10000x128xf32, #tpu.memory_space<hbm>>) dst(%dma_wait3A_97 : memref<128x128xf32, #tpu.memory_space<vmem>>)
      %add3A_104 = arith.constant 1 : i32
      %add3A_105 = arith.addi %mul3A_44, %add3A_104 : i32
      %dma_start3A_106 = arith.constant 1 : i32
      %dma_start3A_107 = arith.constant 0 : i32
      %dma_start3A_108 = arith.constant 0 : i32
      %dma_start3A_109 = tpu.memref_slice %arg8[%dma_start3A_106, %dma_start3A_107, %dma_start3A_108] : memref<2x128x128xf32, #tpu.memory_space<vmem>> -> memref<1x128x128xf32, #tpu.memory_space<vmem>>
      %dma_start3A_110 = tpu.memref_squeeze %dma_start3A_109 : memref<1x128x128xf32, #tpu.memory_space<vmem>> -> memref<128x128xf32, #tpu.memory_space<vmem>>
      %dma_start3A_111 = arith.constant 0 : i32
      %dma_start3A_112 = tpu.memref_slice %arg7[%add3A_105, %dma_start3A_111] : memref<40x128xi32, #tpu.memory_space<vmem>> -> memref<1x128xi32, #tpu.memory_space<vmem>>
      %dma_start3A_113 = tpu.memref_squeeze %dma_start3A_112 : memref<1x128xi32, #tpu.memory_space<vmem>> -> memref<128xi32, #tpu.memory_space<vmem>>
      %dma_start3A_114 = arith.constant 0 : i32
      %dma_start3A_115 = arith.constant 0 : i32
      %dma_start3A_116 = tpu.memref_slice %arg10[%dma_start3A_114, %dma_start3A_115] : memref<10112x128xf32, #tpu.memory_space<vmem_shared>> -> memref<10112x128xf32, #tpu.memory_space<vmem_shared>>
      tpu.enqueue_indirect_dma source(%dma_start3A_110 : memref<128x128xf32, #tpu.memory_space<vmem>>) target(%dma_start3A_116 : memref<10112x128xf32, #tpu.memory_space<vmem_shared>>) offsets(%dma_start3A_113 : memref<128xi32, #tpu.memory_space<vmem>>) semaphore(%arg14 : memref<!tpu.dma_semaphore, #tpu.memory_space<semaphore_mem>>) {add = true}
      %dma_wait3A_117 = arith.constant 0 : i32
      %dma_wait3A_118 = arith.constant 0 : i32
      %dma_wait3A_119 = arith.constant 0 : i32
      %dma_wait3A_120 = tpu.memref_slice %arg8[%dma_wait3A_117, %dma_wait3A_118, %dma_wait3A_119] : memref<2x128x128xf32, #tpu.memory_space<vmem>> -> memref<1x128x128xf32, #tpu.memory_space<vmem>>
      %dma_wait3A_121 = tpu.memref_squeeze %dma_wait3A_120 : memref<1x128x128xf32, #tpu.memory_space<vmem>> -> memref<128x128xf32, #tpu.memory_space<vmem>>
      %dma_wait3A_122 = arith.constant 0 : i32
      %dma_wait3A_123 = tpu.memref_slice %arg7[%add3A_81, %dma_wait3A_122] : memref<40x128xi32, #tpu.memory_space<vmem>> -> memref<1x128xi32, #tpu.memory_space<vmem>>
      %dma_wait3A_124 = tpu.memref_squeeze %dma_wait3A_123 : memref<1x128xi32, #tpu.memory_space<vmem>> -> memref<128xi32, #tpu.memory_space<vmem>>
      %dma_wait3A_125 = arith.constant 0 : i32
      %dma_wait3A_126 = arith.constant 0 : i32
      %dma_wait3A_127 = tpu.memref_slice %arg10[%dma_wait3A_125, %dma_wait3A_126] : memref<10112x128xf32, #tpu.memory_space<vmem_shared>> -> memref<10112x128xf32, #tpu.memory_space<vmem_shared>>
      tpu.wait_indirect_dma semaphore(%arg13 : memref<!tpu.dma_semaphore, #tpu.memory_space<semaphore_mem>>) src(%dma_wait3A_121 : memref<128x128xf32, #tpu.memory_space<vmem>>) dst(%dma_wait3A_127 : memref<10112x128xf32, #tpu.memory_space<vmem_shared>>)
      %dma_wait3A_128 = arith.constant 1 : i32
      %dma_wait3A_129 = arith.constant 0 : i32
      %dma_wait3A_130 = arith.constant 0 : i32
      %dma_wait3A_131 = tpu.memref_slice %arg8[%dma_wait3A_128, %dma_wait3A_129, %dma_wait3A_130] : memref<2x128x128xf32, #tpu.memory_space<vmem>> -> memref<1x128x128xf32, #tpu.memory_space<vmem>>
      %dma_wait3A_132 = tpu.memref_squeeze %dma_wait3A_131 : memref<1x128x128xf32, #tpu.memory_space<vmem>> -> memref<128x128xf32, #tpu.memory_space<vmem>>
      %dma_wait3A_133 = arith.constant 0 : i32
      %dma_wait3A_134 = tpu.memref_slice %arg7[%add3A_105, %dma_wait3A_133] : memref<40x128xi32, #tpu.memory_space<vmem>> -> memref<1x128xi32, #tpu.memory_space<vmem>>
      %dma_wait3A_135 = tpu.memref_squeeze %dma_wait3A_134 : memref<1x128xi32, #tpu.memory_space<vmem>> -> memref<128xi32, #tpu.memory_space<vmem>>
      %dma_wait3A_136 = arith.constant 0 : i32
      %dma_wait3A_137 = arith.constant 0 : i32
      %dma_wait3A_138 = tpu.memref_slice %arg10[%dma_wait3A_136, %dma_wait3A_137] : memref<10112x128xf32, #tpu.memory_space<vmem_shared>> -> memref<10112x128xf32, #tpu.memory_space<vmem_shared>>
      tpu.wait_indirect_dma semaphore(%arg14 : memref<!tpu.dma_semaphore, #tpu.memory_space<semaphore_mem>>) src(%dma_wait3A_132 : memref<128x128xf32, #tpu.memory_space<vmem>>) dst(%dma_wait3A_138 : memref<10112x128xf32, #tpu.memory_space<vmem_shared>>)
    }
    %scan3A_23 = arith.constant 20 : i32
    %mul3A_24 = arith.constant 80 : i32
    %mul3A_25 = arith.muli %add3A, %mul3A_24 : i32
    %add3A_26 = arith.constant 40 : i32
    %add3A_27 = arith.addi %mul3A_25, %add3A_26 : i32
    "tpu.region"() ({
      %run_scoped3A = tpu.sem_alloc : memref<!tpu.dma_semaphore, #tpu.memory_space<semaphore_mem>>
      %dma_start3A = arith.constant 0 : i32
      %dma_start3A_42 = tpu.memref_slice %arg3[%add3A_27, %dma_start3A] : memref<2560x128xi32, #tpu.memory_space<hbm>> -> memref<40x128xi32, #tpu.memory_space<hbm>>
      %dma_start3A_43 = arith.constant 0 : i32
      %dma_start3A_44 = tpu.memref_slice %arg3[%add3A_27, %dma_start3A_43] : memref<2560x128xi32, #tpu.memory_space<hbm>> -> memref<40x128xi32, #tpu.memory_space<hbm>>
      tpu.enqueue_dma source(%dma_start3A_44 : memref<40x128xi32, #tpu.memory_space<hbm>>) target(%arg6 : memref<40x128xi32, #tpu.memory_space<vmem>>) target_semaphore(%run_scoped3A : memref<!tpu.dma_semaphore, #tpu.memory_space<semaphore_mem>>)
      %dma_wait3A = arith.constant 0 : i32
      %dma_wait3A_45 = tpu.memref_slice %arg3[%add3A_27, %dma_wait3A] : memref<2560x128xi32, #tpu.memory_space<hbm>> -> memref<40x128xi32, #tpu.memory_space<hbm>>
      %dma_wait3A_46 = arith.constant 0 : i32
      %dma_wait3A_47 = tpu.memref_slice %arg3[%add3A_27, %dma_wait3A_46] : memref<2560x128xi32, #tpu.memory_space<hbm>> -> memref<40x128xi32, #tpu.memory_space<hbm>>
      tpu.wait_dma2 semaphore(%run_scoped3A : memref<!tpu.dma_semaphore, #tpu.memory_space<semaphore_mem>>) src(%dma_wait3A_47 : memref<40x128xi32, #tpu.memory_space<hbm>>) dst(%arg6 : memref<40x128xi32, #tpu.memory_space<vmem>>)
      tpu.yield
    }) : () -> ()
    "tpu.region"() ({
      %run_scoped3A = tpu.sem_alloc : memref<!tpu.dma_semaphore, #tpu.memory_space<semaphore_mem>>
      %dma_start3A = arith.constant 0 : i32
      %dma_start3A_42 = tpu.memref_slice %arg4[%add3A_27, %dma_start3A] : memref<2560x128xi32, #tpu.memory_space<hbm>> -> memref<40x128xi32, #tpu.memory_space<hbm>>
      %dma_start3A_43 = arith.constant 0 : i32
      %dma_start3A_44 = tpu.memref_slice %arg4[%add3A_27, %dma_start3A_43] : memref<2560x128xi32, #tpu.memory_space<hbm>> -> memref<40x128xi32, #tpu.memory_space<hbm>>
      tpu.enqueue_dma source(%dma_start3A_44 : memref<40x128xi32, #tpu.memory_space<hbm>>) target(%arg7 : memref<40x128xi32, #tpu.memory_space<vmem>>) target_semaphore(%run_scoped3A : memref<!tpu.dma_semaphore, #tpu.memory_space<semaphore_mem>>)
      %dma_wait3A = arith.constant 0 : i32
      %dma_wait3A_45 = tpu.memref_slice %arg4[%add3A_27, %dma_wait3A] : memref<2560x128xi32, #tpu.memory_space<hbm>> -> memref<40x128xi32, #tpu.memory_space<hbm>>
      %dma_wait3A_46 = arith.constant 0 : i32
      %dma_wait3A_47 = tpu.memref_slice %arg4[%add3A_27, %dma_wait3A_46] : memref<2560x128xi32, #tpu.memory_space<hbm>> -> memref<40x128xi32, #tpu.memory_space<hbm>>
      tpu.wait_dma2 semaphore(%run_scoped3A : memref<!tpu.dma_semaphore, #tpu.memory_space<semaphore_mem>>) src(%dma_wait3A_47 : memref<40x128xi32, #tpu.memory_space<hbm>>) dst(%arg7 : memref<40x128xi32, #tpu.memory_space<vmem>>)
      tpu.yield
    }) : () -> ()
    %scan3A_28 = arith.constant 0 : i32
    %scan3A_29 = arith.constant 0 : i32
    %scan3A_30 = arith.constant 20 : i32
    %scan3A_31 = arith.addi %scan3A_29, %scan3A_30 : i32
    %scan3A_32 = arith.constant 1 : i32
    scf.for %scan3A_42 = %scan3A_29 to %scan3A_31 step %scan3A_32  : i32 {
      %mul3A_43 = arith.constant 2 : i32
      %mul3A_44 = arith.muli %scan3A_42, %mul3A_43 : i32
      %add3A_45 = arith.constant 0 : i32
      %add3A_46 = arith.addi %mul3A_44, %add3A_45 : i32
      %dma_start3A = arith.constant 0 : i32
      %dma_start3A_47 = arith.constant 0 : i32
      %dma_start3A_48 = arith.constant 0 : i32
      %dma_start3A_49 = tpu.memref_slice %arg8[%dma_start3A, %dma_start3A_47, %dma_start3A_48] : memref<2x128x128xf32, #tpu.memory_space<vmem>> -> memref<1x128x128xf32, #tpu.memory_space<vmem>>
      %dma_start3A_50 = tpu.memref_squeeze %dma_start3A_49 : memref<1x128x128xf32, #tpu.memory_space<vmem>> -> memref<128x128xf32, #tpu.memory_space<vmem>>
      %dma_start3A_51 = arith.constant 0 : i32
      %dma_start3A_52 = tpu.memref_slice %arg6[%add3A_46, %dma_start3A_51] : memref<40x128xi32, #tpu.memory_space<vmem>> -> memref<1x128xi32, #tpu.memory_space<vmem>>
      %dma_start3A_53 = tpu.memref_squeeze %dma_start3A_52 : memref<1x128xi32, #tpu.memory_space<vmem>> -> memref<128xi32, #tpu.memory_space<vmem>>
      %dma_start3A_54 = arith.constant 0 : i32
      %dma_start3A_55 = arith.constant 0 : i32
      %dma_start3A_56 = tpu.memref_slice %arg2[%dma_start3A_54, %dma_start3A_55] : memref<10000x128xf32, #tpu.memory_space<hbm>> -> memref<10000x128xf32, #tpu.memory_space<hbm>>
      tpu.enqueue_indirect_dma source(%dma_start3A_56 : memref<10000x128xf32, #tpu.memory_space<hbm>>) target(%dma_start3A_50 : memref<128x128xf32, #tpu.memory_space<vmem>>) offsets(%dma_start3A_53 : memref<128xi32, #tpu.memory_space<vmem>>) semaphore(%arg11 : memref<!tpu.dma_semaphore, #tpu.memory_space<semaphore_mem>>)
      %add3A_57 = arith.constant 1 : i32
      %add3A_58 = arith.addi %mul3A_44, %add3A_57 : i32
      %dma_start3A_59 = arith.constant 1 : i32
      %dma_start3A_60 = arith.constant 0 : i32
      %dma_start3A_61 = arith.constant 0 : i32
      %dma_start3A_62 = tpu.memref_slice %arg8[%dma_start3A_59, %dma_start3A_60, %dma_start3A_61] : memref<2x128x128xf32, #tpu.memory_space<vmem>> -> memref<1x128x128xf32, #tpu.memory_space<vmem>>
      %dma_start3A_63 = tpu.memref_squeeze %dma_start3A_62 : memref<1x128x128xf32, #tpu.memory_space<vmem>> -> memref<128x128xf32, #tpu.memory_space<vmem>>
      %dma_start3A_64 = arith.constant 0 : i32
      %dma_start3A_65 = tpu.memref_slice %arg6[%add3A_58, %dma_start3A_64] : memref<40x128xi32, #tpu.memory_space<vmem>> -> memref<1x128xi32, #tpu.memory_space<vmem>>
      %dma_start3A_66 = tpu.memref_squeeze %dma_start3A_65 : memref<1x128xi32, #tpu.memory_space<vmem>> -> memref<128xi32, #tpu.memory_space<vmem>>
      %dma_start3A_67 = arith.constant 0 : i32
      %dma_start3A_68 = arith.constant 0 : i32
      %dma_start3A_69 = tpu.memref_slice %arg2[%dma_start3A_67, %dma_start3A_68] : memref<10000x128xf32, #tpu.memory_space<hbm>> -> memref<10000x128xf32, #tpu.memory_space<hbm>>
      tpu.enqueue_indirect_dma source(%dma_start3A_69 : memref<10000x128xf32, #tpu.memory_space<hbm>>) target(%dma_start3A_63 : memref<128x128xf32, #tpu.memory_space<vmem>>) offsets(%dma_start3A_66 : memref<128xi32, #tpu.memory_space<vmem>>) semaphore(%arg12 : memref<!tpu.dma_semaphore, #tpu.memory_space<semaphore_mem>>)
      %dma_wait3A = arith.constant 0 : i32
      %dma_wait3A_70 = arith.constant 0 : i32
      %dma_wait3A_71 = arith.constant 0 : i32
      %dma_wait3A_72 = tpu.memref_slice %arg8[%dma_wait3A, %dma_wait3A_70, %dma_wait3A_71] : memref<2x128x128xf32, #tpu.memory_space<vmem>> -> memref<1x128x128xf32, #tpu.memory_space<vmem>>
      %dma_wait3A_73 = tpu.memref_squeeze %dma_wait3A_72 : memref<1x128x128xf32, #tpu.memory_space<vmem>> -> memref<128x128xf32, #tpu.memory_space<vmem>>
      %dma_wait3A_74 = arith.constant 0 : i32
      %dma_wait3A_75 = tpu.memref_slice %arg6[%add3A_46, %dma_wait3A_74] : memref<40x128xi32, #tpu.memory_space<vmem>> -> memref<1x128xi32, #tpu.memory_space<vmem>>
      %dma_wait3A_76 = tpu.memref_squeeze %dma_wait3A_75 : memref<1x128xi32, #tpu.memory_space<vmem>> -> memref<128xi32, #tpu.memory_space<vmem>>
      %dma_wait3A_77 = arith.constant 0 : i32
      %dma_wait3A_78 = arith.constant 0 : i32
      %dma_wait3A_79 = tpu.memref_slice %arg2[%dma_wait3A_77, %dma_wait3A_78] : memref<10000x128xf32, #tpu.memory_space<hbm>> -> memref<10000x128xf32, #tpu.memory_space<hbm>>
      tpu.wait_indirect_dma semaphore(%arg11 : memref<!tpu.dma_semaphore, #tpu.memory_space<semaphore_mem>>) src(%dma_wait3A_79 : memref<10000x128xf32, #tpu.memory_space<hbm>>) dst(%dma_wait3A_73 : memref<128x128xf32, #tpu.memory_space<vmem>>)
      %add3A_80 = arith.constant 0 : i32
      %add3A_81 = arith.addi %mul3A_44, %add3A_80 : i32
      %dma_start3A_82 = arith.constant 0 : i32
      %dma_start3A_83 = arith.constant 0 : i32
      %dma_start3A_84 = arith.constant 0 : i32
      %dma_start3A_85 = tpu.memref_slice %arg8[%dma_start3A_82, %dma_start3A_83, %dma_start3A_84] : memref<2x128x128xf32, #tpu.memory_space<vmem>> -> memref<1x128x128xf32, #tpu.memory_space<vmem>>
      %dma_start3A_86 = tpu.memref_squeeze %dma_start3A_85 : memref<1x128x128xf32, #tpu.memory_space<vmem>> -> memref<128x128xf32, #tpu.memory_space<vmem>>
      %dma_start3A_87 = arith.constant 0 : i32
      %dma_start3A_88 = tpu.memref_slice %arg7[%add3A_81, %dma_start3A_87] : memref<40x128xi32, #tpu.memory_space<vmem>> -> memref<1x128xi32, #tpu.memory_space<vmem>>
      %dma_start3A_89 = tpu.memref_squeeze %dma_start3A_88 : memref<1x128xi32, #tpu.memory_space<vmem>> -> memref<128xi32, #tpu.memory_space<vmem>>
      %dma_start3A_90 = arith.constant 0 : i32
      %dma_start3A_91 = arith.constant 0 : i32
      %dma_start3A_92 = tpu.memref_slice %arg10[%dma_start3A_90, %dma_start3A_91] : memref<10112x128xf32, #tpu.memory_space<vmem_shared>> -> memref<10112x128xf32, #tpu.memory_space<vmem_shared>>
      tpu.enqueue_indirect_dma source(%dma_start3A_86 : memref<128x128xf32, #tpu.memory_space<vmem>>) target(%dma_start3A_92 : memref<10112x128xf32, #tpu.memory_space<vmem_shared>>) offsets(%dma_start3A_89 : memref<128xi32, #tpu.memory_space<vmem>>) semaphore(%arg13 : memref<!tpu.dma_semaphore, #tpu.memory_space<semaphore_mem>>) {add = true}
      %dma_wait3A_93 = arith.constant 1 : i32
      %dma_wait3A_94 = arith.constant 0 : i32
      %dma_wait3A_95 = arith.constant 0 : i32
      %dma_wait3A_96 = tpu.memref_slice %arg8[%dma_wait3A_93, %dma_wait3A_94, %dma_wait3A_95] : memref<2x128x128xf32, #tpu.memory_space<vmem>> -> memref<1x128x128xf32, #tpu.memory_space<vmem>>
      %dma_wait3A_97 = tpu.memref_squeeze %dma_wait3A_96 : memref<1x128x128xf32, #tpu.memory_space<vmem>> -> memref<128x128xf32, #tpu.memory_space<vmem>>
      %dma_wait3A_98 = arith.constant 0 : i32
      %dma_wait3A_99 = tpu.memref_slice %arg6[%add3A_58, %dma_wait3A_98] : memref<40x128xi32, #tpu.memory_space<vmem>> -> memref<1x128xi32, #tpu.memory_space<vmem>>
      %dma_wait3A_100 = tpu.memref_squeeze %dma_wait3A_99 : memref<1x128xi32, #tpu.memory_space<vmem>> -> memref<128xi32, #tpu.memory_space<vmem>>
      %dma_wait3A_101 = arith.constant 0 : i32
      %dma_wait3A_102 = arith.constant 0 : i32
      %dma_wait3A_103 = tpu.memref_slice %arg2[%dma_wait3A_101, %dma_wait3A_102] : memref<10000x128xf32, #tpu.memory_space<hbm>> -> memref<10000x128xf32, #tpu.memory_space<hbm>>
      tpu.wait_indirect_dma semaphore(%arg12 : memref<!tpu.dma_semaphore, #tpu.memory_space<semaphore_mem>>) src(%dma_wait3A_103 : memref<10000x128xf32, #tpu.memory_space<hbm>>) dst(%dma_wait3A_97 : memref<128x128xf32, #tpu.memory_space<vmem>>)
      %add3A_104 = arith.constant 1 : i32
      %add3A_105 = arith.addi %mul3A_44, %add3A_104 : i32
      %dma_start3A_106 = arith.constant 1 : i32
      %dma_start3A_107 = arith.constant 0 : i32
      %dma_start3A_108 = arith.constant 0 : i32
      %dma_start3A_109 = tpu.memref_slice %arg8[%dma_start3A_106, %dma_start3A_107, %dma_start3A_108] : memref<2x128x128xf32, #tpu.memory_space<vmem>> -> memref<1x128x128xf32, #tpu.memory_space<vmem>>
      %dma_start3A_110 = tpu.memref_squeeze %dma_start3A_109 : memref<1x128x128xf32, #tpu.memory_space<vmem>> -> memref<128x128xf32, #tpu.memory_space<vmem>>
      %dma_start3A_111 = arith.constant 0 : i32
      %dma_start3A_112 = tpu.memref_slice %arg7[%add3A_105, %dma_start3A_111] : memref<40x128xi32, #tpu.memory_space<vmem>> -> memref<1x128xi32, #tpu.memory_space<vmem>>
      %dma_start3A_113 = tpu.memref_squeeze %dma_start3A_112 : memref<1x128xi32, #tpu.memory_space<vmem>> -> memref<128xi32, #tpu.memory_space<vmem>>
      %dma_start3A_114 = arith.constant 0 : i32
      %dma_start3A_115 = arith.constant 0 : i32
      %dma_start3A_116 = tpu.memref_slice %arg10[%dma_start3A_114, %dma_start3A_115] : memref<10112x128xf32, #tpu.memory_space<vmem_shared>> -> memref<10112x128xf32, #tpu.memory_space<vmem_shared>>
      tpu.enqueue_indirect_dma source(%dma_start3A_110 : memref<128x128xf32, #tpu.memory_space<vmem>>) target(%dma_start3A_116 : memref<10112x128xf32, #tpu.memory_space<vmem_shared>>) offsets(%dma_start3A_113 : memref<128xi32, #tpu.memory_space<vmem>>) semaphore(%arg14 : memref<!tpu.dma_semaphore, #tpu.memory_space<semaphore_mem>>) {add = true}
      %dma_wait3A_117 = arith.constant 0 : i32
      %dma_wait3A_118 = arith.constant 0 : i32
      %dma_wait3A_119 = arith.constant 0 : i32
      %dma_wait3A_120 = tpu.memref_slice %arg8[%dma_wait3A_117, %dma_wait3A_118, %dma_wait3A_119] : memref<2x128x128xf32, #tpu.memory_space<vmem>> -> memref<1x128x128xf32, #tpu.memory_space<vmem>>
      %dma_wait3A_121 = tpu.memref_squeeze %dma_wait3A_120 : memref<1x128x128xf32, #tpu.memory_space<vmem>> -> memref<128x128xf32, #tpu.memory_space<vmem>>
      %dma_wait3A_122 = arith.constant 0 : i32
      %dma_wait3A_123 = tpu.memref_slice %arg7[%add3A_81, %dma_wait3A_122] : memref<40x128xi32, #tpu.memory_space<vmem>> -> memref<1x128xi32, #tpu.memory_space<vmem>>
      %dma_wait3A_124 = tpu.memref_squeeze %dma_wait3A_123 : memref<1x128xi32, #tpu.memory_space<vmem>> -> memref<128xi32, #tpu.memory_space<vmem>>
      %dma_wait3A_125 = arith.constant 0 : i32
      %dma_wait3A_126 = arith.constant 0 : i32
      %dma_wait3A_127 = tpu.memref_slice %arg10[%dma_wait3A_125, %dma_wait3A_126] : memref<10112x128xf32, #tpu.memory_space<vmem_shared>> -> memref<10112x128xf32, #tpu.memory_space<vmem_shared>>
      tpu.wait_indirect_dma semaphore(%arg13 : memref<!tpu.dma_semaphore, #tpu.memory_space<semaphore_mem>>) src(%dma_wait3A_121 : memref<128x128xf32, #tpu.memory_space<vmem>>) dst(%dma_wait3A_127 : memref<10112x128xf32, #tpu.memory_space<vmem_shared>>)
      %dma_wait3A_128 = arith.constant 1 : i32
      %dma_wait3A_129 = arith.constant 0 : i32
      %dma_wait3A_130 = arith.constant 0 : i32
      %dma_wait3A_131 = tpu.memref_slice %arg8[%dma_wait3A_128, %dma_wait3A_129, %dma_wait3A_130] : memref<2x128x128xf32, #tpu.memory_space<vmem>> -> memref<1x128x128xf32, #tpu.memory_space<vmem>>
      %dma_wait3A_132 = tpu.memref_squeeze %dma_wait3A_131 : memref<1x128x128xf32, #tpu.memory_space<vmem>> -> memref<128x128xf32, #tpu.memory_space<vmem>>
      %dma_wait3A_133 = arith.constant 0 : i32
      %dma_wait3A_134 = tpu.memref_slice %arg7[%add3A_105, %dma_wait3A_133] : memref<40x128xi32, #tpu.memory_space<vmem>> -> memref<1x128xi32, #tpu.memory_space<vmem>>
      %dma_wait3A_135 = tpu.memref_squeeze %dma_wait3A_134 : memref<1x128xi32, #tpu.memory_space<vmem>> -> memref<128xi32, #tpu.memory_space<vmem>>
      %dma_wait3A_136 = arith.constant 0 : i32
      %dma_wait3A_137 = arith.constant 0 : i32
      %dma_wait3A_138 = tpu.memref_slice %arg10[%dma_wait3A_136, %dma_wait3A_137] : memref<10112x128xf32, #tpu.memory_space<vmem_shared>> -> memref<10112x128xf32, #tpu.memory_space<vmem_shared>>
      tpu.wait_indirect_dma semaphore(%arg14 : memref<!tpu.dma_semaphore, #tpu.memory_space<semaphore_mem>>) src(%dma_wait3A_132 : memref<128x128xf32, #tpu.memory_space<vmem>>) dst(%dma_wait3A_138 : memref<10112x128xf32, #tpu.memory_space<vmem_shared>>)
    }
    %scan3A_33 = arith.constant 20 : i32
    %delay3A_34 = arith.constant 10000 : i32
    tpu.delay %delay3A_34
    %barrier3A_35 = arith.constant 0 : index
    tpu.barrier barrier_id(%barrier3A_35)
    %lt3A = arith.constant 15 : i32
    %lt3A_36 = arith.cmpi slt, %arg1, %lt3A : i32
    %convert_element_type3A = arith.extui %lt3A_36 : i1 to i32
    %cond3A = arith.constant 0 : i32
    %cond3A_37 = arith.cmpi ne, %convert_element_type3A, %cond3A : i32
    scf.if %cond3A_37 {
      %mul3A_42 = arith.constant 632 : i32
      %mul3A_43 = arith.muli %arg1, %mul3A_42 : i32
      %mul3A_44 = arith.constant 632 : i32
      %mul3A_45 = arith.muli %arg1, %mul3A_44 : i32
      "tpu.region"() ({
        %run_scoped3A = tpu.sem_alloc : memref<!tpu.dma_semaphore, #tpu.memory_space<semaphore_mem>>
        %dma_start3A = arith.constant 0 : i32
        %dma_start3A_46 = tpu.memref_slice %arg5[%arg0, %mul3A_45, %dma_start3A] : memref<2x10000x128xf32, #tpu.memory_space<hbm>> -> memref<1x632x128xf32, #tpu.memory_space<hbm>>
        %dma_start3A_47 = tpu.memref_squeeze %dma_start3A_46 : memref<1x632x128xf32, #tpu.memory_space<hbm>> -> memref<632x128xf32, #tpu.memory_space<hbm>>
        %dma_start3A_48 = arith.constant 0 : i32
        %dma_start3A_49 = tpu.memref_slice %arg10[%mul3A_43, %dma_start3A_48] : memref<10112x128xf32, #tpu.memory_space<vmem_shared>> -> memref<632x128xf32, #tpu.memory_space<vmem_shared>>
        tpu.enqueue_dma source(%dma_start3A_49 : memref<632x128xf32, #tpu.memory_space<vmem_shared>>) target(%dma_start3A_47 : memref<632x128xf32, #tpu.memory_space<hbm>>) target_semaphore(%run_scoped3A : memref<!tpu.dma_semaphore, #tpu.memory_space<semaphore_mem>>)
        %dma_wait3A = arith.constant 0 : i32
        %dma_wait3A_50 = tpu.memref_slice %arg5[%arg0, %mul3A_45, %dma_wait3A] : memref<2x10000x128xf32, #tpu.memory_space<hbm>> -> memref<1x632x128xf32, #tpu.memory_space<hbm>>
        %dma_wait3A_51 = tpu.memref_squeeze %dma_wait3A_50 : memref<1x632x128xf32, #tpu.memory_space<hbm>> -> memref<632x128xf32, #tpu.memory_space<hbm>>
        %dma_wait3A_52 = arith.constant 0 : i32
        %dma_wait3A_53 = tpu.memref_slice %arg10[%mul3A_43, %dma_wait3A_52] : memref<10112x128xf32, #tpu.memory_space<vmem_shared>> -> memref<632x128xf32, #tpu.memory_space<vmem_shared>>
        tpu.wait_dma2 semaphore(%run_scoped3A : memref<!tpu.dma_semaphore, #tpu.memory_space<semaphore_mem>>) src(%dma_wait3A_53 : memref<632x128xf32, #tpu.memory_space<vmem_shared>>) dst(%dma_wait3A_51 : memref<632x128xf32, #tpu.memory_space<hbm>>)
        tpu.yield
      }) : () -> ()
    } else {
    }
    %eq3A = arith.constant 15 : i32
    %eq3A_38 = arith.cmpi eq, %arg1, %eq3A : i32
    %convert_element_type3A_39 = arith.extui %eq3A_38 : i1 to i32
    %cond3A_40 = arith.constant 0 : i32
    %cond3A_41 = arith.cmpi ne, %convert_element_type3A_39, %cond3A_40 : i32
    scf.if %cond3A_41 {
      "tpu.region"() ({
        %run_scoped3A = tpu.sem_alloc : memref<!tpu.dma_semaphore, #tpu.memory_space<semaphore_mem>>
        %dma_start3A = arith.constant 9480 : i32
        %dma_start3A_42 = arith.constant 0 : i32
        %dma_start3A_43 = tpu.memref_slice %arg5[%arg0, %dma_start3A, %dma_start3A_42] : memref<2x10000x128xf32, #tpu.memory_space<hbm>> -> memref<1x520x128xf32, #tpu.memory_space<hbm>>
        %dma_start3A_44 = tpu.memref_squeeze %dma_start3A_43 : memref<1x520x128xf32, #tpu.memory_space<hbm>> -> memref<520x128xf32, #tpu.memory_space<hbm>>
        %dma_start3A_45 = arith.constant 9480 : i32
        %dma_start3A_46 = arith.constant 0 : i32
        %dma_start3A_47 = tpu.memref_slice %arg10[%dma_start3A_45, %dma_start3A_46] : memref<10112x128xf32, #tpu.memory_space<vmem_shared>> -> memref<520x128xf32, #tpu.memory_space<vmem_shared>>
        tpu.enqueue_dma source(%dma_start3A_47 : memref<520x128xf32, #tpu.memory_space<vmem_shared>>) target(%dma_start3A_44 : memref<520x128xf32, #tpu.memory_space<hbm>>) target_semaphore(%run_scoped3A : memref<!tpu.dma_semaphore, #tpu.memory_space<semaphore_mem>>)
        %dma_wait3A = arith.constant 9480 : i32
        %dma_wait3A_48 = arith.constant 0 : i32
        %dma_wait3A_49 = tpu.memref_slice %arg5[%arg0, %dma_wait3A, %dma_wait3A_48] : memref<2x10000x128xf32, #tpu.memory_space<hbm>> -> memref<1x520x128xf32, #tpu.memory_space<hbm>>
        %dma_wait3A_50 = tpu.memref_squeeze %dma_wait3A_49 : memref<1x520x128xf32, #tpu.memory_space<hbm>> -> memref<520x128xf32, #tpu.memory_space<hbm>>
        %dma_wait3A_51 = arith.constant 9480 : i32
        %dma_wait3A_52 = arith.constant 0 : i32
        %dma_wait3A_53 = tpu.memref_slice %arg10[%dma_wait3A_51, %dma_wait3A_52] : memref<10112x128xf32, #tpu.memory_space<vmem_shared>> -> memref<520x128xf32, #tpu.memory_space<vmem_shared>>
        tpu.wait_dma2 semaphore(%run_scoped3A : memref<!tpu.dma_semaphore, #tpu.memory_space<semaphore_mem>>) src(%dma_wait3A_53 : memref<520x128xf32, #tpu.memory_space<vmem_shared>>) dst(%dma_wait3A_50 : memref<520x128xf32, #tpu.memory_space<hbm>>)
        tpu.yield
      }) : () -> ()
    } else {
    }
    return
  }
}

#map = affine_map<(d0, d1) -> (0, 0)>
module attributes {stable_mosaic.version = 14 : i64} {
  func.func @k(%arg0: i32, %arg1: i32, %arg2: memref<2560x128xi32, #tpu.memory_space<hbm>>, %arg3: memref<2x10000xf32, #tpu.memory_space<hbm>>, %arg4: memref<80x128xi32, #tpu.memory_space<vmem>>, %arg5: memref<128xf32, #tpu.memory_space<vmem>>, %arg6: memref<632xf32, #tpu.memory_space<vmem>>, %arg7: memref<10112xf32, #tpu.memory_space<vmem_shared>>) attributes {dimension_semantics = [#tpu.dimension_semantics<core_parallel>, #tpu.dimension_semantics<subcore_parallel>], iteration_bounds = array<i64: 2, 16>, scalar_prefetch = 0 : i64, scratch_operands = 4 : i64, tpu.core_type = #tpu.core_type<sc_vector_subcore>, window_params = [{transform_indices = #map}, {transform_indices = #map}]} {
    %mul3A = arith.constant 16 : i32
    %mul3A_0 = arith.muli %arg0, %mul3A : i32
    %add3A = arith.addi %mul3A_0, %arg1 : i32
    %broadcast_in_dim3A = arith.constant 1.000000e+00 : f32
    %broadcast_in_dim3A_1 = vector.broadcast %broadcast_in_dim3A : f32 to vector<16xf32>
    %broadcast_in_dim3A_2 = arith.constant 0.000000e+00 : f32
    %broadcast_in_dim3A_3 = vector.broadcast %broadcast_in_dim3A_2 : f32 to vector<16xf32>
    %swap3A = arith.constant 0 : index
    %swap3A_4 = tpu.vector_load %arg5[%swap3A] {strides = array<i32>} : memref<128xf32, #tpu.memory_space<vmem>>, vector<16xf32>,
    %swap3A_5 = vector.shape_cast %swap3A_4 : vector<16xf32> to vector<16xf32>
    %swap3A_6 = vector.shape_cast %broadcast_in_dim3A_1 : vector<16xf32> to vector<16xf32>
    tpu.vector_store %arg5[%swap3A], %swap3A_6 {strides = array<i32>} : memref<128xf32, #tpu.memory_space<vmem>>, vector<16xf32>,
    %swap3A_7 = arith.constant 16 : index
    %swap3A_8 = tpu.vector_load %arg5[%swap3A_7] {strides = array<i32>} : memref<128xf32, #tpu.memory_space<vmem>>, vector<16xf32>,
    %swap3A_9 = vector.shape_cast %swap3A_8 : vector<16xf32> to vector<16xf32>
    %swap3A_10 = vector.shape_cast %broadcast_in_dim3A_1 : vector<16xf32> to vector<16xf32>
    tpu.vector_store %arg5[%swap3A_7], %swap3A_10 {strides = array<i32>} : memref<128xf32, #tpu.memory_space<vmem>>, vector<16xf32>,
    %swap3A_11 = arith.constant 32 : index
    %swap3A_12 = tpu.vector_load %arg5[%swap3A_11] {strides = array<i32>} : memref<128xf32, #tpu.memory_space<vmem>>, vector<16xf32>,
    %swap3A_13 = vector.shape_cast %swap3A_12 : vector<16xf32> to vector<16xf32>
    %swap3A_14 = vector.shape_cast %broadcast_in_dim3A_1 : vector<16xf32> to vector<16xf32>
    tpu.vector_store %arg5[%swap3A_11], %swap3A_14 {strides = array<i32>} : memref<128xf32, #tpu.memory_space<vmem>>, vector<16xf32>,
    %swap3A_15 = arith.constant 48 : index
    %swap3A_16 = tpu.vector_load %arg5[%swap3A_15] {strides = array<i32>} : memref<128xf32, #tpu.memory_space<vmem>>, vector<16xf32>,
    %swap3A_17 = vector.shape_cast %swap3A_16 : vector<16xf32> to vector<16xf32>
    %swap3A_18 = vector.shape_cast %broadcast_in_dim3A_1 : vector<16xf32> to vector<16xf32>
    tpu.vector_store %arg5[%swap3A_15], %swap3A_18 {strides = array<i32>} : memref<128xf32, #tpu.memory_space<vmem>>, vector<16xf32>,
    %swap3A_19 = arith.constant 64 : index
    %swap3A_20 = tpu.vector_load %arg5[%swap3A_19] {strides = array<i32>} : memref<128xf32, #tpu.memory_space<vmem>>, vector<16xf32>,
    %swap3A_21 = vector.shape_cast %swap3A_20 : vector<16xf32> to vector<16xf32>
    %swap3A_22 = vector.shape_cast %broadcast_in_dim3A_1 : vector<16xf32> to vector<16xf32>
    tpu.vector_store %arg5[%swap3A_19], %swap3A_22 {strides = array<i32>} : memref<128xf32, #tpu.memory_space<vmem>>, vector<16xf32>,
    %swap3A_23 = arith.constant 80 : index
    %swap3A_24 = tpu.vector_load %arg5[%swap3A_23] {strides = array<i32>} : memref<128xf32, #tpu.memory_space<vmem>>, vector<16xf32>,
    %swap3A_25 = vector.shape_cast %swap3A_24 : vector<16xf32> to vector<16xf32>
    %swap3A_26 = vector.shape_cast %broadcast_in_dim3A_1 : vector<16xf32> to vector<16xf32>
    tpu.vector_store %arg5[%swap3A_23], %swap3A_26 {strides = array<i32>} : memref<128xf32, #tpu.memory_space<vmem>>, vector<16xf32>,
    %swap3A_27 = arith.constant 96 : index
    %swap3A_28 = tpu.vector_load %arg5[%swap3A_27] {strides = array<i32>} : memref<128xf32, #tpu.memory_space<vmem>>, vector<16xf32>,
    %swap3A_29 = vector.shape_cast %swap3A_28 : vector<16xf32> to vector<16xf32>
    %swap3A_30 = vector.shape_cast %broadcast_in_dim3A_1 : vector<16xf32> to vector<16xf32>
    tpu.vector_store %arg5[%swap3A_27], %swap3A_30 {strides = array<i32>} : memref<128xf32, #tpu.memory_space<vmem>>, vector<16xf32>,
    %swap3A_31 = arith.constant 112 : index
    %swap3A_32 = tpu.vector_load %arg5[%swap3A_31] {strides = array<i32>} : memref<128xf32, #tpu.memory_space<vmem>>, vector<16xf32>,
    %swap3A_33 = vector.shape_cast %swap3A_32 : vector<16xf32> to vector<16xf32>
    %swap3A_34 = vector.shape_cast %broadcast_in_dim3A_1 : vector<16xf32> to vector<16xf32>
    tpu.vector_store %arg5[%swap3A_31], %swap3A_34 {strides = array<i32>} : memref<128xf32, #tpu.memory_space<vmem>>, vector<16xf32>,
    %swap3A_35 = arith.constant 0 : index
    %swap3A_36 = tpu.vector_load %arg6[%swap3A_35] {strides = array<i32>} : memref<632xf32, #tpu.memory_space<vmem>>, vector<16xf32>,
    %swap3A_37 = vector.shape_cast %swap3A_36 : vector<16xf32> to vector<16xf32>
    %swap3A_38 = vector.shape_cast %broadcast_in_dim3A_3 : vector<16xf32> to vector<16xf32>
    tpu.vector_store %arg6[%swap3A_35], %swap3A_38 {strides = array<i32>} : memref<632xf32, #tpu.memory_space<vmem>>, vector<16xf32>,
    %swap3A_39 = arith.constant 16 : index
    %swap3A_40 = tpu.vector_load %arg6[%swap3A_39] {strides = array<i32>} : memref<632xf32, #tpu.memory_space<vmem>>, vector<16xf32>,
    %swap3A_41 = vector.shape_cast %swap3A_40 : vector<16xf32> to vector<16xf32>
    %swap3A_42 = vector.shape_cast %broadcast_in_dim3A_3 : vector<16xf32> to vector<16xf32>
    tpu.vector_store %arg6[%swap3A_39], %swap3A_42 {strides = array<i32>} : memref<632xf32, #tpu.memory_space<vmem>>, vector<16xf32>,
    %swap3A_43 = arith.constant 32 : index
    %swap3A_44 = tpu.vector_load %arg6[%swap3A_43] {strides = array<i32>} : memref<632xf32, #tpu.memory_space<vmem>>, vector<16xf32>,
    %swap3A_45 = vector.shape_cast %swap3A_44 : vector<16xf32> to vector<16xf32>
    %swap3A_46 = vector.shape_cast %broadcast_in_dim3A_3 : vector<16xf32> to vector<16xf32>
    tpu.vector_store %arg6[%swap3A_43], %swap3A_46 {strides = array<i32>} : memref<632xf32, #tpu.memory_space<vmem>>, vector<16xf32>,
    %swap3A_47 = arith.constant 48 : index
    %swap3A_48 = tpu.vector_load %arg6[%swap3A_47] {strides = array<i32>} : memref<632xf32, #tpu.memory_space<vmem>>, vector<16xf32>,
    %swap3A_49 = vector.shape_cast %swap3A_48 : vector<16xf32> to vector<16xf32>
    %swap3A_50 = vector.shape_cast %broadcast_in_dim3A_3 : vector<16xf32> to vector<16xf32>
    tpu.vector_store %arg6[%swap3A_47], %swap3A_50 {strides = array<i32>} : memref<632xf32, #tpu.memory_space<vmem>>, vector<16xf32>,
    %swap3A_51 = arith.constant 64 : index
    %swap3A_52 = tpu.vector_load %arg6[%swap3A_51] {strides = array<i32>} : memref<632xf32, #tpu.memory_space<vmem>>, vector<16xf32>,
    %swap3A_53 = vector.shape_cast %swap3A_52 : vector<16xf32> to vector<16xf32>
    %swap3A_54 = vector.shape_cast %broadcast_in_dim3A_3 : vector<16xf32> to vector<16xf32>
    tpu.vector_store %arg6[%swap3A_51], %swap3A_54 {strides = array<i32>} : memref<632xf32, #tpu.memory_space<vmem>>, vector<16xf32>,
    %swap3A_55 = arith.constant 80 : index
    %swap3A_56 = tpu.vector_load %arg6[%swap3A_55] {strides = array<i32>} : memref<632xf32, #tpu.memory_space<vmem>>, vector<16xf32>,
    %swap3A_57 = vector.shape_cast %swap3A_56 : vector<16xf32> to vector<16xf32>
    %swap3A_58 = vector.shape_cast %broadcast_in_dim3A_3 : vector<16xf32> to vector<16xf32>
    tpu.vector_store %arg6[%swap3A_55], %swap3A_58 {strides = array<i32>} : memref<632xf32, #tpu.memory_space<vmem>>, vector<16xf32>,
    %swap3A_59 = arith.constant 96 : index
    %swap3A_60 = tpu.vector_load %arg6[%swap3A_59] {strides = array<i32>} : memref<632xf32, #tpu.memory_space<vmem>>, vector<16xf32>,
    %swap3A_61 = vector.shape_cast %swap3A_60 : vector<16xf32> to vector<16xf32>
    %swap3A_62 = vector.shape_cast %broadcast_in_dim3A_3 : vector<16xf32> to vector<16xf32>
    tpu.vector_store %arg6[%swap3A_59], %swap3A_62 {strides = array<i32>} : memref<632xf32, #tpu.memory_space<vmem>>, vector<16xf32>,
    %swap3A_63 = arith.constant 112 : index
    %swap3A_64 = tpu.vector_load %arg6[%swap3A_63] {strides = array<i32>} : memref<632xf32, #tpu.memory_space<vmem>>, vector<16xf32>,
    %swap3A_65 = vector.shape_cast %swap3A_64 : vector<16xf32> to vector<16xf32>
    %swap3A_66 = vector.shape_cast %broadcast_in_dim3A_3 : vector<16xf32> to vector<16xf32>
    tpu.vector_store %arg6[%swap3A_63], %swap3A_66 {strides = array<i32>} : memref<632xf32, #tpu.memory_space<vmem>>, vector<16xf32>,
    %swap3A_67 = arith.constant 128 : index
    %swap3A_68 = tpu.vector_load %arg6[%swap3A_67] {strides = array<i32>} : memref<632xf32, #tpu.memory_space<vmem>>, vector<16xf32>,
    %swap3A_69 = vector.shape_cast %swap3A_68 : vector<16xf32> to vector<16xf32>
    %swap3A_70 = vector.shape_cast %broadcast_in_dim3A_3 : vector<16xf32> to vector<16xf32>
    tpu.vector_store %arg6[%swap3A_67], %swap3A_70 {strides = array<i32>} : memref<632xf32, #tpu.memory_space<vmem>>, vector<16xf32>,
    %swap3A_71 = arith.constant 144 : index
    %swap3A_72 = tpu.vector_load %arg6[%swap3A_71] {strides = array<i32>} : memref<632xf32, #tpu.memory_space<vmem>>, vector<16xf32>,
    %swap3A_73 = vector.shape_cast %swap3A_72 : vector<16xf32> to vector<16xf32>
    %swap3A_74 = vector.shape_cast %broadcast_in_dim3A_3 : vector<16xf32> to vector<16xf32>
    tpu.vector_store %arg6[%swap3A_71], %swap3A_74 {strides = array<i32>} : memref<632xf32, #tpu.memory_space<vmem>>, vector<16xf32>,
    %swap3A_75 = arith.constant 160 : index
    %swap3A_76 = tpu.vector_load %arg6[%swap3A_75] {strides = array<i32>} : memref<632xf32, #tpu.memory_space<vmem>>, vector<16xf32>,
    %swap3A_77 = vector.shape_cast %swap3A_76 : vector<16xf32> to vector<16xf32>
    %swap3A_78 = vector.shape_cast %broadcast_in_dim3A_3 : vector<16xf32> to vector<16xf32>
    tpu.vector_store %arg6[%swap3A_75], %swap3A_78 {strides = array<i32>} : memref<632xf32, #tpu.memory_space<vmem>>, vector<16xf32>,
    %swap3A_79 = arith.constant 176 : index
    %swap3A_80 = tpu.vector_load %arg6[%swap3A_79] {strides = array<i32>} : memref<632xf32, #tpu.memory_space<vmem>>, vector<16xf32>,
    %swap3A_81 = vector.shape_cast %swap3A_80 : vector<16xf32> to vector<16xf32>
    %swap3A_82 = vector.shape_cast %broadcast_in_dim3A_3 : vector<16xf32> to vector<16xf32>
    tpu.vector_store %arg6[%swap3A_79], %swap3A_82 {strides = array<i32>} : memref<632xf32, #tpu.memory_space<vmem>>, vector<16xf32>,
    %swap3A_83 = arith.constant 192 : index
    %swap3A_84 = tpu.vector_load %arg6[%swap3A_83] {strides = array<i32>} : memref<632xf32, #tpu.memory_space<vmem>>, vector<16xf32>,
    %swap3A_85 = vector.shape_cast %swap3A_84 : vector<16xf32> to vector<16xf32>
    %swap3A_86 = vector.shape_cast %broadcast_in_dim3A_3 : vector<16xf32> to vector<16xf32>
    tpu.vector_store %arg6[%swap3A_83], %swap3A_86 {strides = array<i32>} : memref<632xf32, #tpu.memory_space<vmem>>, vector<16xf32>,
    %swap3A_87 = arith.constant 208 : index
    %swap3A_88 = tpu.vector_load %arg6[%swap3A_87] {strides = array<i32>} : memref<632xf32, #tpu.memory_space<vmem>>, vector<16xf32>,
    %swap3A_89 = vector.shape_cast %swap3A_88 : vector<16xf32> to vector<16xf32>
    %swap3A_90 = vector.shape_cast %broadcast_in_dim3A_3 : vector<16xf32> to vector<16xf32>
    tpu.vector_store %arg6[%swap3A_87], %swap3A_90 {strides = array<i32>} : memref<632xf32, #tpu.memory_space<vmem>>, vector<16xf32>,
    %swap3A_91 = arith.constant 224 : index
    %swap3A_92 = tpu.vector_load %arg6[%swap3A_91] {strides = array<i32>} : memref<632xf32, #tpu.memory_space<vmem>>, vector<16xf32>,
    %swap3A_93 = vector.shape_cast %swap3A_92 : vector<16xf32> to vector<16xf32>
    %swap3A_94 = vector.shape_cast %broadcast_in_dim3A_3 : vector<16xf32> to vector<16xf32>
    tpu.vector_store %arg6[%swap3A_91], %swap3A_94 {strides = array<i32>} : memref<632xf32, #tpu.memory_space<vmem>>, vector<16xf32>,
    %swap3A_95 = arith.constant 240 : index
    %swap3A_96 = tpu.vector_load %arg6[%swap3A_95] {strides = array<i32>} : memref<632xf32, #tpu.memory_space<vmem>>, vector<16xf32>,
    %swap3A_97 = vector.shape_cast %swap3A_96 : vector<16xf32> to vector<16xf32>
    %swap3A_98 = vector.shape_cast %broadcast_in_dim3A_3 : vector<16xf32> to vector<16xf32>
    tpu.vector_store %arg6[%swap3A_95], %swap3A_98 {strides = array<i32>} : memref<632xf32, #tpu.memory_space<vmem>>, vector<16xf32>,
    %swap3A_99 = arith.constant 256 : index
    %swap3A_100 = tpu.vector_load %arg6[%swap3A_99] {strides = array<i32>} : memref<632xf32, #tpu.memory_space<vmem>>, vector<16xf32>,
    %swap3A_101 = vector.shape_cast %swap3A_100 : vector<16xf32> to vector<16xf32>
    %swap3A_102 = vector.shape_cast %broadcast_in_dim3A_3 : vector<16xf32> to vector<16xf32>
    tpu.vector_store %arg6[%swap3A_99], %swap3A_102 {strides = array<i32>} : memref<632xf32, #tpu.memory_space<vmem>>, vector<16xf32>,
    %swap3A_103 = arith.constant 272 : index
    %swap3A_104 = tpu.vector_load %arg6[%swap3A_103] {strides = array<i32>} : memref<632xf32, #tpu.memory_space<vmem>>, vector<16xf32>,
    %swap3A_105 = vector.shape_cast %swap3A_104 : vector<16xf32> to vector<16xf32>
    %swap3A_106 = vector.shape_cast %broadcast_in_dim3A_3 : vector<16xf32> to vector<16xf32>
    tpu.vector_store %arg6[%swap3A_103], %swap3A_106 {strides = array<i32>} : memref<632xf32, #tpu.memory_space<vmem>>, vector<16xf32>,
    %swap3A_107 = arith.constant 288 : index
    %swap3A_108 = tpu.vector_load %arg6[%swap3A_107] {strides = array<i32>} : memref<632xf32, #tpu.memory_space<vmem>>, vector<16xf32>,
    %swap3A_109 = vector.shape_cast %swap3A_108 : vector<16xf32> to vector<16xf32>
    %swap3A_110 = vector.shape_cast %broadcast_in_dim3A_3 : vector<16xf32> to vector<16xf32>
    tpu.vector_store %arg6[%swap3A_107], %swap3A_110 {strides = array<i32>} : memref<632xf32, #tpu.memory_space<vmem>>, vector<16xf32>,
    %swap3A_111 = arith.constant 304 : index
    %swap3A_112 = tpu.vector_load %arg6[%swap3A_111] {strides = array<i32>} : memref<632xf32, #tpu.memory_space<vmem>>, vector<16xf32>,
    %swap3A_113 = vector.shape_cast %swap3A_112 : vector<16xf32> to vector<16xf32>
    %swap3A_114 = vector.shape_cast %broadcast_in_dim3A_3 : vector<16xf32> to vector<16xf32>
    tpu.vector_store %arg6[%swap3A_111], %swap3A_114 {strides = array<i32>} : memref<632xf32, #tpu.memory_space<vmem>>, vector<16xf32>,
    %swap3A_115 = arith.constant 320 : index
    %swap3A_116 = tpu.vector_load %arg6[%swap3A_115] {strides = array<i32>} : memref<632xf32, #tpu.memory_space<vmem>>, vector<16xf32>,
    %swap3A_117 = vector.shape_cast %swap3A_116 : vector<16xf32> to vector<16xf32>
    %swap3A_118 = vector.shape_cast %broadcast_in_dim3A_3 : vector<16xf32> to vector<16xf32>
    tpu.vector_store %arg6[%swap3A_115], %swap3A_118 {strides = array<i32>} : memref<632xf32, #tpu.memory_space<vmem>>, vector<16xf32>,
    %swap3A_119 = arith.constant 336 : index
    %swap3A_120 = tpu.vector_load %arg6[%swap3A_119] {strides = array<i32>} : memref<632xf32, #tpu.memory_space<vmem>>, vector<16xf32>,
    %swap3A_121 = vector.shape_cast %swap3A_120 : vector<16xf32> to vector<16xf32>
    %swap3A_122 = vector.shape_cast %broadcast_in_dim3A_3 : vector<16xf32> to vector<16xf32>
    tpu.vector_store %arg6[%swap3A_119], %swap3A_122 {strides = array<i32>} : memref<632xf32, #tpu.memory_space<vmem>>, vector<16xf32>,
    %swap3A_123 = arith.constant 352 : index
    %swap3A_124 = tpu.vector_load %arg6[%swap3A_123] {strides = array<i32>} : memref<632xf32, #tpu.memory_space<vmem>>, vector<16xf32>,
    %swap3A_125 = vector.shape_cast %swap3A_124 : vector<16xf32> to vector<16xf32>
    %swap3A_126 = vector.shape_cast %broadcast_in_dim3A_3 : vector<16xf32> to vector<16xf32>
    tpu.vector_store %arg6[%swap3A_123], %swap3A_126 {strides = array<i32>} : memref<632xf32, #tpu.memory_space<vmem>>, vector<16xf32>,
    %swap3A_127 = arith.constant 368 : index
    %swap3A_128 = tpu.vector_load %arg6[%swap3A_127] {strides = array<i32>} : memref<632xf32, #tpu.memory_space<vmem>>, vector<16xf32>,
    %swap3A_129 = vector.shape_cast %swap3A_128 : vector<16xf32> to vector<16xf32>
    %swap3A_130 = vector.shape_cast %broadcast_in_dim3A_3 : vector<16xf32> to vector<16xf32>
    tpu.vector_store %arg6[%swap3A_127], %swap3A_130 {strides = array<i32>} : memref<632xf32, #tpu.memory_space<vmem>>, vector<16xf32>,
    %swap3A_131 = arith.constant 384 : index
    %swap3A_132 = tpu.vector_load %arg6[%swap3A_131] {strides = array<i32>} : memref<632xf32, #tpu.memory_space<vmem>>, vector<16xf32>,
    %swap3A_133 = vector.shape_cast %swap3A_132 : vector<16xf32> to vector<16xf32>
    %swap3A_134 = vector.shape_cast %broadcast_in_dim3A_3 : vector<16xf32> to vector<16xf32>
    tpu.vector_store %arg6[%swap3A_131], %swap3A_134 {strides = array<i32>} : memref<632xf32, #tpu.memory_space<vmem>>, vector<16xf32>,
    %swap3A_135 = arith.constant 400 : index
    %swap3A_136 = tpu.vector_load %arg6[%swap3A_135] {strides = array<i32>} : memref<632xf32, #tpu.memory_space<vmem>>, vector<16xf32>,
    %swap3A_137 = vector.shape_cast %swap3A_136 : vector<16xf32> to vector<16xf32>
    %swap3A_138 = vector.shape_cast %broadcast_in_dim3A_3 : vector<16xf32> to vector<16xf32>
    tpu.vector_store %arg6[%swap3A_135], %swap3A_138 {strides = array<i32>} : memref<632xf32, #tpu.memory_space<vmem>>, vector<16xf32>,
    %swap3A_139 = arith.constant 416 : index
    %swap3A_140 = tpu.vector_load %arg6[%swap3A_139] {strides = array<i32>} : memref<632xf32, #tpu.memory_space<vmem>>, vector<16xf32>,
    %swap3A_141 = vector.shape_cast %swap3A_140 : vector<16xf32> to vector<16xf32>
    %swap3A_142 = vector.shape_cast %broadcast_in_dim3A_3 : vector<16xf32> to vector<16xf32>
    tpu.vector_store %arg6[%swap3A_139], %swap3A_142 {strides = array<i32>} : memref<632xf32, #tpu.memory_space<vmem>>, vector<16xf32>,
    %swap3A_143 = arith.constant 432 : index
    %swap3A_144 = tpu.vector_load %arg6[%swap3A_143] {strides = array<i32>} : memref<632xf32, #tpu.memory_space<vmem>>, vector<16xf32>,
    %swap3A_145 = vector.shape_cast %swap3A_144 : vector<16xf32> to vector<16xf32>
    %swap3A_146 = vector.shape_cast %broadcast_in_dim3A_3 : vector<16xf32> to vector<16xf32>
    tpu.vector_store %arg6[%swap3A_143], %swap3A_146 {strides = array<i32>} : memref<632xf32, #tpu.memory_space<vmem>>, vector<16xf32>,
    %swap3A_147 = arith.constant 448 : index
    %swap3A_148 = tpu.vector_load %arg6[%swap3A_147] {strides = array<i32>} : memref<632xf32, #tpu.memory_space<vmem>>, vector<16xf32>,
    %swap3A_149 = vector.shape_cast %swap3A_148 : vector<16xf32> to vector<16xf32>
    %swap3A_150 = vector.shape_cast %broadcast_in_dim3A_3 : vector<16xf32> to vector<16xf32>
    tpu.vector_store %arg6[%swap3A_147], %swap3A_150 {strides = array<i32>} : memref<632xf32, #tpu.memory_space<vmem>>, vector<16xf32>,
    %swap3A_151 = arith.constant 464 : index
    %swap3A_152 = tpu.vector_load %arg6[%swap3A_151] {strides = array<i32>} : memref<632xf32, #tpu.memory_space<vmem>>, vector<16xf32>,
    %swap3A_153 = vector.shape_cast %swap3A_152 : vector<16xf32> to vector<16xf32>
    %swap3A_154 = vector.shape_cast %broadcast_in_dim3A_3 : vector<16xf32> to vector<16xf32>
    tpu.vector_store %arg6[%swap3A_151], %swap3A_154 {strides = array<i32>} : memref<632xf32, #tpu.memory_space<vmem>>, vector<16xf32>,
    %swap3A_155 = arith.constant 480 : index
    %swap3A_156 = tpu.vector_load %arg6[%swap3A_155] {strides = array<i32>} : memref<632xf32, #tpu.memory_space<vmem>>, vector<16xf32>,
    %swap3A_157 = vector.shape_cast %swap3A_156 : vector<16xf32> to vector<16xf32>
    %swap3A_158 = vector.shape_cast %broadcast_in_dim3A_3 : vector<16xf32> to vector<16xf32>
    tpu.vector_store %arg6[%swap3A_155], %swap3A_158 {strides = array<i32>} : memref<632xf32, #tpu.memory_space<vmem>>, vector<16xf32>,
    %swap3A_159 = arith.constant 496 : index
    %swap3A_160 = tpu.vector_load %arg6[%swap3A_159] {strides = array<i32>} : memref<632xf32, #tpu.memory_space<vmem>>, vector<16xf32>,
    %swap3A_161 = vector.shape_cast %swap3A_160 : vector<16xf32> to vector<16xf32>
    %swap3A_162 = vector.shape_cast %broadcast_in_dim3A_3 : vector<16xf32> to vector<16xf32>
    tpu.vector_store %arg6[%swap3A_159], %swap3A_162 {strides = array<i32>} : memref<632xf32, #tpu.memory_space<vmem>>, vector<16xf32>,
    %swap3A_163 = arith.constant 512 : index
    %swap3A_164 = tpu.vector_load %arg6[%swap3A_163] {strides = array<i32>} : memref<632xf32, #tpu.memory_space<vmem>>, vector<16xf32>,
    %swap3A_165 = vector.shape_cast %swap3A_164 : vector<16xf32> to vector<16xf32>
    %swap3A_166 = vector.shape_cast %broadcast_in_dim3A_3 : vector<16xf32> to vector<16xf32>
    tpu.vector_store %arg6[%swap3A_163], %swap3A_166 {strides = array<i32>} : memref<632xf32, #tpu.memory_space<vmem>>, vector<16xf32>,
    %swap3A_167 = arith.constant 528 : index
    %swap3A_168 = tpu.vector_load %arg6[%swap3A_167] {strides = array<i32>} : memref<632xf32, #tpu.memory_space<vmem>>, vector<16xf32>,
    %swap3A_169 = vector.shape_cast %swap3A_168 : vector<16xf32> to vector<16xf32>
    %swap3A_170 = vector.shape_cast %broadcast_in_dim3A_3 : vector<16xf32> to vector<16xf32>
    tpu.vector_store %arg6[%swap3A_167], %swap3A_170 {strides = array<i32>} : memref<632xf32, #tpu.memory_space<vmem>>, vector<16xf32>,
    %swap3A_171 = arith.constant 544 : index
    %swap3A_172 = tpu.vector_load %arg6[%swap3A_171] {strides = array<i32>} : memref<632xf32, #tpu.memory_space<vmem>>, vector<16xf32>,
    %swap3A_173 = vector.shape_cast %swap3A_172 : vector<16xf32> to vector<16xf32>
    %swap3A_174 = vector.shape_cast %broadcast_in_dim3A_3 : vector<16xf32> to vector<16xf32>
    tpu.vector_store %arg6[%swap3A_171], %swap3A_174 {strides = array<i32>} : memref<632xf32, #tpu.memory_space<vmem>>, vector<16xf32>,
    %swap3A_175 = arith.constant 560 : index
    %swap3A_176 = tpu.vector_load %arg6[%swap3A_175] {strides = array<i32>} : memref<632xf32, #tpu.memory_space<vmem>>, vector<16xf32>,
    %swap3A_177 = vector.shape_cast %swap3A_176 : vector<16xf32> to vector<16xf32>
    %swap3A_178 = vector.shape_cast %broadcast_in_dim3A_3 : vector<16xf32> to vector<16xf32>
    tpu.vector_store %arg6[%swap3A_175], %swap3A_178 {strides = array<i32>} : memref<632xf32, #tpu.memory_space<vmem>>, vector<16xf32>,
    %swap3A_179 = arith.constant 576 : index
    %swap3A_180 = tpu.vector_load %arg6[%swap3A_179] {strides = array<i32>} : memref<632xf32, #tpu.memory_space<vmem>>, vector<16xf32>,
    %swap3A_181 = vector.shape_cast %swap3A_180 : vector<16xf32> to vector<16xf32>
    %swap3A_182 = vector.shape_cast %broadcast_in_dim3A_3 : vector<16xf32> to vector<16xf32>
    tpu.vector_store %arg6[%swap3A_179], %swap3A_182 {strides = array<i32>} : memref<632xf32, #tpu.memory_space<vmem>>, vector<16xf32>,
    %swap3A_183 = arith.constant 592 : index
    %swap3A_184 = tpu.vector_load %arg6[%swap3A_183] {strides = array<i32>} : memref<632xf32, #tpu.memory_space<vmem>>, vector<16xf32>,
    %swap3A_185 = vector.shape_cast %swap3A_184 : vector<16xf32> to vector<16xf32>
    %swap3A_186 = vector.shape_cast %broadcast_in_dim3A_3 : vector<16xf32> to vector<16xf32>
    tpu.vector_store %arg6[%swap3A_183], %swap3A_186 {strides = array<i32>} : memref<632xf32, #tpu.memory_space<vmem>>, vector<16xf32>,
    %swap3A_187 = arith.constant 608 : index
    %swap3A_188 = tpu.vector_load %arg6[%swap3A_187] {strides = array<i32>} : memref<632xf32, #tpu.memory_space<vmem>>, vector<16xf32>,
    %swap3A_189 = vector.shape_cast %swap3A_188 : vector<16xf32> to vector<16xf32>
    %swap3A_190 = vector.shape_cast %broadcast_in_dim3A_3 : vector<16xf32> to vector<16xf32>
    tpu.vector_store %arg6[%swap3A_187], %swap3A_190 {strides = array<i32>} : memref<632xf32, #tpu.memory_space<vmem>>, vector<16xf32>,
    %delay3A = arith.constant 1000 : i32
    tpu.delay %delay3A
    %mul3A_191 = arith.constant 632 : i32
    %mul3A_192 = arith.muli %arg1, %mul3A_191 : i32
    "tpu.region"() ({
      %run_scoped3A = tpu.sem_alloc : memref<!tpu.dma_semaphore, #tpu.memory_space<semaphore_mem>>
      %dma_start3A = tpu.memref_slice %arg7[%mul3A_192] : memref<10112xf32, #tpu.memory_space<vmem_shared>> -> memref<632xf32, #tpu.memory_space<vmem_shared>>
      %dma_start3A_209 = tpu.memref_slice %arg7[%mul3A_192] : memref<10112xf32, #tpu.memory_space<vmem_shared>> -> memref<632xf32, #tpu.memory_space<vmem_shared>>
      tpu.enqueue_dma source(%arg6 : memref<632xf32, #tpu.memory_space<vmem>>) target(%dma_start3A_209 : memref<632xf32, #tpu.memory_space<vmem_shared>>) target_semaphore(%run_scoped3A : memref<!tpu.dma_semaphore, #tpu.memory_space<semaphore_mem>>)
      %dma_wait3A = tpu.memref_slice %arg7[%mul3A_192] : memref<10112xf32, #tpu.memory_space<vmem_shared>> -> memref<632xf32, #tpu.memory_space<vmem_shared>>
      %dma_wait3A_210 = tpu.memref_slice %arg7[%mul3A_192] : memref<10112xf32, #tpu.memory_space<vmem_shared>> -> memref<632xf32, #tpu.memory_space<vmem_shared>>
      tpu.wait_dma2 semaphore(%run_scoped3A : memref<!tpu.dma_semaphore, #tpu.memory_space<semaphore_mem>>) src(%arg6 : memref<632xf32, #tpu.memory_space<vmem>>) dst(%dma_wait3A_210 : memref<632xf32, #tpu.memory_space<vmem_shared>>)
      tpu.yield
    }) : () -> ()
    %delay3A_193 = arith.constant 10000 : i32
    tpu.delay %delay3A_193
    %barrier3A = arith.constant 0 : index
    tpu.barrier barrier_id(%barrier3A)
    %mul3A_194 = arith.constant 80 : i32
    %mul3A_195 = arith.muli %add3A, %mul3A_194 : i32
    "tpu.region"() ({
      %run_scoped3A = tpu.sem_alloc : memref<!tpu.dma_semaphore, #tpu.memory_space<semaphore_mem>>
      %dma_start3A = arith.constant 0 : i32
      %dma_start3A_209 = tpu.memref_slice %arg2[%mul3A_195, %dma_start3A] : memref<2560x128xi32, #tpu.memory_space<hbm>> -> memref<80x128xi32, #tpu.memory_space<hbm>>
      %dma_start3A_210 = arith.constant 0 : i32
      %dma_start3A_211 = tpu.memref_slice %arg2[%mul3A_195, %dma_start3A_210] : memref<2560x128xi32, #tpu.memory_space<hbm>> -> memref<80x128xi32, #tpu.memory_space<hbm>>
      tpu.enqueue_dma source(%dma_start3A_211 : memref<80x128xi32, #tpu.memory_space<hbm>>) target(%arg4 : memref<80x128xi32, #tpu.memory_space<vmem>>) target_semaphore(%run_scoped3A : memref<!tpu.dma_semaphore, #tpu.memory_space<semaphore_mem>>)
      %dma_wait3A = arith.constant 0 : i32
      %dma_wait3A_212 = tpu.memref_slice %arg2[%mul3A_195, %dma_wait3A] : memref<2560x128xi32, #tpu.memory_space<hbm>> -> memref<80x128xi32, #tpu.memory_space<hbm>>
      %dma_wait3A_213 = arith.constant 0 : i32
      %dma_wait3A_214 = tpu.memref_slice %arg2[%mul3A_195, %dma_wait3A_213] : memref<2560x128xi32, #tpu.memory_space<hbm>> -> memref<80x128xi32, #tpu.memory_space<hbm>>
      tpu.wait_dma2 semaphore(%run_scoped3A : memref<!tpu.dma_semaphore, #tpu.memory_space<semaphore_mem>>) src(%dma_wait3A_214 : memref<80x128xi32, #tpu.memory_space<hbm>>) dst(%arg4 : memref<80x128xi32, #tpu.memory_space<vmem>>)
      tpu.yield
    }) : () -> ()
    %scan3A = arith.constant 0 : i32
    %scan3A_196 = arith.constant 0 : i32
    %scan3A_197 = arith.constant 80 : i32
    %scan3A_198 = arith.addi %scan3A_196, %scan3A_197 : i32
    %scan3A_199 = arith.constant 1 : i32
    scf.for %scan3A_209 = %scan3A_196 to %scan3A_198 step %scan3A_199  : i32 {
      "tpu.region"() ({
        %run_scoped3A = tpu.sem_alloc : memref<!tpu.dma_semaphore, #tpu.memory_space<semaphore_mem>>
        %dma_start3A = arith.constant 0 : i32
        %dma_start3A_210 = tpu.memref_slice %arg4[%scan3A_209, %dma_start3A] : memref<80x128xi32, #tpu.memory_space<vmem>> -> memref<1x128xi32, #tpu.memory_space<vmem>>
        %dma_start3A_211 = tpu.memref_squeeze %dma_start3A_210 : memref<1x128xi32, #tpu.memory_space<vmem>> -> memref<128xi32, #tpu.memory_space<vmem>>
        %dma_start3A_212 = arith.constant 0 : i32
        %dma_start3A_213 = tpu.memref_slice %arg7[%dma_start3A_212] : memref<10112xf32, #tpu.memory_space<vmem_shared>> -> memref<10112xf32, #tpu.memory_space<vmem_shared>>
        tpu.enqueue_indirect_dma source(%arg5 : memref<128xf32, #tpu.memory_space<vmem>>) target(%dma_start3A_213 : memref<10112xf32, #tpu.memory_space<vmem_shared>>) offsets(%dma_start3A_211 : memref<128xi32, #tpu.memory_space<vmem>>) semaphore(%run_scoped3A : memref<!tpu.dma_semaphore, #tpu.memory_space<semaphore_mem>>) {add = true}
        %dma_wait3A = arith.constant 0 : i32
        %dma_wait3A_214 = tpu.memref_slice %arg4[%scan3A_209, %dma_wait3A] : memref<80x128xi32, #tpu.memory_space<vmem>> -> memref<1x128xi32, #tpu.memory_space<vmem>>
        %dma_wait3A_215 = tpu.memref_squeeze %dma_wait3A_214 : memref<1x128xi32, #tpu.memory_space<vmem>> -> memref<128xi32, #tpu.memory_space<vmem>>
        %dma_wait3A_216 = arith.constant 0 : i32
        %dma_wait3A_217 = tpu.memref_slice %arg7[%dma_wait3A_216] : memref<10112xf32, #tpu.memory_space<vmem_shared>> -> memref<10112xf32, #tpu.memory_space<vmem_shared>>
        tpu.wait_indirect_dma semaphore(%run_scoped3A : memref<!tpu.dma_semaphore, #tpu.memory_space<semaphore_mem>>) src(%arg5 : memref<128xf32, #tpu.memory_space<vmem>>) dst(%dma_wait3A_217 : memref<10112xf32, #tpu.memory_space<vmem_shared>>)
        tpu.yield
      }) : () -> ()
    }
    %scan3A_200 = arith.constant 80 : i32
    %delay3A_201 = arith.constant 10000 : i32
    tpu.delay %delay3A_201
    %barrier3A_202 = arith.constant 0 : index
    tpu.barrier barrier_id(%barrier3A_202)
    %lt3A = arith.constant 15 : i32
    %lt3A_203 = arith.cmpi slt, %arg1, %lt3A : i32
    %convert_element_type3A = arith.extui %lt3A_203 : i1 to i32
    %cond3A = arith.constant 0 : i32
    %cond3A_204 = arith.cmpi ne, %convert_element_type3A, %cond3A : i32
    scf.if %cond3A_204 {
      %mul3A_209 = arith.constant 632 : i32
      %mul3A_210 = arith.muli %arg1, %mul3A_209 : i32
      %mul3A_211 = arith.constant 632 : i32
      %mul3A_212 = arith.muli %arg1, %mul3A_211 : i32
      "tpu.region"() ({
        %run_scoped3A = tpu.sem_alloc : memref<!tpu.dma_semaphore, #tpu.memory_space<semaphore_mem>>
        %dma_start3A = tpu.memref_slice %arg3[%arg0, %mul3A_212] : memref<2x10000xf32, #tpu.memory_space<hbm>> -> memref<1x632xf32, #tpu.memory_space<hbm>>
        %dma_start3A_213 = tpu.memref_squeeze %dma_start3A : memref<1x632xf32, #tpu.memory_space<hbm>> -> memref<632xf32, #tpu.memory_space<hbm>>
        %dma_start3A_214 = tpu.memref_slice %arg7[%mul3A_210] : memref<10112xf32, #tpu.memory_space<vmem_shared>> -> memref<632xf32, #tpu.memory_space<vmem_shared>>
        tpu.enqueue_dma source(%dma_start3A_214 : memref<632xf32, #tpu.memory_space<vmem_shared>>) target(%dma_start3A_213 : memref<632xf32, #tpu.memory_space<hbm>>) target_semaphore(%run_scoped3A : memref<!tpu.dma_semaphore, #tpu.memory_space<semaphore_mem>>)
        %dma_wait3A = tpu.memref_slice %arg3[%arg0, %mul3A_212] : memref<2x10000xf32, #tpu.memory_space<hbm>> -> memref<1x632xf32, #tpu.memory_space<hbm>>
        %dma_wait3A_215 = tpu.memref_squeeze %dma_wait3A : memref<1x632xf32, #tpu.memory_space<hbm>> -> memref<632xf32, #tpu.memory_space<hbm>>
        %dma_wait3A_216 = tpu.memref_slice %arg7[%mul3A_210] : memref<10112xf32, #tpu.memory_space<vmem_shared>> -> memref<632xf32, #tpu.memory_space<vmem_shared>>
        tpu.wait_dma2 semaphore(%run_scoped3A : memref<!tpu.dma_semaphore, #tpu.memory_space<semaphore_mem>>) src(%dma_wait3A_216 : memref<632xf32, #tpu.memory_space<vmem_shared>>) dst(%dma_wait3A_215 : memref<632xf32, #tpu.memory_space<hbm>>)
        tpu.yield
      }) : () -> ()
    } else {
    }
    %eq3A = arith.constant 15 : i32
    %eq3A_205 = arith.cmpi eq, %arg1, %eq3A : i32
    %convert_element_type3A_206 = arith.extui %eq3A_205 : i1 to i32
    %cond3A_207 = arith.constant 0 : i32
    %cond3A_208 = arith.cmpi ne, %convert_element_type3A_206, %cond3A_207 : i32
    scf.if %cond3A_208 {
      "tpu.region"() ({
        %run_scoped3A = tpu.sem_alloc : memref<!tpu.dma_semaphore, #tpu.memory_space<semaphore_mem>>
        %dma_start3A = arith.constant 9480 : i32
        %dma_start3A_209 = tpu.memref_slice %arg3[%arg0, %dma_start3A] : memref<2x10000xf32, #tpu.memory_space<hbm>> -> memref<1x520xf32, #tpu.memory_space<hbm>>
        %dma_start3A_210 = tpu.memref_squeeze %dma_start3A_209 : memref<1x520xf32, #tpu.memory_space<hbm>> -> memref<520xf32, #tpu.memory_space<hbm>>
        %dma_start3A_211 = arith.constant 9480 : i32
        %dma_start3A_212 = tpu.memref_slice %arg7[%dma_start3A_211] : memref<10112xf32, #tpu.memory_space<vmem_shared>> -> memref<520xf32, #tpu.memory_space<vmem_shared>>
        tpu.enqueue_dma source(%dma_start3A_212 : memref<520xf32, #tpu.memory_space<vmem_shared>>) target(%dma_start3A_210 : memref<520xf32, #tpu.memory_space<hbm>>) target_semaphore(%run_scoped3A : memref<!tpu.dma_semaphore, #tpu.memory_space<semaphore_mem>>)
        %dma_wait3A = arith.constant 9480 : i32
        %dma_wait3A_213 = tpu.memref_slice %arg3[%arg0, %dma_wait3A] : memref<2x10000xf32, #tpu.memory_space<hbm>> -> memref<1x520xf32, #tpu.memory_space<hbm>>
        %dma_wait3A_214 = tpu.memref_squeeze %dma_wait3A_213 : memref<1x520xf32, #tpu.memory_space<hbm>> -> memref<520xf32, #tpu.memory_space<hbm>>
        %dma_wait3A_215 = arith.constant 9480 : i32
        %dma_wait3A_216 = tpu.memref_slice %arg7[%dma_wait3A_215] : memref<10112xf32, #tpu.memory_space<vmem_shared>> -> memref<520xf32, #tpu.memory_space<vmem_shared>>
        tpu.wait_dma2 semaphore(%run_scoped3A : memref<!tpu.dma_semaphore, #tpu.memory_space<semaphore_mem>>) src(%dma_wait3A_216 : memref<520xf32, #tpu.memory_space<vmem_shared>>) dst(%dma_wait3A_214 : memref<520xf32, #tpu.memory_space<hbm>>)
        tpu.yield
      }) : () -> ()
    } else {
    }
    return
  }
}

#map = affine_map<(d0, d1) -> (0, 0)>
#map1 = affine_map<(d0, d1) -> (0, 0, 0)>
module attributes {stable_mosaic.version = 14 : i64} {
  func.func @k(%arg0: i32, %arg1: i32, %arg2: memref<10000x128xf32, #tpu.memory_space<hbm>>, %arg3: memref<2560x128xi32, #tpu.memory_space<hbm>>, %arg4: memref<2560x128xi32, #tpu.memory_space<hbm>>, %arg5: memref<2x10000x128xf32, #tpu.memory_space<hbm>>, %arg6: memref<40x128xi32, #tpu.memory_space<vmem>>, %arg7: memref<40x128xi32, #tpu.memory_space<vmem>>, %arg8: memref<2x128x128xf32, #tpu.memory_space<vmem>>, %arg9: memref<8x128xf32, #tpu.memory_space<vmem>>, %arg10: memref<10112x128xf32, #tpu.memory_space<vmem_shared>>, %arg11: memref<!tpu.dma_semaphore, #tpu.memory_space<semaphore_mem>>, %arg12: memref<!tpu.dma_semaphore, #tpu.memory_space<semaphore_mem>>, %arg13: memref<!tpu.dma_semaphore, #tpu.memory_space<semaphore_mem>>, %arg14: memref<!tpu.dma_semaphore, #tpu.memory_space<semaphore_mem>>) attributes {dimension_semantics = [#tpu.dimension_semantics<core_parallel>, #tpu.dimension_semantics<subcore_parallel>], iteration_bounds = array<i64: 2, 16>, scalar_prefetch = 0 : i64, scratch_operands = 9 : i64, tpu.core_type = #tpu.core_type<sc_vector_subcore>, window_params = [{transform_indices = #map}, {transform_indices = #map}, {transform_indices = #map}, {transform_indices = #map1}]} {
    %mul3A = arith.constant 16 : i32
    %mul3A_0 = arith.muli %arg0, %mul3A : i32
    %add3A = arith.addi %mul3A_0, %arg1 : i32
    %broadcast_in_dim3A = arith.constant 0.000000e+00 : f32
    %broadcast_in_dim3A_1 = vector.broadcast %broadcast_in_dim3A : f32 to vector<16xf32>
    %scan3A = arith.constant 0 : i32
    %scan3A_2 = arith.constant 0 : i32
    %scan3A_3 = arith.constant 8 : i32
    %scan3A_4 = arith.addi %scan3A_2, %scan3A_3 : i32
    %scan3A_5 = arith.constant 1 : i32
    scf.for %scan3A_42 = %scan3A_2 to %scan3A_4 step %scan3A_5  : i32 {
      %swap3A = arith.index_cast %scan3A_42 : i32 to index
      %swap3A_43 = arith.constant 0 : index
      %swap3A_44 = tpu.vector_load %arg9[%swap3A, %swap3A_43] {strides = array<i32>} : memref<8x128xf32, #tpu.memory_space<vmem>>, vector<1x16xf32>,
      %swap3A_45 = vector.shape_cast %swap3A_44 : vector<1x16xf32> to vector<16xf32>
      %swap3A_46 = vector.shape_cast %broadcast_in_dim3A_1 : vector<16xf32> to vector<1x16xf32>
      tpu.vector_store %arg9[%swap3A, %swap3A_43], %swap3A_46 {strides = array<i32>} : memref<8x128xf32, #tpu.memory_space<vmem>>, vector<1x16xf32>,
      %swap3A_47 = arith.index_cast %scan3A_42 : i32 to index
      %swap3A_48 = arith.constant 16 : index
      %swap3A_49 = tpu.vector_load %arg9[%swap3A_47, %swap3A_48] {strides = array<i32>} : memref<8x128xf32, #tpu.memory_space<vmem>>, vector<1x16xf32>,
      %swap3A_50 = vector.shape_cast %swap3A_49 : vector<1x16xf32> to vector<16xf32>
      %swap3A_51 = vector.shape_cast %broadcast_in_dim3A_1 : vector<16xf32> to vector<1x16xf32>
      tpu.vector_store %arg9[%swap3A_47, %swap3A_48], %swap3A_51 {strides = array<i32>} : memref<8x128xf32, #tpu.memory_space<vmem>>, vector<1x16xf32>,
      %swap3A_52 = arith.index_cast %scan3A_42 : i32 to index
      %swap3A_53 = arith.constant 32 : index
      %swap3A_54 = tpu.vector_load %arg9[%swap3A_52, %swap3A_53] {strides = array<i32>} : memref<8x128xf32, #tpu.memory_space<vmem>>, vector<1x16xf32>,
      %swap3A_55 = vector.shape_cast %swap3A_54 : vector<1x16xf32> to vector<16xf32>
      %swap3A_56 = vector.shape_cast %broadcast_in_dim3A_1 : vector<16xf32> to vector<1x16xf32>
      tpu.vector_store %arg9[%swap3A_52, %swap3A_53], %swap3A_56 {strides = array<i32>} : memref<8x128xf32, #tpu.memory_space<vmem>>, vector<1x16xf32>,
      %swap3A_57 = arith.index_cast %scan3A_42 : i32 to index
      %swap3A_58 = arith.constant 48 : index
      %swap3A_59 = tpu.vector_load %arg9[%swap3A_57, %swap3A_58] {strides = array<i32>} : memref<8x128xf32, #tpu.memory_space<vmem>>, vector<1x16xf32>,
      %swap3A_60 = vector.shape_cast %swap3A_59 : vector<1x16xf32> to vector<16xf32>
      %swap3A_61 = vector.shape_cast %broadcast_in_dim3A_1 : vector<16xf32> to vector<1x16xf32>
      tpu.vector_store %arg9[%swap3A_57, %swap3A_58], %swap3A_61 {strides = array<i32>} : memref<8x128xf32, #tpu.memory_space<vmem>>, vector<1x16xf32>,
      %swap3A_62 = arith.index_cast %scan3A_42 : i32 to index
      %swap3A_63 = arith.constant 64 : index
      %swap3A_64 = tpu.vector_load %arg9[%swap3A_62, %swap3A_63] {strides = array<i32>} : memref<8x128xf32, #tpu.memory_space<vmem>>, vector<1x16xf32>,
      %swap3A_65 = vector.shape_cast %swap3A_64 : vector<1x16xf32> to vector<16xf32>
      %swap3A_66 = vector.shape_cast %broadcast_in_dim3A_1 : vector<16xf32> to vector<1x16xf32>
      tpu.vector_store %arg9[%swap3A_62, %swap3A_63], %swap3A_66 {strides = array<i32>} : memref<8x128xf32, #tpu.memory_space<vmem>>, vector<1x16xf32>,
      %swap3A_67 = arith.index_cast %scan3A_42 : i32 to index
      %swap3A_68 = arith.constant 80 : index
      %swap3A_69 = tpu.vector_load %arg9[%swap3A_67, %swap3A_68] {strides = array<i32>} : memref<8x128xf32, #tpu.memory_space<vmem>>, vector<1x16xf32>,
      %swap3A_70 = vector.shape_cast %swap3A_69 : vector<1x16xf32> to vector<16xf32>
      %swap3A_71 = vector.shape_cast %broadcast_in_dim3A_1 : vector<16xf32> to vector<1x16xf32>
      tpu.vector_store %arg9[%swap3A_67, %swap3A_68], %swap3A_71 {strides = array<i32>} : memref<8x128xf32, #tpu.memory_space<vmem>>, vector<1x16xf32>,
      %swap3A_72 = arith.index_cast %scan3A_42 : i32 to index
      %swap3A_73 = arith.constant 96 : index
      %swap3A_74 = tpu.vector_load %arg9[%swap3A_72, %swap3A_73] {strides = array<i32>} : memref<8x128xf32, #tpu.memory_space<vmem>>, vector<1x16xf32>,
      %swap3A_75 = vector.shape_cast %swap3A_74 : vector<1x16xf32> to vector<16xf32>
      %swap3A_76 = vector.shape_cast %broadcast_in_dim3A_1 : vector<16xf32> to vector<1x16xf32>
      tpu.vector_store %arg9[%swap3A_72, %swap3A_73], %swap3A_76 {strides = array<i32>} : memref<8x128xf32, #tpu.memory_space<vmem>>, vector<1x16xf32>,
      %swap3A_77 = arith.index_cast %scan3A_42 : i32 to index
      %swap3A_78 = arith.constant 112 : index
      %swap3A_79 = tpu.vector_load %arg9[%swap3A_77, %swap3A_78] {strides = array<i32>} : memref<8x128xf32, #tpu.memory_space<vmem>>, vector<1x16xf32>,
      %swap3A_80 = vector.shape_cast %swap3A_79 : vector<1x16xf32> to vector<16xf32>
      %swap3A_81 = vector.shape_cast %broadcast_in_dim3A_1 : vector<16xf32> to vector<1x16xf32>
      tpu.vector_store %arg9[%swap3A_77, %swap3A_78], %swap3A_81 {strides = array<i32>} : memref<8x128xf32, #tpu.memory_space<vmem>>, vector<1x16xf32>,
    }
    %scan3A_6 = arith.constant 8 : i32
    %delay3A = arith.constant 1000 : i32
    tpu.delay %delay3A
    %scan3A_7 = arith.constant 0 : i32
    %scan3A_8 = arith.constant 0 : i32
    %scan3A_9 = arith.constant 79 : i32
    %scan3A_10 = arith.addi %scan3A_8, %scan3A_9 : i32
    %scan3A_11 = arith.constant 1 : i32
    scf.for %scan3A_42 = %scan3A_8 to %scan3A_10 step %scan3A_11  : i32 {
      %mul3A_43 = arith.constant 632 : i32
      %mul3A_44 = arith.muli %arg1, %mul3A_43 : i32
      %mul3A_45 = arith.constant 8 : i32
      %mul3A_46 = arith.muli %scan3A_42, %mul3A_45 : i32
      %add3A_47 = arith.addi %mul3A_44, %mul3A_46 : i32
      "tpu.region"() ({
        %run_scoped3A = tpu.sem_alloc : memref<!tpu.dma_semaphore, #tpu.memory_space<semaphore_mem>>
        %dma_start3A = arith.constant 0 : i32
        %dma_start3A_48 = tpu.memref_slice %arg10[%add3A_47, %dma_start3A] : memref<10112x128xf32, #tpu.memory_space<vmem_shared>> -> memref<8x128xf32, #tpu.memory_space<vmem_shared>>
        %dma_start3A_49 = arith.constant 0 : i32
        %dma_start3A_50 = tpu.memref_slice %arg10[%add3A_47, %dma_start3A_49] : memref<10112x128xf32, #tpu.memory_space<vmem_shared>> -> memref<8x128xf32, #tpu.memory_space<vmem_shared>>
        tpu.enqueue_dma source(%arg9 : memref<8x128xf32, #tpu.memory_space<vmem>>) target(%dma_start3A_50 : memref<8x128xf32, #tpu.memory_space<vmem_shared>>) target_semaphore(%run_scoped3A : memref<!tpu.dma_semaphore, #tpu.memory_space<semaphore_mem>>)
        %dma_wait3A = arith.constant 0 : i32
        %dma_wait3A_51 = tpu.memref_slice %arg10[%add3A_47, %dma_wait3A] : memref<10112x128xf32, #tpu.memory_space<vmem_shared>> -> memref<8x128xf32, #tpu.memory_space<vmem_shared>>
        %dma_wait3A_52 = arith.constant 0 : i32
        %dma_wait3A_53 = tpu.memref_slice %arg10[%add3A_47, %dma_wait3A_52] : memref<10112x128xf32, #tpu.memory_space<vmem_shared>> -> memref<8x128xf32, #tpu.memory_space<vmem_shared>>
        tpu.wait_dma2 semaphore(%run_scoped3A : memref<!tpu.dma_semaphore, #tpu.memory_space<semaphore_mem>>) src(%arg9 : memref<8x128xf32, #tpu.memory_space<vmem>>) dst(%dma_wait3A_53 : memref<8x128xf32, #tpu.memory_space<vmem_shared>>)
        tpu.yield
      }) : () -> ()
    }
    %scan3A_12 = arith.constant 79 : i32
    %delay3A_13 = arith.constant 10000 : i32
    tpu.delay %delay3A_13
    %barrier3A = arith.constant 0 : index
    tpu.barrier barrier_id(%barrier3A)
    %mul3A_14 = arith.constant 80 : i32
    %mul3A_15 = arith.muli %add3A, %mul3A_14 : i32
    %add3A_16 = arith.constant 0 : i32
    %add3A_17 = arith.addi %mul3A_15, %add3A_16 : i32
    "tpu.region"() ({
      %run_scoped3A = tpu.sem_alloc : memref<!tpu.dma_semaphore, #tpu.memory_space<semaphore_mem>>
      %dma_start3A = arith.constant 0 : i32
      %dma_start3A_42 = tpu.memref_slice %arg3[%add3A_17, %dma_start3A] : memref<2560x128xi32, #tpu.memory_space<hbm>> -> memref<40x128xi32, #tpu.memory_space<hbm>>
      %dma_start3A_43 = arith.constant 0 : i32
      %dma_start3A_44 = tpu.memref_slice %arg3[%add3A_17, %dma_start3A_43] : memref<2560x128xi32, #tpu.memory_space<hbm>> -> memref<40x128xi32, #tpu.memory_space<hbm>>
      tpu.enqueue_dma source(%dma_start3A_44 : memref<40x128xi32, #tpu.memory_space<hbm>>) target(%arg6 : memref<40x128xi32, #tpu.memory_space<vmem>>) target_semaphore(%run_scoped3A : memref<!tpu.dma_semaphore, #tpu.memory_space<semaphore_mem>>)
      %dma_wait3A = arith.constant 0 : i32
      %dma_wait3A_45 = tpu.memref_slice %arg3[%add3A_17, %dma_wait3A] : memref<2560x128xi32, #tpu.memory_space<hbm>> -> memref<40x128xi32, #tpu.memory_space<hbm>>
      %dma_wait3A_46 = arith.constant 0 : i32
      %dma_wait3A_47 = tpu.memref_slice %arg3[%add3A_17, %dma_wait3A_46] : memref<2560x128xi32, #tpu.memory_space<hbm>> -> memref<40x128xi32, #tpu.memory_space<hbm>>
      tpu.wait_dma2 semaphore(%run_scoped3A : memref<!tpu.dma_semaphore, #tpu.memory_space<semaphore_mem>>) src(%dma_wait3A_47 : memref<40x128xi32, #tpu.memory_space<hbm>>) dst(%arg6 : memref<40x128xi32, #tpu.memory_space<vmem>>)
      tpu.yield
    }) : () -> ()
    "tpu.region"() ({
      %run_scoped3A = tpu.sem_alloc : memref<!tpu.dma_semaphore, #tpu.memory_space<semaphore_mem>>
      %dma_start3A = arith.constant 0 : i32
      %dma_start3A_42 = tpu.memref_slice %arg4[%add3A_17, %dma_start3A] : memref<2560x128xi32, #tpu.memory_space<hbm>> -> memref<40x128xi32, #tpu.memory_space<hbm>>
      %dma_start3A_43 = arith.constant 0 : i32
      %dma_start3A_44 = tpu.memref_slice %arg4[%add3A_17, %dma_start3A_43] : memref<2560x128xi32, #tpu.memory_space<hbm>> -> memref<40x128xi32, #tpu.memory_space<hbm>>
      tpu.enqueue_dma source(%dma_start3A_44 : memref<40x128xi32, #tpu.memory_space<hbm>>) target(%arg7 : memref<40x128xi32, #tpu.memory_space<vmem>>) target_semaphore(%run_scoped3A : memref<!tpu.dma_semaphore, #tpu.memory_space<semaphore_mem>>)
      %dma_wait3A = arith.constant 0 : i32
      %dma_wait3A_45 = tpu.memref_slice %arg4[%add3A_17, %dma_wait3A] : memref<2560x128xi32, #tpu.memory_space<hbm>> -> memref<40x128xi32, #tpu.memory_space<hbm>>
      %dma_wait3A_46 = arith.constant 0 : i32
      %dma_wait3A_47 = tpu.memref_slice %arg4[%add3A_17, %dma_wait3A_46] : memref<2560x128xi32, #tpu.memory_space<hbm>> -> memref<40x128xi32, #tpu.memory_space<hbm>>
      tpu.wait_dma2 semaphore(%run_scoped3A : memref<!tpu.dma_semaphore, #tpu.memory_space<semaphore_mem>>) src(%dma_wait3A_47 : memref<40x128xi32, #tpu.memory_space<hbm>>) dst(%arg7 : memref<40x128xi32, #tpu.memory_space<vmem>>)
      tpu.yield
    }) : () -> ()
    %scan3A_18 = arith.constant 0 : i32
    %scan3A_19 = arith.constant 0 : i32
    %scan3A_20 = arith.constant 20 : i32
    %scan3A_21 = arith.addi %scan3A_19, %scan3A_20 : i32
    %scan3A_22 = arith.constant 1 : i32
    scf.for %scan3A_42 = %scan3A_19 to %scan3A_21 step %scan3A_22  : i32 {
      %mul3A_43 = arith.constant 2 : i32
      %mul3A_44 = arith.muli %scan3A_42, %mul3A_43 : i32
      %add3A_45 = arith.constant 0 : i32
      %add3A_46 = arith.addi %mul3A_44, %add3A_45 : i32
      %dma_start3A = arith.constant 0 : i32
      %dma_start3A_47 = arith.constant 0 : i32
      %dma_start3A_48 = arith.constant 0 : i32
      %dma_start3A_49 = tpu.memref_slice %arg8[%dma_start3A, %dma_start3A_47, %dma_start3A_48] : memref<2x128x128xf32, #tpu.memory_space<vmem>> -> memref<1x128x128xf32, #tpu.memory_space<vmem>>
      %dma_start3A_50 = tpu.memref_squeeze %dma_start3A_49 : memref<1x128x128xf32, #tpu.memory_space<vmem>> -> memref<128x128xf32, #tpu.memory_space<vmem>>
      %dma_start3A_51 = arith.constant 0 : i32
      %dma_start3A_52 = tpu.memref_slice %arg6[%add3A_46, %dma_start3A_51] : memref<40x128xi32, #tpu.memory_space<vmem>> -> memref<1x128xi32, #tpu.memory_space<vmem>>
      %dma_start3A_53 = tpu.memref_squeeze %dma_start3A_52 : memref<1x128xi32, #tpu.memory_space<vmem>> -> memref<128xi32, #tpu.memory_space<vmem>>
      %dma_start3A_54 = arith.constant 0 : i32
      %dma_start3A_55 = arith.constant 0 : i32
      %dma_start3A_56 = tpu.memref_slice %arg2[%dma_start3A_54, %dma_start3A_55] : memref<10000x128xf32, #tpu.memory_space<hbm>> -> memref<10000x128xf32, #tpu.memory_space<hbm>>
      tpu.enqueue_indirect_dma source(%dma_start3A_56 : memref<10000x128xf32, #tpu.memory_space<hbm>>) target(%dma_start3A_50 : memref<128x128xf32, #tpu.memory_space<vmem>>) offsets(%dma_start3A_53 : memref<128xi32, #tpu.memory_space<vmem>>) semaphore(%arg11 : memref<!tpu.dma_semaphore, #tpu.memory_space<semaphore_mem>>)
      %add3A_57 = arith.constant 1 : i32
      %add3A_58 = arith.addi %mul3A_44, %add3A_57 : i32
      %dma_start3A_59 = arith.constant 1 : i32
      %dma_start3A_60 = arith.constant 0 : i32
      %dma_start3A_61 = arith.constant 0 : i32
      %dma_start3A_62 = tpu.memref_slice %arg8[%dma_start3A_59, %dma_start3A_60, %dma_start3A_61] : memref<2x128x128xf32, #tpu.memory_space<vmem>> -> memref<1x128x128xf32, #tpu.memory_space<vmem>>
      %dma_start3A_63 = tpu.memref_squeeze %dma_start3A_62 : memref<1x128x128xf32, #tpu.memory_space<vmem>> -> memref<128x128xf32, #tpu.memory_space<vmem>>
      %dma_start3A_64 = arith.constant 0 : i32
      %dma_start3A_65 = tpu.memref_slice %arg6[%add3A_58, %dma_start3A_64] : memref<40x128xi32, #tpu.memory_space<vmem>> -> memref<1x128xi32, #tpu.memory_space<vmem>>
      %dma_start3A_66 = tpu.memref_squeeze %dma_start3A_65 : memref<1x128xi32, #tpu.memory_space<vmem>> -> memref<128xi32, #tpu.memory_space<vmem>>
      %dma_start3A_67 = arith.constant 0 : i32
      %dma_start3A_68 = arith.constant 0 : i32
      %dma_start3A_69 = tpu.memref_slice %arg2[%dma_start3A_67, %dma_start3A_68] : memref<10000x128xf32, #tpu.memory_space<hbm>> -> memref<10000x128xf32, #tpu.memory_space<hbm>>
      tpu.enqueue_indirect_dma source(%dma_start3A_69 : memref<10000x128xf32, #tpu.memory_space<hbm>>) target(%dma_start3A_63 : memref<128x128xf32, #tpu.memory_space<vmem>>) offsets(%dma_start3A_66 : memref<128xi32, #tpu.memory_space<vmem>>) semaphore(%arg12 : memref<!tpu.dma_semaphore, #tpu.memory_space<semaphore_mem>>)
      %dma_wait3A = arith.constant 0 : i32
      %dma_wait3A_70 = arith.constant 0 : i32
      %dma_wait3A_71 = arith.constant 0 : i32
      %dma_wait3A_72 = tpu.memref_slice %arg8[%dma_wait3A, %dma_wait3A_70, %dma_wait3A_71] : memref<2x128x128xf32, #tpu.memory_space<vmem>> -> memref<1x128x128xf32, #tpu.memory_space<vmem>>
      %dma_wait3A_73 = tpu.memref_squeeze %dma_wait3A_72 : memref<1x128x128xf32, #tpu.memory_space<vmem>> -> memref<128x128xf32, #tpu.memory_space<vmem>>
      %dma_wait3A_74 = arith.constant 0 : i32
      %dma_wait3A_75 = tpu.memref_slice %arg6[%add3A_46, %dma_wait3A_74] : memref<40x128xi32, #tpu.memory_space<vmem>> -> memref<1x128xi32, #tpu.memory_space<vmem>>
      %dma_wait3A_76 = tpu.memref_squeeze %dma_wait3A_75 : memref<1x128xi32, #tpu.memory_space<vmem>> -> memref<128xi32, #tpu.memory_space<vmem>>
      %dma_wait3A_77 = arith.constant 0 : i32
      %dma_wait3A_78 = arith.constant 0 : i32
      %dma_wait3A_79 = tpu.memref_slice %arg2[%dma_wait3A_77, %dma_wait3A_78] : memref<10000x128xf32, #tpu.memory_space<hbm>> -> memref<10000x128xf32, #tpu.memory_space<hbm>>
      tpu.wait_indirect_dma semaphore(%arg11 : memref<!tpu.dma_semaphore, #tpu.memory_space<semaphore_mem>>) src(%dma_wait3A_79 : memref<10000x128xf32, #tpu.memory_space<hbm>>) dst(%dma_wait3A_73 : memref<128x128xf32, #tpu.memory_space<vmem>>)
      %add3A_80 = arith.constant 0 : i32
      %add3A_81 = arith.addi %mul3A_44, %add3A_80 : i32
      %dma_start3A_82 = arith.constant 0 : i32
      %dma_start3A_83 = arith.constant 0 : i32
      %dma_start3A_84 = arith.constant 0 : i32
      %dma_start3A_85 = tpu.memref_slice %arg8[%dma_start3A_82, %dma_start3A_83, %dma_start3A_84] : memref<2x128x128xf32, #tpu.memory_space<vmem>> -> memref<1x128x128xf32, #tpu.memory_space<vmem>>
      %dma_start3A_86 = tpu.memref_squeeze %dma_start3A_85 : memref<1x128x128xf32, #tpu.memory_space<vmem>> -> memref<128x128xf32, #tpu.memory_space<vmem>>
      %dma_start3A_87 = arith.constant 0 : i32
      %dma_start3A_88 = tpu.memref_slice %arg7[%add3A_81, %dma_start3A_87] : memref<40x128xi32, #tpu.memory_space<vmem>> -> memref<1x128xi32, #tpu.memory_space<vmem>>
      %dma_start3A_89 = tpu.memref_squeeze %dma_start3A_88 : memref<1x128xi32, #tpu.memory_space<vmem>> -> memref<128xi32, #tpu.memory_space<vmem>>
      %dma_start3A_90 = arith.constant 0 : i32
      %dma_start3A_91 = arith.constant 0 : i32
      %dma_start3A_92 = tpu.memref_slice %arg10[%dma_start3A_90, %dma_start3A_91] : memref<10112x128xf32, #tpu.memory_space<vmem_shared>> -> memref<10112x128xf32, #tpu.memory_space<vmem_shared>>
      tpu.enqueue_indirect_dma source(%dma_start3A_86 : memref<128x128xf32, #tpu.memory_space<vmem>>) target(%dma_start3A_92 : memref<10112x128xf32, #tpu.memory_space<vmem_shared>>) offsets(%dma_start3A_89 : memref<128xi32, #tpu.memory_space<vmem>>) semaphore(%arg13 : memref<!tpu.dma_semaphore, #tpu.memory_space<semaphore_mem>>) {add = true}
      %dma_wait3A_93 = arith.constant 1 : i32
      %dma_wait3A_94 = arith.constant 0 : i32
      %dma_wait3A_95 = arith.constant 0 : i32
      %dma_wait3A_96 = tpu.memref_slice %arg8[%dma_wait3A_93, %dma_wait3A_94, %dma_wait3A_95] : memref<2x128x128xf32, #tpu.memory_space<vmem>> -> memref<1x128x128xf32, #tpu.memory_space<vmem>>
      %dma_wait3A_97 = tpu.memref_squeeze %dma_wait3A_96 : memref<1x128x128xf32, #tpu.memory_space<vmem>> -> memref<128x128xf32, #tpu.memory_space<vmem>>
      %dma_wait3A_98 = arith.constant 0 : i32
      %dma_wait3A_99 = tpu.memref_slice %arg6[%add3A_58, %dma_wait3A_98] : memref<40x128xi32, #tpu.memory_space<vmem>> -> memref<1x128xi32, #tpu.memory_space<vmem>>
      %dma_wait3A_100 = tpu.memref_squeeze %dma_wait3A_99 : memref<1x128xi32, #tpu.memory_space<vmem>> -> memref<128xi32, #tpu.memory_space<vmem>>
      %dma_wait3A_101 = arith.constant 0 : i32
      %dma_wait3A_102 = arith.constant 0 : i32
      %dma_wait3A_103 = tpu.memref_slice %arg2[%dma_wait3A_101, %dma_wait3A_102] : memref<10000x128xf32, #tpu.memory_space<hbm>> -> memref<10000x128xf32, #tpu.memory_space<hbm>>
      tpu.wait_indirect_dma semaphore(%arg12 : memref<!tpu.dma_semaphore, #tpu.memory_space<semaphore_mem>>) src(%dma_wait3A_103 : memref<10000x128xf32, #tpu.memory_space<hbm>>) dst(%dma_wait3A_97 : memref<128x128xf32, #tpu.memory_space<vmem>>)
      %add3A_104 = arith.constant 1 : i32
      %add3A_105 = arith.addi %mul3A_44, %add3A_104 : i32
      %dma_start3A_106 = arith.constant 1 : i32
      %dma_start3A_107 = arith.constant 0 : i32
      %dma_start3A_108 = arith.constant 0 : i32
      %dma_start3A_109 = tpu.memref_slice %arg8[%dma_start3A_106, %dma_start3A_107, %dma_start3A_108] : memref<2x128x128xf32, #tpu.memory_space<vmem>> -> memref<1x128x128xf32, #tpu.memory_space<vmem>>
      %dma_start3A_110 = tpu.memref_squeeze %dma_start3A_109 : memref<1x128x128xf32, #tpu.memory_space<vmem>> -> memref<128x128xf32, #tpu.memory_space<vmem>>
      %dma_start3A_111 = arith.constant 0 : i32
      %dma_start3A_112 = tpu.memref_slice %arg7[%add3A_105, %dma_start3A_111] : memref<40x128xi32, #tpu.memory_space<vmem>> -> memref<1x128xi32, #tpu.memory_space<vmem>>
      %dma_start3A_113 = tpu.memref_squeeze %dma_start3A_112 : memref<1x128xi32, #tpu.memory_space<vmem>> -> memref<128xi32, #tpu.memory_space<vmem>>
      %dma_start3A_114 = arith.constant 0 : i32
      %dma_start3A_115 = arith.constant 0 : i32
      %dma_start3A_116 = tpu.memref_slice %arg10[%dma_start3A_114, %dma_start3A_115] : memref<10112x128xf32, #tpu.memory_space<vmem_shared>> -> memref<10112x128xf32, #tpu.memory_space<vmem_shared>>
      tpu.enqueue_indirect_dma source(%dma_start3A_110 : memref<128x128xf32, #tpu.memory_space<vmem>>) target(%dma_start3A_116 : memref<10112x128xf32, #tpu.memory_space<vmem_shared>>) offsets(%dma_start3A_113 : memref<128xi32, #tpu.memory_space<vmem>>) semaphore(%arg14 : memref<!tpu.dma_semaphore, #tpu.memory_space<semaphore_mem>>) {add = true}
      %dma_wait3A_117 = arith.constant 0 : i32
      %dma_wait3A_118 = arith.constant 0 : i32
      %dma_wait3A_119 = arith.constant 0 : i32
      %dma_wait3A_120 = tpu.memref_slice %arg8[%dma_wait3A_117, %dma_wait3A_118, %dma_wait3A_119] : memref<2x128x128xf32, #tpu.memory_space<vmem>> -> memref<1x128x128xf32, #tpu.memory_space<vmem>>
      %dma_wait3A_121 = tpu.memref_squeeze %dma_wait3A_120 : memref<1x128x128xf32, #tpu.memory_space<vmem>> -> memref<128x128xf32, #tpu.memory_space<vmem>>
      %dma_wait3A_122 = arith.constant 0 : i32
      %dma_wait3A_123 = tpu.memref_slice %arg7[%add3A_81, %dma_wait3A_122] : memref<40x128xi32, #tpu.memory_space<vmem>> -> memref<1x128xi32, #tpu.memory_space<vmem>>
      %dma_wait3A_124 = tpu.memref_squeeze %dma_wait3A_123 : memref<1x128xi32, #tpu.memory_space<vmem>> -> memref<128xi32, #tpu.memory_space<vmem>>
      %dma_wait3A_125 = arith.constant 0 : i32
      %dma_wait3A_126 = arith.constant 0 : i32
      %dma_wait3A_127 = tpu.memref_slice %arg10[%dma_wait3A_125, %dma_wait3A_126] : memref<10112x128xf32, #tpu.memory_space<vmem_shared>> -> memref<10112x128xf32, #tpu.memory_space<vmem_shared>>
      tpu.wait_indirect_dma semaphore(%arg13 : memref<!tpu.dma_semaphore, #tpu.memory_space<semaphore_mem>>) src(%dma_wait3A_121 : memref<128x128xf32, #tpu.memory_space<vmem>>) dst(%dma_wait3A_127 : memref<10112x128xf32, #tpu.memory_space<vmem_shared>>)
      %dma_wait3A_128 = arith.constant 1 : i32
      %dma_wait3A_129 = arith.constant 0 : i32
      %dma_wait3A_130 = arith.constant 0 : i32
      %dma_wait3A_131 = tpu.memref_slice %arg8[%dma_wait3A_128, %dma_wait3A_129, %dma_wait3A_130] : memref<2x128x128xf32, #tpu.memory_space<vmem>> -> memref<1x128x128xf32, #tpu.memory_space<vmem>>
      %dma_wait3A_132 = tpu.memref_squeeze %dma_wait3A_131 : memref<1x128x128xf32, #tpu.memory_space<vmem>> -> memref<128x128xf32, #tpu.memory_space<vmem>>
      %dma_wait3A_133 = arith.constant 0 : i32
      %dma_wait3A_134 = tpu.memref_slice %arg7[%add3A_105, %dma_wait3A_133] : memref<40x128xi32, #tpu.memory_space<vmem>> -> memref<1x128xi32, #tpu.memory_space<vmem>>
      %dma_wait3A_135 = tpu.memref_squeeze %dma_wait3A_134 : memref<1x128xi32, #tpu.memory_space<vmem>> -> memref<128xi32, #tpu.memory_space<vmem>>
      %dma_wait3A_136 = arith.constant 0 : i32
      %dma_wait3A_137 = arith.constant 0 : i32
      %dma_wait3A_138 = tpu.memref_slice %arg10[%dma_wait3A_136, %dma_wait3A_137] : memref<10112x128xf32, #tpu.memory_space<vmem_shared>> -> memref<10112x128xf32, #tpu.memory_space<vmem_shared>>
      tpu.wait_indirect_dma semaphore(%arg14 : memref<!tpu.dma_semaphore, #tpu.memory_space<semaphore_mem>>) src(%dma_wait3A_132 : memref<128x128xf32, #tpu.memory_space<vmem>>) dst(%dma_wait3A_138 : memref<10112x128xf32, #tpu.memory_space<vmem_shared>>)
    }
    %scan3A_23 = arith.constant 20 : i32
    %mul3A_24 = arith.constant 80 : i32
    %mul3A_25 = arith.muli %add3A, %mul3A_24 : i32
    %add3A_26 = arith.constant 40 : i32
    %add3A_27 = arith.addi %mul3A_25, %add3A_26 : i32
    "tpu.region"() ({
      %run_scoped3A = tpu.sem_alloc : memref<!tpu.dma_semaphore, #tpu.memory_space<semaphore_mem>>
      %dma_start3A = arith.constant 0 : i32
      %dma_start3A_42 = tpu.memref_slice %arg3[%add3A_27, %dma_start3A] : memref<2560x128xi32, #tpu.memory_space<hbm>> -> memref<40x128xi32, #tpu.memory_space<hbm>>
      %dma_start3A_43 = arith.constant 0 : i32
      %dma_start3A_44 = tpu.memref_slice %arg3[%add3A_27, %dma_start3A_43] : memref<2560x128xi32, #tpu.memory_space<hbm>> -> memref<40x128xi32, #tpu.memory_space<hbm>>
      tpu.enqueue_dma source(%dma_start3A_44 : memref<40x128xi32, #tpu.memory_space<hbm>>) target(%arg6 : memref<40x128xi32, #tpu.memory_space<vmem>>) target_semaphore(%run_scoped3A : memref<!tpu.dma_semaphore, #tpu.memory_space<semaphore_mem>>)
      %dma_wait3A = arith.constant 0 : i32
      %dma_wait3A_45 = tpu.memref_slice %arg3[%add3A_27, %dma_wait3A] : memref<2560x128xi32, #tpu.memory_space<hbm>> -> memref<40x128xi32, #tpu.memory_space<hbm>>
      %dma_wait3A_46 = arith.constant 0 : i32
      %dma_wait3A_47 = tpu.memref_slice %arg3[%add3A_27, %dma_wait3A_46] : memref<2560x128xi32, #tpu.memory_space<hbm>> -> memref<40x128xi32, #tpu.memory_space<hbm>>
      tpu.wait_dma2 semaphore(%run_scoped3A : memref<!tpu.dma_semaphore, #tpu.memory_space<semaphore_mem>>) src(%dma_wait3A_47 : memref<40x128xi32, #tpu.memory_space<hbm>>) dst(%arg6 : memref<40x128xi32, #tpu.memory_space<vmem>>)
      tpu.yield
    }) : () -> ()
    "tpu.region"() ({
      %run_scoped3A = tpu.sem_alloc : memref<!tpu.dma_semaphore, #tpu.memory_space<semaphore_mem>>
      %dma_start3A = arith.constant 0 : i32
      %dma_start3A_42 = tpu.memref_slice %arg4[%add3A_27, %dma_start3A] : memref<2560x128xi32, #tpu.memory_space<hbm>> -> memref<40x128xi32, #tpu.memory_space<hbm>>
      %dma_start3A_43 = arith.constant 0 : i32
      %dma_start3A_44 = tpu.memref_slice %arg4[%add3A_27, %dma_start3A_43] : memref<2560x128xi32, #tpu.memory_space<hbm>> -> memref<40x128xi32, #tpu.memory_space<hbm>>
      tpu.enqueue_dma source(%dma_start3A_44 : memref<40x128xi32, #tpu.memory_space<hbm>>) target(%arg7 : memref<40x128xi32, #tpu.memory_space<vmem>>) target_semaphore(%run_scoped3A : memref<!tpu.dma_semaphore, #tpu.memory_space<semaphore_mem>>)
      %dma_wait3A = arith.constant 0 : i32
      %dma_wait3A_45 = tpu.memref_slice %arg4[%add3A_27, %dma_wait3A] : memref<2560x128xi32, #tpu.memory_space<hbm>> -> memref<40x128xi32, #tpu.memory_space<hbm>>
      %dma_wait3A_46 = arith.constant 0 : i32
      %dma_wait3A_47 = tpu.memref_slice %arg4[%add3A_27, %dma_wait3A_46] : memref<2560x128xi32, #tpu.memory_space<hbm>> -> memref<40x128xi32, #tpu.memory_space<hbm>>
      tpu.wait_dma2 semaphore(%run_scoped3A : memref<!tpu.dma_semaphore, #tpu.memory_space<semaphore_mem>>) src(%dma_wait3A_47 : memref<40x128xi32, #tpu.memory_space<hbm>>) dst(%arg7 : memref<40x128xi32, #tpu.memory_space<vmem>>)
      tpu.yield
    }) : () -> ()
    %scan3A_28 = arith.constant 0 : i32
    %scan3A_29 = arith.constant 0 : i32
    %scan3A_30 = arith.constant 20 : i32
    %scan3A_31 = arith.addi %scan3A_29, %scan3A_30 : i32
    %scan3A_32 = arith.constant 1 : i32
    scf.for %scan3A_42 = %scan3A_29 to %scan3A_31 step %scan3A_32  : i32 {
      %mul3A_43 = arith.constant 2 : i32
      %mul3A_44 = arith.muli %scan3A_42, %mul3A_43 : i32
      %add3A_45 = arith.constant 0 : i32
      %add3A_46 = arith.addi %mul3A_44, %add3A_45 : i32
      %dma_start3A = arith.constant 0 : i32
      %dma_start3A_47 = arith.constant 0 : i32
      %dma_start3A_48 = arith.constant 0 : i32
      %dma_start3A_49 = tpu.memref_slice %arg8[%dma_start3A, %dma_start3A_47, %dma_start3A_48] : memref<2x128x128xf32, #tpu.memory_space<vmem>> -> memref<1x128x128xf32, #tpu.memory_space<vmem>>
      %dma_start3A_50 = tpu.memref_squeeze %dma_start3A_49 : memref<1x128x128xf32, #tpu.memory_space<vmem>> -> memref<128x128xf32, #tpu.memory_space<vmem>>
      %dma_start3A_51 = arith.constant 0 : i32
      %dma_start3A_52 = tpu.memref_slice %arg6[%add3A_46, %dma_start3A_51] : memref<40x128xi32, #tpu.memory_space<vmem>> -> memref<1x128xi32, #tpu.memory_space<vmem>>
      %dma_start3A_53 = tpu.memref_squeeze %dma_start3A_52 : memref<1x128xi32, #tpu.memory_space<vmem>> -> memref<128xi32, #tpu.memory_space<vmem>>
      %dma_start3A_54 = arith.constant 0 : i32
      %dma_start3A_55 = arith.constant 0 : i32
      %dma_start3A_56 = tpu.memref_slice %arg2[%dma_start3A_54, %dma_start3A_55] : memref<10000x128xf32, #tpu.memory_space<hbm>> -> memref<10000x128xf32, #tpu.memory_space<hbm>>
      tpu.enqueue_indirect_dma source(%dma_start3A_56 : memref<10000x128xf32, #tpu.memory_space<hbm>>) target(%dma_start3A_50 : memref<128x128xf32, #tpu.memory_space<vmem>>) offsets(%dma_start3A_53 : memref<128xi32, #tpu.memory_space<vmem>>) semaphore(%arg11 : memref<!tpu.dma_semaphore, #tpu.memory_space<semaphore_mem>>)
      %add3A_57 = arith.constant 1 : i32
      %add3A_58 = arith.addi %mul3A_44, %add3A_57 : i32
      %dma_start3A_59 = arith.constant 1 : i32
      %dma_start3A_60 = arith.constant 0 : i32
      %dma_start3A_61 = arith.constant 0 : i32
      %dma_start3A_62 = tpu.memref_slice %arg8[%dma_start3A_59, %dma_start3A_60, %dma_start3A_61] : memref<2x128x128xf32, #tpu.memory_space<vmem>> -> memref<1x128x128xf32, #tpu.memory_space<vmem>>
      %dma_start3A_63 = tpu.memref_squeeze %dma_start3A_62 : memref<1x128x128xf32, #tpu.memory_space<vmem>> -> memref<128x128xf32, #tpu.memory_space<vmem>>
      %dma_start3A_64 = arith.constant 0 : i32
      %dma_start3A_65 = tpu.memref_slice %arg6[%add3A_58, %dma_start3A_64] : memref<40x128xi32, #tpu.memory_space<vmem>> -> memref<1x128xi32, #tpu.memory_space<vmem>>
      %dma_start3A_66 = tpu.memref_squeeze %dma_start3A_65 : memref<1x128xi32, #tpu.memory_space<vmem>> -> memref<128xi32, #tpu.memory_space<vmem>>
      %dma_start3A_67 = arith.constant 0 : i32
      %dma_start3A_68 = arith.constant 0 : i32
      %dma_start3A_69 = tpu.memref_slice %arg2[%dma_start3A_67, %dma_start3A_68] : memref<10000x128xf32, #tpu.memory_space<hbm>> -> memref<10000x128xf32, #tpu.memory_space<hbm>>
      tpu.enqueue_indirect_dma source(%dma_start3A_69 : memref<10000x128xf32, #tpu.memory_space<hbm>>) target(%dma_start3A_63 : memref<128x128xf32, #tpu.memory_space<vmem>>) offsets(%dma_start3A_66 : memref<128xi32, #tpu.memory_space<vmem>>) semaphore(%arg12 : memref<!tpu.dma_semaphore, #tpu.memory_space<semaphore_mem>>)
      %dma_wait3A = arith.constant 0 : i32
      %dma_wait3A_70 = arith.constant 0 : i32
      %dma_wait3A_71 = arith.constant 0 : i32
      %dma_wait3A_72 = tpu.memref_slice %arg8[%dma_wait3A, %dma_wait3A_70, %dma_wait3A_71] : memref<2x128x128xf32, #tpu.memory_space<vmem>> -> memref<1x128x128xf32, #tpu.memory_space<vmem>>
      %dma_wait3A_73 = tpu.memref_squeeze %dma_wait3A_72 : memref<1x128x128xf32, #tpu.memory_space<vmem>> -> memref<128x128xf32, #tpu.memory_space<vmem>>
      %dma_wait3A_74 = arith.constant 0 : i32
      %dma_wait3A_75 = tpu.memref_slice %arg6[%add3A_46, %dma_wait3A_74] : memref<40x128xi32, #tpu.memory_space<vmem>> -> memref<1x128xi32, #tpu.memory_space<vmem>>
      %dma_wait3A_76 = tpu.memref_squeeze %dma_wait3A_75 : memref<1x128xi32, #tpu.memory_space<vmem>> -> memref<128xi32, #tpu.memory_space<vmem>>
      %dma_wait3A_77 = arith.constant 0 : i32
      %dma_wait3A_78 = arith.constant 0 : i32
      %dma_wait3A_79 = tpu.memref_slice %arg2[%dma_wait3A_77, %dma_wait3A_78] : memref<10000x128xf32, #tpu.memory_space<hbm>> -> memref<10000x128xf32, #tpu.memory_space<hbm>>
      tpu.wait_indirect_dma semaphore(%arg11 : memref<!tpu.dma_semaphore, #tpu.memory_space<semaphore_mem>>) src(%dma_wait3A_79 : memref<10000x128xf32, #tpu.memory_space<hbm>>) dst(%dma_wait3A_73 : memref<128x128xf32, #tpu.memory_space<vmem>>)
      %add3A_80 = arith.constant 0 : i32
      %add3A_81 = arith.addi %mul3A_44, %add3A_80 : i32
      %dma_start3A_82 = arith.constant 0 : i32
      %dma_start3A_83 = arith.constant 0 : i32
      %dma_start3A_84 = arith.constant 0 : i32
      %dma_start3A_85 = tpu.memref_slice %arg8[%dma_start3A_82, %dma_start3A_83, %dma_start3A_84] : memref<2x128x128xf32, #tpu.memory_space<vmem>> -> memref<1x128x128xf32, #tpu.memory_space<vmem>>
      %dma_start3A_86 = tpu.memref_squeeze %dma_start3A_85 : memref<1x128x128xf32, #tpu.memory_space<vmem>> -> memref<128x128xf32, #tpu.memory_space<vmem>>
      %dma_start3A_87 = arith.constant 0 : i32
      %dma_start3A_88 = tpu.memref_slice %arg7[%add3A_81, %dma_start3A_87] : memref<40x128xi32, #tpu.memory_space<vmem>> -> memref<1x128xi32, #tpu.memory_space<vmem>>
      %dma_start3A_89 = tpu.memref_squeeze %dma_start3A_88 : memref<1x128xi32, #tpu.memory_space<vmem>> -> memref<128xi32, #tpu.memory_space<vmem>>
      %dma_start3A_90 = arith.constant 0 : i32
      %dma_start3A_91 = arith.constant 0 : i32
      %dma_start3A_92 = tpu.memref_slice %arg10[%dma_start3A_90, %dma_start3A_91] : memref<10112x128xf32, #tpu.memory_space<vmem_shared>> -> memref<10112x128xf32, #tpu.memory_space<vmem_shared>>
      tpu.enqueue_indirect_dma source(%dma_start3A_86 : memref<128x128xf32, #tpu.memory_space<vmem>>) target(%dma_start3A_92 : memref<10112x128xf32, #tpu.memory_space<vmem_shared>>) offsets(%dma_start3A_89 : memref<128xi32, #tpu.memory_space<vmem>>) semaphore(%arg13 : memref<!tpu.dma_semaphore, #tpu.memory_space<semaphore_mem>>) {add = true}
      %dma_wait3A_93 = arith.constant 1 : i32
      %dma_wait3A_94 = arith.constant 0 : i32
      %dma_wait3A_95 = arith.constant 0 : i32
      %dma_wait3A_96 = tpu.memref_slice %arg8[%dma_wait3A_93, %dma_wait3A_94, %dma_wait3A_95] : memref<2x128x128xf32, #tpu.memory_space<vmem>> -> memref<1x128x128xf32, #tpu.memory_space<vmem>>
      %dma_wait3A_97 = tpu.memref_squeeze %dma_wait3A_96 : memref<1x128x128xf32, #tpu.memory_space<vmem>> -> memref<128x128xf32, #tpu.memory_space<vmem>>
      %dma_wait3A_98 = arith.constant 0 : i32
      %dma_wait3A_99 = tpu.memref_slice %arg6[%add3A_58, %dma_wait3A_98] : memref<40x128xi32, #tpu.memory_space<vmem>> -> memref<1x128xi32, #tpu.memory_space<vmem>>
      %dma_wait3A_100 = tpu.memref_squeeze %dma_wait3A_99 : memref<1x128xi32, #tpu.memory_space<vmem>> -> memref<128xi32, #tpu.memory_space<vmem>>
      %dma_wait3A_101 = arith.constant 0 : i32
      %dma_wait3A_102 = arith.constant 0 : i32
      %dma_wait3A_103 = tpu.memref_slice %arg2[%dma_wait3A_101, %dma_wait3A_102] : memref<10000x128xf32, #tpu.memory_space<hbm>> -> memref<10000x128xf32, #tpu.memory_space<hbm>>
      tpu.wait_indirect_dma semaphore(%arg12 : memref<!tpu.dma_semaphore, #tpu.memory_space<semaphore_mem>>) src(%dma_wait3A_103 : memref<10000x128xf32, #tpu.memory_space<hbm>>) dst(%dma_wait3A_97 : memref<128x128xf32, #tpu.memory_space<vmem>>)
      %add3A_104 = arith.constant 1 : i32
      %add3A_105 = arith.addi %mul3A_44, %add3A_104 : i32
      %dma_start3A_106 = arith.constant 1 : i32
      %dma_start3A_107 = arith.constant 0 : i32
      %dma_start3A_108 = arith.constant 0 : i32
      %dma_start3A_109 = tpu.memref_slice %arg8[%dma_start3A_106, %dma_start3A_107, %dma_start3A_108] : memref<2x128x128xf32, #tpu.memory_space<vmem>> -> memref<1x128x128xf32, #tpu.memory_space<vmem>>
      %dma_start3A_110 = tpu.memref_squeeze %dma_start3A_109 : memref<1x128x128xf32, #tpu.memory_space<vmem>> -> memref<128x128xf32, #tpu.memory_space<vmem>>
      %dma_start3A_111 = arith.constant 0 : i32
      %dma_start3A_112 = tpu.memref_slice %arg7[%add3A_105, %dma_start3A_111] : memref<40x128xi32, #tpu.memory_space<vmem>> -> memref<1x128xi32, #tpu.memory_space<vmem>>
      %dma_start3A_113 = tpu.memref_squeeze %dma_start3A_112 : memref<1x128xi32, #tpu.memory_space<vmem>> -> memref<128xi32, #tpu.memory_space<vmem>>
      %dma_start3A_114 = arith.constant 0 : i32
      %dma_start3A_115 = arith.constant 0 : i32
      %dma_start3A_116 = tpu.memref_slice %arg10[%dma_start3A_114, %dma_start3A_115] : memref<10112x128xf32, #tpu.memory_space<vmem_shared>> -> memref<10112x128xf32, #tpu.memory_space<vmem_shared>>
      tpu.enqueue_indirect_dma source(%dma_start3A_110 : memref<128x128xf32, #tpu.memory_space<vmem>>) target(%dma_start3A_116 : memref<10112x128xf32, #tpu.memory_space<vmem_shared>>) offsets(%dma_start3A_113 : memref<128xi32, #tpu.memory_space<vmem>>) semaphore(%arg14 : memref<!tpu.dma_semaphore, #tpu.memory_space<semaphore_mem>>) {add = true}
      %dma_wait3A_117 = arith.constant 0 : i32
      %dma_wait3A_118 = arith.constant 0 : i32
      %dma_wait3A_119 = arith.constant 0 : i32
      %dma_wait3A_120 = tpu.memref_slice %arg8[%dma_wait3A_117, %dma_wait3A_118, %dma_wait3A_119] : memref<2x128x128xf32, #tpu.memory_space<vmem>> -> memref<1x128x128xf32, #tpu.memory_space<vmem>>
      %dma_wait3A_121 = tpu.memref_squeeze %dma_wait3A_120 : memref<1x128x128xf32, #tpu.memory_space<vmem>> -> memref<128x128xf32, #tpu.memory_space<vmem>>
      %dma_wait3A_122 = arith.constant 0 : i32
      %dma_wait3A_123 = tpu.memref_slice %arg7[%add3A_81, %dma_wait3A_122] : memref<40x128xi32, #tpu.memory_space<vmem>> -> memref<1x128xi32, #tpu.memory_space<vmem>>
      %dma_wait3A_124 = tpu.memref_squeeze %dma_wait3A_123 : memref<1x128xi32, #tpu.memory_space<vmem>> -> memref<128xi32, #tpu.memory_space<vmem>>
      %dma_wait3A_125 = arith.constant 0 : i32
      %dma_wait3A_126 = arith.constant 0 : i32
      %dma_wait3A_127 = tpu.memref_slice %arg10[%dma_wait3A_125, %dma_wait3A_126] : memref<10112x128xf32, #tpu.memory_space<vmem_shared>> -> memref<10112x128xf32, #tpu.memory_space<vmem_shared>>
      tpu.wait_indirect_dma semaphore(%arg13 : memref<!tpu.dma_semaphore, #tpu.memory_space<semaphore_mem>>) src(%dma_wait3A_121 : memref<128x128xf32, #tpu.memory_space<vmem>>) dst(%dma_wait3A_127 : memref<10112x128xf32, #tpu.memory_space<vmem_shared>>)
      %dma_wait3A_128 = arith.constant 1 : i32
      %dma_wait3A_129 = arith.constant 0 : i32
      %dma_wait3A_130 = arith.constant 0 : i32
      %dma_wait3A_131 = tpu.memref_slice %arg8[%dma_wait3A_128, %dma_wait3A_129, %dma_wait3A_130] : memref<2x128x128xf32, #tpu.memory_space<vmem>> -> memref<1x128x128xf32, #tpu.memory_space<vmem>>
      %dma_wait3A_132 = tpu.memref_squeeze %dma_wait3A_131 : memref<1x128x128xf32, #tpu.memory_space<vmem>> -> memref<128x128xf32, #tpu.memory_space<vmem>>
      %dma_wait3A_133 = arith.constant 0 : i32
      %dma_wait3A_134 = tpu.memref_slice %arg7[%add3A_105, %dma_wait3A_133] : memref<40x128xi32, #tpu.memory_space<vmem>> -> memref<1x128xi32, #tpu.memory_space<vmem>>
      %dma_wait3A_135 = tpu.memref_squeeze %dma_wait3A_134 : memref<1x128xi32, #tpu.memory_space<vmem>> -> memref<128xi32, #tpu.memory_space<vmem>>
      %dma_wait3A_136 = arith.constant 0 : i32
      %dma_wait3A_137 = arith.constant 0 : i32
      %dma_wait3A_138 = tpu.memref_slice %arg10[%dma_wait3A_136, %dma_wait3A_137] : memref<10112x128xf32, #tpu.memory_space<vmem_shared>> -> memref<10112x128xf32, #tpu.memory_space<vmem_shared>>
      tpu.wait_indirect_dma semaphore(%arg14 : memref<!tpu.dma_semaphore, #tpu.memory_space<semaphore_mem>>) src(%dma_wait3A_132 : memref<128x128xf32, #tpu.memory_space<vmem>>) dst(%dma_wait3A_138 : memref<10112x128xf32, #tpu.memory_space<vmem_shared>>)
    }
    %scan3A_33 = arith.constant 20 : i32
    %delay3A_34 = arith.constant 10000 : i32
    tpu.delay %delay3A_34
    %barrier3A_35 = arith.constant 0 : index
    tpu.barrier barrier_id(%barrier3A_35)
    %lt3A = arith.constant 15 : i32
    %lt3A_36 = arith.cmpi slt, %arg1, %lt3A : i32
    %convert_element_type3A = arith.extui %lt3A_36 : i1 to i32
    %cond3A = arith.constant 0 : i32
    %cond3A_37 = arith.cmpi ne, %convert_element_type3A, %cond3A : i32
    scf.if %cond3A_37 {
      %mul3A_42 = arith.constant 632 : i32
      %mul3A_43 = arith.muli %arg1, %mul3A_42 : i32
      %mul3A_44 = arith.constant 632 : i32
      %mul3A_45 = arith.muli %arg1, %mul3A_44 : i32
      "tpu.region"() ({
        %run_scoped3A = tpu.sem_alloc : memref<!tpu.dma_semaphore, #tpu.memory_space<semaphore_mem>>
        %dma_start3A = arith.constant 0 : i32
        %dma_start3A_46 = tpu.memref_slice %arg5[%arg0, %mul3A_45, %dma_start3A] : memref<2x10000x128xf32, #tpu.memory_space<hbm>> -> memref<1x632x128xf32, #tpu.memory_space<hbm>>
        %dma_start3A_47 = tpu.memref_squeeze %dma_start3A_46 : memref<1x632x128xf32, #tpu.memory_space<hbm>> -> memref<632x128xf32, #tpu.memory_space<hbm>>
        %dma_start3A_48 = arith.constant 0 : i32
        %dma_start3A_49 = tpu.memref_slice %arg10[%mul3A_43, %dma_start3A_48] : memref<10112x128xf32, #tpu.memory_space<vmem_shared>> -> memref<632x128xf32, #tpu.memory_space<vmem_shared>>
        tpu.enqueue_dma source(%dma_start3A_49 : memref<632x128xf32, #tpu.memory_space<vmem_shared>>) target(%dma_start3A_47 : memref<632x128xf32, #tpu.memory_space<hbm>>) target_semaphore(%run_scoped3A : memref<!tpu.dma_semaphore, #tpu.memory_space<semaphore_mem>>)
        %dma_wait3A = arith.constant 0 : i32
        %dma_wait3A_50 = tpu.memref_slice %arg5[%arg0, %mul3A_45, %dma_wait3A] : memref<2x10000x128xf32, #tpu.memory_space<hbm>> -> memref<1x632x128xf32, #tpu.memory_space<hbm>>
        %dma_wait3A_51 = tpu.memref_squeeze %dma_wait3A_50 : memref<1x632x128xf32, #tpu.memory_space<hbm>> -> memref<632x128xf32, #tpu.memory_space<hbm>>
        %dma_wait3A_52 = arith.constant 0 : i32
        %dma_wait3A_53 = tpu.memref_slice %arg10[%mul3A_43, %dma_wait3A_52] : memref<10112x128xf32, #tpu.memory_space<vmem_shared>> -> memref<632x128xf32, #tpu.memory_space<vmem_shared>>
        tpu.wait_dma2 semaphore(%run_scoped3A : memref<!tpu.dma_semaphore, #tpu.memory_space<semaphore_mem>>) src(%dma_wait3A_53 : memref<632x128xf32, #tpu.memory_space<vmem_shared>>) dst(%dma_wait3A_51 : memref<632x128xf32, #tpu.memory_space<hbm>>)
        tpu.yield
      }) : () -> ()
    } else {
    }
    %eq3A = arith.constant 15 : i32
    %eq3A_38 = arith.cmpi eq, %arg1, %eq3A : i32
    %convert_element_type3A_39 = arith.extui %eq3A_38 : i1 to i32
    %cond3A_40 = arith.constant 0 : i32
    %cond3A_41 = arith.cmpi ne, %convert_element_type3A_39, %cond3A_40 : i32
    scf.if %cond3A_41 {
      "tpu.region"() ({
        %run_scoped3A = tpu.sem_alloc : memref<!tpu.dma_semaphore, #tpu.memory_space<semaphore_mem>>
        %dma_start3A = arith.constant 9480 : i32
        %dma_start3A_42 = arith.constant 0 : i32
        %dma_start3A_43 = tpu.memref_slice %arg5[%arg0, %dma_start3A, %dma_start3A_42] : memref<2x10000x128xf32, #tpu.memory_space<hbm>> -> memref<1x520x128xf32, #tpu.memory_space<hbm>>
        %dma_start3A_44 = tpu.memref_squeeze %dma_start3A_43 : memref<1x520x128xf32, #tpu.memory_space<hbm>> -> memref<520x128xf32, #tpu.memory_space<hbm>>
        %dma_start3A_45 = arith.constant 9480 : i32
        %dma_start3A_46 = arith.constant 0 : i32
        %dma_start3A_47 = tpu.memref_slice %arg10[%dma_start3A_45, %dma_start3A_46] : memref<10112x128xf32, #tpu.memory_space<vmem_shared>> -> memref<520x128xf32, #tpu.memory_space<vmem_shared>>
        tpu.enqueue_dma source(%dma_start3A_47 : memref<520x128xf32, #tpu.memory_space<vmem_shared>>) target(%dma_start3A_44 : memref<520x128xf32, #tpu.memory_space<hbm>>) target_semaphore(%run_scoped3A : memref<!tpu.dma_semaphore, #tpu.memory_space<semaphore_mem>>)
        %dma_wait3A = arith.constant 9480 : i32
        %dma_wait3A_48 = arith.constant 0 : i32
        %dma_wait3A_49 = tpu.memref_slice %arg5[%arg0, %dma_wait3A, %dma_wait3A_48] : memref<2x10000x128xf32, #tpu.memory_space<hbm>> -> memref<1x520x128xf32, #tpu.memory_space<hbm>>
        %dma_wait3A_50 = tpu.memref_squeeze %dma_wait3A_49 : memref<1x520x128xf32, #tpu.memory_space<hbm>> -> memref<520x128xf32, #tpu.memory_space<hbm>>
        %dma_wait3A_51 = arith.constant 9480 : i32
        %dma_wait3A_52 = arith.constant 0 : i32
        %dma_wait3A_53 = tpu.memref_slice %arg10[%dma_wait3A_51, %dma_wait3A_52] : memref<10112x128xf32, #tpu.memory_space<vmem_shared>> -> memref<520x128xf32, #tpu.memory_space<vmem_shared>>
        tpu.wait_dma2 semaphore(%run_scoped3A : memref<!tpu.dma_semaphore, #tpu.memory_space<semaphore_mem>>) src(%dma_wait3A_53 : memref<520x128xf32, #tpu.memory_space<vmem_shared>>) dst(%dma_wait3A_50 : memref<520x128xf32, #tpu.memory_space<hbm>>)
        tpu.yield
      }) : () -> ()
    } else {
    }
    return
  }
}

module attributes {stable_mosaic.version = 14 : i64} {
  func.func @body(%arg0: memref<10000x128xf32, #tpu.memory_space<vmem>>, %arg1: memref<128x128xf32, #tpu.memory_space<vmem>>, %arg2: memref<10000x2xf32, #tpu.memory_space<vmem>>, %arg3: memref<10000x128xf32, #tpu.memory_space<vmem>>, %arg4: memref<10000x128xf32, #tpu.memory_space<vmem>>, %arg5: memref<10000x1xf32, #tpu.memory_space<vmem>>) attributes {dimension_semantics = [], scalar_prefetch = 0 : i64, scratch_operands = 0 : i64, tpu.core_type = #tpu.core_type<tc>} {
    %get3A = arith.constant 0 : index
    %get3A_0 = arith.constant 0 : index
    %get3A_1 = vector.load %arg2[%get3A, %get3A_0] : memref<10000x2xf32, #tpu.memory_space<vmem>>, vector<10000x2xf32>
    %reduce_sum3A = arith.constant dense<0.000000e+00> : vector<10000xf32>
    %reduce_sum3A_2 = vector.multi_reduction <add>, %get3A_1, %reduce_sum3A [1] : vector<10000x2xf32> to vector<10000xf32>
    %broadcast_in_dim3A = vector.shape_cast %reduce_sum3A_2 : vector<10000xf32> to vector<10000x1xf32>
    %add3A = arith.constant 1.000000e+00 : f32
    %add3A_3 = vector.broadcast %add3A : f32 to vector<10000x1xf32>
    %add3A_4 = arith.addf %broadcast_in_dim3A, %add3A_3 : vector<10000x1xf32>
    %rsqrt3A = math.rsqrt %add3A_4 : vector<10000x1xf32>
    %get3A_5 = arith.constant 0 : index
    %get3A_6 = arith.constant 0 : index
    %get3A_7 = vector.load %arg0[%get3A_5, %get3A_6] : memref<10000x128xf32, #tpu.memory_space<vmem>>, vector<10000x128xf32>
    %get3A_8 = arith.constant 0 : index
    %get3A_9 = arith.constant 0 : index
    %get3A_10 = vector.load %arg1[%get3A_8, %get3A_9] : memref<128x128xf32, #tpu.memory_space<vmem>>, vector<128x128xf32>
    %dot_general3A = arith.constant dense<0.000000e+00> : vector<10000x128xf32>
    %dot_general3A_11 = tpu.matmul %get3A_7, %get3A_10, %dot_general3A {dimension_numbers = #tpu.dot_dimension_numbers<[1], [0], [0], [1], [0, 0, 1, 1], [], []>, transpose_lhs_hint = false} : vector<10000x128xf32>, vector<128x128xf32>, vector<10000x128xf32> -> vector<10000x128xf32>
    %swap3A = arith.constant 0 : index
    %swap3A_12 = arith.constant 0 : index
    %swap3A_13 = vector.load %arg3[%swap3A, %swap3A_12] : memref<10000x128xf32, #tpu.memory_space<vmem>>, vector<10000x128xf32>
    tpu.vector_store %arg3[%swap3A, %swap3A_12], %dot_general3A_11 {strides = array<i32>} : memref<10000x128xf32, #tpu.memory_space<vmem>>, vector<10000x128xf32>,
    %mul3A = vector.broadcast %rsqrt3A : vector<10000x1xf32> to vector<10000x128xf32>
    %mul3A_14 = arith.mulf %dot_general3A_11, %mul3A : vector<10000x128xf32>
    %swap3A_15 = arith.constant 0 : index
    %swap3A_16 = arith.constant 0 : index
    %swap3A_17 = vector.load %arg4[%swap3A_15, %swap3A_16] : memref<10000x128xf32, #tpu.memory_space<vmem>>, vector<10000x128xf32>
    tpu.vector_store %arg4[%swap3A_15, %swap3A_16], %mul3A_14 {strides = array<i32>} : memref<10000x128xf32, #tpu.memory_space<vmem>>, vector<10000x128xf32>,
    %swap3A_18 = arith.constant 0 : index
    %swap3A_19 = arith.constant 0 : index
    %swap3A_20 = vector.load %arg5[%swap3A_18, %swap3A_19] : memref<10000x1xf32, #tpu.memory_space<vmem>>, vector<10000x1xf32>
    tpu.vector_store %arg5[%swap3A_18, %swap3A_19], %rsqrt3A {strides = array<i32>} : memref<10000x1xf32, #tpu.memory_space<vmem>>, vector<10000x1xf32>,
    return
  }
}

module attributes {stable_mosaic.version = 14 : i64} {
  func.func @body(%arg0: memref<2x10000x128xf32, #tpu.memory_space<vmem>>, %arg1: memref<10000x128xf32, #tpu.memory_space<vmem>>, %arg2: memref<10000x1xf32, #tpu.memory_space<vmem>>, %arg3: memref<1x128xf32, #tpu.memory_space<vmem>>, %arg4: memref<1x128xf32, #tpu.memory_space<vmem>>, %arg5: memref<1x128xf32, #tpu.memory_space<vmem>>, %arg6: memref<128x128xf32, #tpu.memory_space<vmem>>, %arg7: memref<10000x128xf32, #tpu.memory_space<vmem>>, %arg8: memref<10000x128xf32, #tpu.memory_space<vmem>>) attributes {dimension_semantics = [], scalar_prefetch = 0 : i64, scratch_operands = 0 : i64, tpu.core_type = #tpu.core_type<tc>} {
    %get3A = arith.constant 0 : index
    %get3A_0 = arith.constant 0 : index
    %get3A_1 = vector.load %arg2[%get3A, %get3A_0] : memref<10000x1xf32, #tpu.memory_space<vmem>>, vector<10000x1xf32>
    %get3A_2 = arith.constant 0 : index
    %get3A_3 = arith.constant 0 : index
    %get3A_4 = vector.load %arg1[%get3A_2, %get3A_3] : memref<10000x128xf32, #tpu.memory_space<vmem>>, vector<10000x128xf32>
    %get3A_5 = arith.constant 0 : index
    %get3A_6 = arith.constant 0 : index
    %get3A_7 = vector.load %arg3[%get3A_5, %get3A_6] : memref<1x128xf32, #tpu.memory_space<vmem>>, vector<1x128xf32>
    %get3A_8 = arith.constant 0 : index
    %get3A_9 = arith.constant 0 : index
    %get3A_10 = arith.constant 0 : index
    %get3A_11 = vector.load %arg0[%get3A_8, %get3A_9, %get3A_10] : memref<2x10000x128xf32, #tpu.memory_space<vmem>>, vector<1x10000x128xf32>
    %get3A_12 = vector.shape_cast %get3A_11 : vector<1x10000x128xf32> to vector<10000x128xf32>
    %get3A_13 = arith.constant 1 : index
    %get3A_14 = arith.constant 0 : index
    %get3A_15 = arith.constant 0 : index
    %get3A_16 = vector.load %arg0[%get3A_13, %get3A_14, %get3A_15] : memref<2x10000x128xf32, #tpu.memory_space<vmem>>, vector<1x10000x128xf32>
    %get3A_17 = vector.shape_cast %get3A_16 : vector<1x10000x128xf32> to vector<10000x128xf32>
    %add3A = arith.addf %get3A_12, %get3A_17 : vector<10000x128xf32>
    %mul3A = vector.broadcast %get3A_1 : vector<10000x1xf32> to vector<10000x128xf32>
    %mul3A_18 = arith.mulf %mul3A, %add3A : vector<10000x128xf32>
    %mul3A_19 = arith.mulf %get3A_1, %get3A_1 : vector<10000x1xf32>
    %mul3A_20 = vector.broadcast %mul3A_19 : vector<10000x1xf32> to vector<10000x128xf32>
    %mul3A_21 = arith.mulf %mul3A_20, %get3A_4 : vector<10000x128xf32>
    %add3A_22 = arith.addf %mul3A_18, %mul3A_21 : vector<10000x128xf32>
    %add3A_23 = vector.broadcast %get3A_7 : vector<1x128xf32> to vector<10000x128xf32>
    %add3A_24 = arith.addf %add3A_22, %add3A_23 : vector<10000x128xf32>
    %get3A_25 = arith.constant 0 : index
    %get3A_26 = arith.constant 0 : index
    %get3A_27 = vector.load %arg4[%get3A_25, %get3A_26] : memref<1x128xf32, #tpu.memory_space<vmem>>, vector<1x128xf32>
    %get3A_28 = arith.constant 0 : index
    %get3A_29 = arith.constant 0 : index
    %get3A_30 = vector.load %arg5[%get3A_28, %get3A_29] : memref<1x128xf32, #tpu.memory_space<vmem>>, vector<1x128xf32>
    %reduce_sum3A = arith.constant dense<0.000000e+00> : vector<128xf32>
    %reduce_sum3A_31 = vector.multi_reduction <add>, %add3A_24, %reduce_sum3A [0] : vector<10000x128xf32> to vector<128xf32>
    %broadcast_in_dim3A = vector.shape_cast %reduce_sum3A_31 : vector<128xf32> to vector<1x128xf32>
    %div3A = arith.constant 1.000000e+04 : f32
    %div3A_32 = vector.broadcast %div3A : f32 to vector<1x128xf32>
    %div3A_33 = arith.divf %broadcast_in_dim3A, %div3A_32 : vector<1x128xf32>
    %sub3A = vector.broadcast %div3A_33 : vector<1x128xf32> to vector<10000x128xf32>
    %sub3A_34 = arith.subf %add3A_24, %sub3A : vector<10000x128xf32>
    %mul3A_35 = arith.mulf %sub3A_34, %sub3A_34 : vector<10000x128xf32>
    %reduce_sum3A_36 = arith.constant dense<0.000000e+00> : vector<128xf32>
    %reduce_sum3A_37 = vector.multi_reduction <add>, %mul3A_35, %reduce_sum3A_36 [0] : vector<10000x128xf32> to vector<128xf32>
    %broadcast_in_dim3A_38 = vector.shape_cast %reduce_sum3A_37 : vector<128xf32> to vector<1x128xf32>
    %div3A_39 = arith.constant 1.000000e+04 : f32
    %div3A_40 = vector.broadcast %div3A_39 : f32 to vector<1x128xf32>
    %div3A_41 = arith.divf %broadcast_in_dim3A_38, %div3A_40 : vector<1x128xf32>
    %add3A_42 = arith.constant 9.99999974E-6 : f32
    %add3A_43 = vector.broadcast %add3A_42 : f32 to vector<1x128xf32>
    %add3A_44 = arith.addf %div3A_41, %add3A_43 : vector<1x128xf32>
    %rsqrt3A = math.rsqrt %add3A_44 : vector<1x128xf32>
    %mul3A_45 = vector.broadcast %rsqrt3A : vector<1x128xf32> to vector<10000x128xf32>
    %mul3A_46 = arith.mulf %sub3A_34, %mul3A_45 : vector<10000x128xf32>
    %mul3A_47 = vector.broadcast %get3A_27 : vector<1x128xf32> to vector<10000x128xf32>
    %mul3A_48 = arith.mulf %mul3A_46, %mul3A_47 : vector<10000x128xf32>
    %add3A_49 = vector.broadcast %get3A_30 : vector<1x128xf32> to vector<10000x128xf32>
    %add3A_50 = arith.addf %mul3A_48, %add3A_49 : vector<10000x128xf32>
    %max3A = arith.constant 0.000000e+00 : f32
    %max3A_51 = vector.broadcast %max3A : f32 to vector<10000x128xf32>
    %max3A_52 = arith.maximumf %add3A_50, %max3A_51 : vector<10000x128xf32>
    %get3A_53 = arith.constant 0 : index
    %get3A_54 = arith.constant 0 : index
    %get3A_55 = vector.load %arg6[%get3A_53, %get3A_54] : memref<128x128xf32, #tpu.memory_space<vmem>>, vector<128x128xf32>
    %dot_general3A = arith.constant dense<0.000000e+00> : vector<10000x128xf32>
    %dot_general3A_56 = tpu.matmul %max3A_52, %get3A_55, %dot_general3A {dimension_numbers = #tpu.dot_dimension_numbers<[1], [0], [0], [1], [0, 0, 1, 1], [], []>, transpose_lhs_hint = false} : vector<10000x128xf32>, vector<128x128xf32>, vector<10000x128xf32> -> vector<10000x128xf32>
    %swap3A = arith.constant 0 : index
    %swap3A_57 = arith.constant 0 : index
    %swap3A_58 = vector.load %arg7[%swap3A, %swap3A_57] : memref<10000x128xf32, #tpu.memory_space<vmem>>, vector<10000x128xf32>
    tpu.vector_store %arg7[%swap3A, %swap3A_57], %dot_general3A_56 {strides = array<i32>} : memref<10000x128xf32, #tpu.memory_space<vmem>>, vector<10000x128xf32>,
    %mul3A_59 = vector.broadcast %get3A_1 : vector<10000x1xf32> to vector<10000x128xf32>
    %mul3A_60 = arith.mulf %dot_general3A_56, %mul3A_59 : vector<10000x128xf32>
    %swap3A_61 = arith.constant 0 : index
    %swap3A_62 = arith.constant 0 : index
    %swap3A_63 = vector.load %arg8[%swap3A_61, %swap3A_62] : memref<10000x128xf32, #tpu.memory_space<vmem>>, vector<10000x128xf32>
    tpu.vector_store %arg8[%swap3A_61, %swap3A_62], %mul3A_60 {strides = array<i32>} : memref<10000x128xf32, #tpu.memory_space<vmem>>, vector<10000x128xf32>,
    return
  }
}

module attributes {stable_mosaic.version = 14 : i64} {
  func.func @body(%arg0: memref<2x10000x128xf32, #tpu.memory_space<vmem>>, %arg1: memref<10000x128xf32, #tpu.memory_space<vmem>>, %arg2: memref<10000x1xf32, #tpu.memory_space<vmem>>, %arg3: memref<1x128xf32, #tpu.memory_space<vmem>>, %arg4: memref<1x128xf32, #tpu.memory_space<vmem>>, %arg5: memref<1x128xf32, #tpu.memory_space<vmem>>, %arg6: memref<10000x1xi32, #tpu.memory_space<vmem>>, %arg7: memref<128x40xf32, #tpu.memory_space<vmem>>, %arg8: memref<1x40xf32, #tpu.memory_space<vmem>>, %arg9: memref<64x40xf32, #tpu.memory_space<vmem>>) attributes {dimension_semantics = [], scalar_prefetch = 0 : i64, scratch_operands = 0 : i64, tpu.core_type = #tpu.core_type<tc>} {
    %get3A = arith.constant 0 : index
    %get3A_0 = arith.constant 0 : index
    %get3A_1 = vector.load %arg2[%get3A, %get3A_0] : memref<10000x1xf32, #tpu.memory_space<vmem>>, vector<10000x1xf32>
    %get3A_2 = arith.constant 0 : index
    %get3A_3 = arith.constant 0 : index
    %get3A_4 = vector.load %arg1[%get3A_2, %get3A_3] : memref<10000x128xf32, #tpu.memory_space<vmem>>, vector<10000x128xf32>
    %get3A_5 = arith.constant 0 : index
    %get3A_6 = arith.constant 0 : index
    %get3A_7 = vector.load %arg3[%get3A_5, %get3A_6] : memref<1x128xf32, #tpu.memory_space<vmem>>, vector<1x128xf32>
    %get3A_8 = arith.constant 0 : index
    %get3A_9 = arith.constant 0 : index
    %get3A_10 = arith.constant 0 : index
    %get3A_11 = vector.load %arg0[%get3A_8, %get3A_9, %get3A_10] : memref<2x10000x128xf32, #tpu.memory_space<vmem>>, vector<1x10000x128xf32>
    %get3A_12 = vector.shape_cast %get3A_11 : vector<1x10000x128xf32> to vector<10000x128xf32>
    %get3A_13 = arith.constant 1 : index
    %get3A_14 = arith.constant 0 : index
    %get3A_15 = arith.constant 0 : index
    %get3A_16 = vector.load %arg0[%get3A_13, %get3A_14, %get3A_15] : memref<2x10000x128xf32, #tpu.memory_space<vmem>>, vector<1x10000x128xf32>
    %get3A_17 = vector.shape_cast %get3A_16 : vector<1x10000x128xf32> to vector<10000x128xf32>
    %add3A = arith.addf %get3A_12, %get3A_17 : vector<10000x128xf32>
    %mul3A = vector.broadcast %get3A_1 : vector<10000x1xf32> to vector<10000x128xf32>
    %mul3A_18 = arith.mulf %mul3A, %add3A : vector<10000x128xf32>
    %mul3A_19 = arith.mulf %get3A_1, %get3A_1 : vector<10000x1xf32>
    %mul3A_20 = vector.broadcast %mul3A_19 : vector<10000x1xf32> to vector<10000x128xf32>
    %mul3A_21 = arith.mulf %mul3A_20, %get3A_4 : vector<10000x128xf32>
    %add3A_22 = arith.addf %mul3A_18, %mul3A_21 : vector<10000x128xf32>
    %add3A_23 = vector.broadcast %get3A_7 : vector<1x128xf32> to vector<10000x128xf32>
    %add3A_24 = arith.addf %add3A_22, %add3A_23 : vector<10000x128xf32>
    %get3A_25 = arith.constant 0 : index
    %get3A_26 = arith.constant 0 : index
    %get3A_27 = vector.load %arg4[%get3A_25, %get3A_26] : memref<1x128xf32, #tpu.memory_space<vmem>>, vector<1x128xf32>
    %get3A_28 = arith.constant 0 : index
    %get3A_29 = arith.constant 0 : index
    %get3A_30 = vector.load %arg5[%get3A_28, %get3A_29] : memref<1x128xf32, #tpu.memory_space<vmem>>, vector<1x128xf32>
    %reduce_sum3A = arith.constant dense<0.000000e+00> : vector<128xf32>
    %reduce_sum3A_31 = vector.multi_reduction <add>, %add3A_24, %reduce_sum3A [0] : vector<10000x128xf32> to vector<128xf32>
    %broadcast_in_dim3A = vector.shape_cast %reduce_sum3A_31 : vector<128xf32> to vector<1x128xf32>
    %div3A = arith.constant 1.000000e+04 : f32
    %div3A_32 = vector.broadcast %div3A : f32 to vector<1x128xf32>
    %div3A_33 = arith.divf %broadcast_in_dim3A, %div3A_32 : vector<1x128xf32>
    %sub3A = vector.broadcast %div3A_33 : vector<1x128xf32> to vector<10000x128xf32>
    %sub3A_34 = arith.subf %add3A_24, %sub3A : vector<10000x128xf32>
    %mul3A_35 = arith.mulf %sub3A_34, %sub3A_34 : vector<10000x128xf32>
    %reduce_sum3A_36 = arith.constant dense<0.000000e+00> : vector<128xf32>
    %reduce_sum3A_37 = vector.multi_reduction <add>, %mul3A_35, %reduce_sum3A_36 [0] : vector<10000x128xf32> to vector<128xf32>
    %broadcast_in_dim3A_38 = vector.shape_cast %reduce_sum3A_37 : vector<128xf32> to vector<1x128xf32>
    %div3A_39 = arith.constant 1.000000e+04 : f32
    %div3A_40 = vector.broadcast %div3A_39 : f32 to vector<1x128xf32>
    %div3A_41 = arith.divf %broadcast_in_dim3A_38, %div3A_40 : vector<1x128xf32>
    %add3A_42 = arith.constant 9.99999974E-6 : f32
    %add3A_43 = vector.broadcast %add3A_42 : f32 to vector<1x128xf32>
    %add3A_44 = arith.addf %div3A_41, %add3A_43 : vector<1x128xf32>
    %rsqrt3A = math.rsqrt %add3A_44 : vector<1x128xf32>
    %mul3A_45 = vector.broadcast %rsqrt3A : vector<1x128xf32> to vector<10000x128xf32>
    %mul3A_46 = arith.mulf %sub3A_34, %mul3A_45 : vector<10000x128xf32>
    %mul3A_47 = vector.broadcast %get3A_27 : vector<1x128xf32> to vector<10000x128xf32>
    %mul3A_48 = arith.mulf %mul3A_46, %mul3A_47 : vector<10000x128xf32>
    %add3A_49 = vector.broadcast %get3A_30 : vector<1x128xf32> to vector<10000x128xf32>
    %add3A_50 = arith.addf %mul3A_48, %add3A_49 : vector<10000x128xf32>
    %max3A = arith.constant 0.000000e+00 : f32
    %max3A_51 = vector.broadcast %max3A : f32 to vector<10000x128xf32>
    %max3A_52 = arith.maximumf %add3A_50, %max3A_51 : vector<10000x128xf32>
    %get3A_53 = arith.constant 0 : index
    %get3A_54 = arith.constant 0 : index
    %get3A_55 = vector.load %arg6[%get3A_53, %get3A_54] : memref<10000x1xi32, #tpu.memory_space<vmem>>, vector<10000x1xi32>
    %iota3A = tpu.iota {dimensions = array<i32: 1>} : vector<10000x64xi32>
    %eq3A = vector.broadcast %get3A_55 : vector<10000x1xi32> to vector<10000x64xi32>
    %eq3A_56 = arith.cmpi eq, %eq3A, %iota3A : vector<10000x64xi32>
    %convert_element_type3A = arith.extui %eq3A_56 : vector<10000x64xi1> to vector<10000x64xi32>
    %convert_element_type3A_57 = arith.sitofp %convert_element_type3A : vector<10000x64xi32> to vector<10000x64xf32>
    %dot_general3A = arith.constant dense<0.000000e+00> : vector<64x128xf32>
    %dot_general3A_58 = tpu.matmul %convert_element_type3A_57, %max3A_52, %dot_general3A {dimension_numbers = #tpu.dot_dimension_numbers<[0], [0], [1], [1], [0, 1, 1, 1], [], []>, transpose_lhs_hint = false} : vector<10000x64xf32>, vector<10000x128xf32>, vector<64x128xf32> -> vector<64x128xf32>
    %broadcast_in_dim3A_59 = arith.constant 1.000000e+00 : f32
    %broadcast_in_dim3A_60 = vector.broadcast %broadcast_in_dim3A_59 : f32 to vector<10000x1xf32>
    %dot_general3A_61 = arith.constant dense<0.000000e+00> : vector<64x1xf32>
    %dot_general3A_62 = tpu.matmul %convert_element_type3A_57, %broadcast_in_dim3A_60, %dot_general3A_61 {dimension_numbers = #tpu.dot_dimension_numbers<[0], [0], [1], [1], [0, 1, 1, 1], [], []>, transpose_lhs_hint = false} : vector<10000x64xf32>, vector<10000x1xf32>, vector<64x1xf32> -> vector<64x1xf32>
    %max3A_63 = arith.constant 1.000000e+00 : f32
    %max3A_64 = vector.broadcast %max3A_63 : f32 to vector<64x1xf32>
    %max3A_65 = arith.maximumf %dot_general3A_62, %max3A_64 : vector<64x1xf32>
    %div3A_66 = vector.broadcast %max3A_65 : vector<64x1xf32> to vector<64x128xf32>
    %div3A_67 = arith.divf %dot_general3A_58, %div3A_66 : vector<64x128xf32>
    %get3A_68 = arith.constant 0 : index
    %get3A_69 = arith.constant 0 : index
    %get3A_70 = vector.load %arg7[%get3A_68, %get3A_69] : memref<128x40xf32, #tpu.memory_space<vmem>>, vector<128x40xf32>
    %dot_general3A_71 = arith.constant dense<0.000000e+00> : vector<64x40xf32>
    %dot_general3A_72 = tpu.matmul %div3A_67, %get3A_70, %dot_general3A_71 {dimension_numbers = #tpu.dot_dimension_numbers<[1], [0], [0], [1], [0, 0, 1, 1], [], []>, transpose_lhs_hint = false} : vector<64x128xf32>, vector<128x40xf32>, vector<64x40xf32> -> vector<64x40xf32>
    %get3A_73 = arith.constant 0 : index
    %get3A_74 = arith.constant 0 : index
    %get3A_75 = vector.load %arg8[%get3A_73, %get3A_74] : memref<1x40xf32, #tpu.memory_space<vmem>>, vector<1x40xf32>
    %add3A_76 = vector.broadcast %get3A_75 : vector<1x40xf32> to vector<64x40xf32>
    %add3A_77 = arith.addf %dot_general3A_72, %add3A_76 : vector<64x40xf32>
    %swap3A = arith.constant 0 : index
    %swap3A_78 = arith.constant 0 : index
    %swap3A_79 = vector.load %arg9[%swap3A, %swap3A_78] : memref<64x40xf32, #tpu.memory_space<vmem>>, vector<64x40xf32>
    tpu.vector_store %arg9[%swap3A, %swap3A_78], %add3A_77 {strides = array<i32>} : memref<64x40xf32, #tpu.memory_space<vmem>>, vector<64x40xf32>,
    return
  }
}

</mosaic_0001>

<sc_bundles>
// kernel: kernel.11.cloned.1.call-start
scs
__scs_entry_jumppad:
0x0: {  	(pc) =	sbr.rel $0x88, $3  }
0x1: {  	(tag) =	ssettag $0x0;
	lr =	simm.s32 $0x1  }
0x2: {  	[smem:$0x3F94] =	sst lr;
	_ =	strace $0xD0000000  }
0x3: {  	_ = 	snop  }
0x4: {  	_ = 	snop  }
0x5: {  	_ = 	snop  }
0x6: {  	_ = 	snop  }
0x7: {  	_ = 	snop  }
__scs_overlays_trampoline_lowered:
0x8: {  	[smem:$0x3FA3] =	sst s0  }
0x9: {  	[smem:$0x3FA4] =	sst s1  }
0xa: {  	[smem:$0x3FA5] =	sst s2  }
0xb: {  	[smem:$0x3FA6] =	sst s3  }
0xc: {  	[smem:$0x3FA7] =	sst s4  }
0xd: {  	[smem:$0x3FA8] =	sst s5  }
0xe: {  	[smem:$0x3FA9] =	sst s6  }
0xf: {  	[smem:$0x3FAA] =	sst s7  }
0x10: {  	[smem:$0x3FAB] =	sst s8  }
0x11: {  	[smem:$0x3FAC] =	sst s9;
	s0 =	simm.s32 @!p0 $0x0  }
0x12: {  	s1 =	sld [smem:$0x3F92];
	s0 =	simm.s32 @p0 $0x1  }
0x13: {  	[smem:$0x3FAD] =	sst s0;
	s0 =	simm.s32 @!p1 $0x0  }
0x14: {  	s2 =	sld [smem:$0x3F91];
	s0 =	simm.s32 @p1 $0x1  }
0x15: {  	[smem:$0x3FAE] =	sst s0;
	s0 =	simm.s32 @!p2 $0x0  }
0x16: {  	s3 =	sld [smem:$0x3FDB];
	s0 =	simm.s32 @p2 $0x1  }
0x17: {  	s4 =	simm.s32 $0x1BF5;
	[smem:$0x3FB0] =	sst s0  }
0x18: {  	s0 =	sld [smem:$0x3F93];
	_ =	swait.ge [sflag:s4], $0x0  }
0x19: {  	s7 =	sld [smem:$0x3F94]  }
0x1a: {  	s8 =	sadd.s32 $0xFFFFE003, lr  }
0x1b: {  	s9 =	sadd.s32 $0xFFFFFEF7, lr;
	s5 =	simm.s32 $0xFFFFFFFF;
	p2 =	slt.u32 s8, $0xFFFFF086  }
0x1c: {  	p1 =	slt.u32 s9, $0xF7A;
	s5 =	simm.s32 @!p2 $0x0  }
0x1d: {  	s5 =	simm.s32 @p1 $0x1;
	p0 =	seq.s32 s7, s2  }
0x1e: {  	s7 =	smul.u32 @!p0 $0xF7A, s2;
	p2 =	seq.s32 @!p0 s5, $0x0  }
0x1f: {  	s9 =	smul.u32 $0xF7A, s1;
	s8 =	simm.s32 @!p0 $0x1BF5;
	p2 =	por !p2, p0  }
0x20: {  	[sflag:s8] =	ssyncset.s32 @!p0 $0xFFFFF086;
	s6 =	sadd.s32 @!p0 s3, s7;
	s7 =	simm.s32 @!p0 $0x108  }
0x21: {  	s3 =	sadd.s32 s3, s9;
	s6 =	sadd.s32 @!p0 $0x88, s6;
	s7 =	simm.s32 @p2 $0x1082  }
0x22: {  	[simem:s7], [sflag:s8] =	dma.local @!p0 [hbm:s6], $0xF7A  }
0x23: {  	s9 =	sor.u32 $0xD0000000, s2;
	s6 =	simm.s32 $0x108;
	_ =	swait.ge @!p0 [sflag:s8], $0x0  }
0x24: {  	s3 =	sadd.s32 $0x88, s3;
	s6 =	simm.s32 @!p1 $0x1082;
	[sflag:s4] =	ssyncset.s32 $0xFFFFF086  }
0x25: {  	[simem:s6], [sflag:s4] =	dma.local [hbm:s3], $0xF7A  }
0x26: {  	[smem:$0x3F94] =	sst s1;
	(tag) =	ssettag s2;
	_ =	strace s9  }
0x27: {  	s1 =	sld [smem:$0x3FA4]  }
0x28: {  	s2 =	sld [smem:$0x3FA5]  }
0x29: {  	s4 =	sld [smem:$0x3FA7]  }
0x2a: {  	p0 =	seq.s32 s5, $0x0;
	s5 =	sld [smem:$0x3FA8]  }
0x2b: {  	s6 =	sld [smem:$0x3FA9]  }
0x2c: {  	s7 =	sld [smem:$0x3FAA]  }
0x2d: {  	s3 =	simm.s32 $0x108;
	s8 =	sld [smem:$0x3FAB]  }
0x2e: {  	s3 =	simm.s32 @!p0 $0x1082;
	s9 =	sld [smem:$0x3FAC]  }
0x2f: {  	lr =	sadd.s32 s0, s3;
	s0 =	sld [smem:$0x3FA3]  }
0x30: {  	s3 =	sld [smem:$0x3FA6]  }
0x31: {  	[smem:$0x3FAF] =	sst s10  }
0x32: {  	s10 =	sld [smem:$0x3FAD];
	_ =	sdelay $0x3  }
0x33: {  	p0 =	seq.s32 s10, $0x1;
	s10 =	sld [smem:$0x3FAF];
	_ =	sdelay $0x3  }
0x34: {  	[smem:$0x3FAF] =	sst s10  }
0x35: {  	s10 =	sld [smem:$0x3FAE];
	_ =	sdelay $0x3  }
0x36: {  	p1 =	seq.s32 s10, $0x1;
	s10 =	sld [smem:$0x3FAF];
	_ =	sdelay $0x3  }
0x37: {  	[smem:$0x3FAF] =	sst s10  }
0x38: {  	s10 =	sld [smem:$0x3FB0]  }
0x39: {  	_ = 	snop;
	(pc) =	sbr.ind lr, $3  }
0x3a: {  	_ = 	snop  }
0x3b: {  	_ = 	snop  }
0x3c: {  	p2 =	seq.s32 s10, $0x1;
	s10 =	sld [smem:$0x3FAF]  }
0x3d: {  	_ =	shalt  }
0x3e: {  	_ =	shalt  }
0x3f: {  	_ =	shalt  }
0x40: {  	_ =	shalt  }
0x41: {  	_ =	shalt  }
0x42: {  	_ =	shalt  }
0x43: {  	_ =	shalt  }
0x44: {  	_ =	shalt  }
0x45: {  	_ =	shalt  }
0x46: {  	_ =	shalt  }
0x47: {  	_ =	shalt  }
0x48: {  	_ =	shalt  }
0x49: {  	_ =	shalt  }
0x4a: {  	_ =	shalt  }
0x4b: {  	_ =	shalt  }
0x4c: {  	_ =	shalt  }
0x4d: {  	_ =	shalt  }
0x4e: {  	_ =	shalt  }
0x4f: {  	_ =	shalt  }
0x50: {  	_ =	shalt  }
0x51: {  	_ =	shalt  }
0x52: {  	_ =	shalt  }
0x53: {  	_ =	shalt  }
0x54: {  	_ =	shalt  }
0x55: {  	_ =	shalt  }
0x56: {  	_ =	shalt  }
0x57: {  	_ =	shalt  }
0x58: {  	_ =	shalt  }
0x59: {  	_ =	shalt  }
0x5a: {  	_ =	shalt  }
0x5b: {  	_ =	shalt  }
0x5c: {  	_ =	shalt  }
0x5d: {  	_ =	shalt  }
0x5e: {  	_ =	shalt  }
0x5f: {  	_ =	shalt  }
0x60: {  	_ =	shalt  }
0x61: {  	_ =	shalt  }
0x62: {  	_ =	shalt  }
0x63: {  	_ =	shalt  }
0x64: {  	_ =	shalt  }
0x65: {  	_ =	shalt  }
0x66: {  	_ =	shalt  }
0x67: {  	_ =	shalt  }
0x68: {  	_ =	shalt  }
0x69: {  	_ =	shalt  }
0x6a: {  	_ =	shalt  }
0x6b: {  	_ =	shalt  }
0x6c: {  	_ =	shalt  }
0x6d: {  	_ =	shalt  }
0x6e: {  	_ =	shalt  }
0x6f: {  	_ =	shalt  }
0x70: {  	_ =	shalt  }
0x71: {  	_ =	shalt  }
0x72: {  	_ =	shalt  }
0x73: {  	_ =	shalt  }
0x74: {  	_ =	shalt  }
0x75: {  	_ =	shalt  }
0x76: {  	_ =	shalt  }
0x77: {  	_ =	shalt  }
0x78: {  	_ =	shalt  }
0x79: {  	_ =	shalt  }
0x7a: {  	_ =	shalt  }
0x7b: {  	_ =	shalt  }
0x7c: {  	_ =	shalt  }
0x7d: {  	_ =	shalt  }
0x7e: {  	_ =	shalt  }
0x7f: {  	_ =	shalt  }
0x80: {  	_ =	shalt  }
0x81: {  	_ =	shalt  }
0x82: {  	_ =	shalt  }
0x83: {  	_ =	shalt  }
0x84: {  	_ =	shalt  }
0x85: {  	_ =	shalt  }
0x86: {  	_ =	shalt  }
0x87: {  	_ =	shalt  }
.Lfunc_end0:
.L_simem_size_0:
called_computation.1_lowered:
.L_overlay_start_0:
0x88: {  	s2 =	sld [smem:$0x3FD9]  }
0x89: {  	s3 =	sld [smem:$0x3FFE];
	_ =	sdelay $0x1  }
0x8a: {  	s1 =	srdreg.scid  }
0x8b: {  	s0 =	sand.u32 $0x1, s1  }
0x8c: {  	s16 =	sshll.u32 s0, $0xA;
	s2 =	sadd.s32 s3, s2  }
0x8d: {  	s2 =	sadd.s32 s2, s16  }
0x8e: {  	[smem:$0x3FBB] =	sst s2  }
0x8f: {  	_ = 	snop  }
0x90: {  	(tm) =	ssettm $0x1  }
0x91: {  	s17 =	sld [smem:$0x3FFB];
	_ =	sdelay $0x3  }
0x92: {  	_ =	strace s17  }
0x93: {  	s2 =	sld [smem:$0x3FFC];
	_ =	sdelay $0x3  }
0x94: {  	_ =	strace s2  }
0x95: {  	s2 =	sld [smem:$0x3FFD];
	_ =	sdelay $0x3  }
0x96: {  	_ =	strace s2  }
0x97: {  	_ =	strace $0x8FFFFFFF  }
0x98: {  	s18 =	sld [smem:$0x3FDB];
	_ =	sdelay $0x1  }
0x99: {  	s19 =	simm.s32 $_scs_section_size  }
0x9a: {  	s4 =	simm.s32 $_size__tile_overlayer_lowered;
	s5 =	simm.s32 $_tile_overlayer_lowered  }
0x9b: {  	s22 =	simm.s32 $0x1BFF;
	s21 =	sshll.u32 s5, $0x1;
	s2 =	sadd.s32 s19, s18  }
0x9c: {  	s6 =	simm.s32 $0x0;
	s20 =	sshll.u32 s4, $0x1;
	s4 =	sadd.s32 s21, s2  }
0x9d: {  	[timem:s6], [sflag:s22] =	dma.local [hbm:s4], s20  }
0x9e: {  	_ =	swait.ge [sflag:s22], s20  }
0x9f: {  	s3 =	ssub.s32 $0x0, s20;
	[sflag:s22] =	ssyncset.done $0x0  }
0xa0: {  	[sflag:s22] =	ssyncadd.s32 s3;
	_ =	sdelay $0x1  }
0xa1: {  	s23 =	simm.s32 $0x1B8B  }
0xa2: {  	_ =	swait.ge [sflag:s23], $0x1  }
0xa3: {  	[sflag:s23] =	ssyncset.done $0x0  }
0xa4: {  	s25 =	simm.s32 $0x1B8E;
	s24 =	sld [smem:$0x3FFE];
	[sflag:s23] =	ssyncadd.s32 $0xFFFFFFFF  }
0xa5: {  	s26 =	simm.s32 $execute0_lowered;
	[smem:$0x3FD2] =	sst s25  }
0xa6: {  	s4 =	sshll.u32 s26, $0x1;
	_ =	strace $0x80000049;
	[dreg:$0x1] =	wrdreg $0xFFFFFFFF  }
0xa7: {  	s28 =	simm.s32 $_size_execute0_lowered;
	s2 =	sadd.s32 s2, s4;
	[dreg:$0x0] =	wrdreg $0x0  }
0xa8: {  	s4 =	sshll.u32 s28, $0x1;
	[dreg:$0x2] =	wrdreg s2  }
0xa9: {  	[dreg:$0x3] =	wrdreg s4  }
0xaa: {  	[dreg:$0x4] =	wrdreg $0xC0  }
0xab: {  	_ =	task [dreg:s6], $0x5FFFF  }
0xac: {  	[dreg:$0x1] =	wrdreg $0xFFFFFFFF  }
0xad: {  	[dreg:$0x0] =	wrdreg $0x60  }
0xae: {  	[dreg:$0x2] =	wrdreg s24  }
0xaf: {  	[dreg:$0x3] =	wrdreg $0xAC000  }
0xb0: {  	[dreg:$0x4] =	wrdreg $0x9  }
0xb1: {  	_ =	task.clear_ibuf [dreg:s6], $0x5FFFF;
	_ =	strace $0x90000049  }
0xb2: {  	s29 =	simm.s32 $0x9;
	_ =	strace $0x8000004B  }
0xb3: {  	_ =	swait.ge [sflag:s29], $0x1  }
0xb4: {  	[sflag:s29] =	ssyncadd.s32 $0xFFFFFFFF  }
0xb5: {  	_ =	strace $0x9000004B  }
0xb6: {  	_ =	sfence  }
0xb7: {  	s30 =	sld [smem:$0x0];
	_ =	sdelay $0x2  }
0xb8: {  	s31 =	sshll.u32 s1, $0xD;
	s1 =	sshrl.u32 s1, $0x2  }
0xb9: {  	s3 =	sand.u32 $0x4000, s31;
	s1 =	sadd.s32 s1, s30  }
0xba: {  	s0 =	sor.u32 s3, s0;
	s1 =	sshll.u32 s1, $0x11  }
0xbb: {  	s0 =	sor.u32 s1, s0  }
0xbc: {  	s0 =	sadd.s32 $0x8F2B, s0  }
0xbd: {  	[sflag:s0] =	ssyncadd.remote.s32 $0x1  }
0xbe: {  	_ =	sfence.sel $0xFFFF  }
0xbf: {  	[dreg:$0x0] =	wrdreg $0xFFFFFFFF;
	(pc) =	sbr.abs _section_cstart, $3  }
0xc0: {  	[dreg:$0x1] =	wrdreg $0xFFFFFFFF  }
0xc1: {  	_ =	task.clear_ibuf [dreg:s6], $0x2FFFF;
	_ =	strace $0x9FFFFFFF  }
0xc2: {  	(tm) =	ssettm $0x7FFFFFFF  }
0xc3: {  	_ =	shalt  }
tec
execute0_lowered:
.L_overlay_start_1:
0x0: {  	(tag) =	ssettag $0x1  }
0x1: {  	s5 =	rddreg [dreg:$0x0]  }
0x2: {  	s1 =	rddreg [dreg:$0x1]  }
0x3: {  	s0 =	rddreg [dreg:$0x2];
	s2 =	simm.s32 $0x0;
	s3 =	srdreg.scid  }
0x4: {  	s17 =	simm.s32 $0x2800;
	s18 =	simm.s32 $0x6800;
	s19 =	simm.s32 $0x1  }
0x5: {  	s20 =	simm.s32 $0x2;
	s21 =	simm.s32 $0x3;
	s22 =	simm.s32 $0x4  }
0x6: {  	[smem:$0x7FF] =	sst s2;
	s6 =	sand.u32 $0x1, s3;
	s4 =	sadd.s32 $0x16C00, s5  }
0x7: {  	s3 =	stileid.u32;
	s8 =	sadd.s32 $0xCC00, s5;
	s10 =	sadd.s32 $0x2C00, s5  }
0x8: {  	s13 =	sadd.s32 $0x3DE00, s5;
	s23 =	sadd.s32 $0x128400, s1;
	s9 =	smul.u32 $0x4F000, s3  }
0x9: {  	_ =	strace $0x8000004A;
	s7 =	sshll.u32 s6, $0x4;
	s26 =	smul.u32 $0x138800, s6  }
0xa: {  	s11 =	ssub.s32 $0x2, s6;
	s15 =	smul.u32 $0x13C00, s3;
	s7 =	sor.u32 s3, s7  }
0xb: {  	p0 =	seq.s32 s3, $0xF;
	s24 =	sshrl.u32 s11, $0x1;
	s12 =	smul.u32 $0x500, s7  }
0xc: {  	s23 =	sshrl.u32 @p0 s23, $0x3;
	s7 =	smul.u32 $0x2800, s7;
	s14 =	ssub.s32 s11, s24  }
0xd: {  	s25 =	sshrl.u32 s9, $0x2;
	s29 =	sadd.s32 s15, s26;
	s16 =	sshrl.u32 s26, $0x3  }
0xe: {  	s24 =	sadd.s32 s15, s1;
	s15 =	simm.s32 $0x1400;
	s5 =	sadd.s32 s25, s1  }
0xf: {  	s30 =	sshrl.u32 s29, $0x3;
	s31 =	sadd.s32 s13, s16;
	s16 =	simm.s32 $0x80  }
0x10: {  	s24 =	sshrl.u32 @!p0 s24, $0x3;
	s28 =	sshrl.u32 s7, $0x3;
	s6 =	sadd.s32 s8, s12  }
0x11: {  	s7 =	sadd.s32 s10, s12;
	s12 =	smax.u32 s14, $0x1;
	s11 =	sadd.s32 $0x280, s28  }
0x12: {  	s14 =	simm.s32 $0x5;
	s8 =	sadd.s32 s8, s11;
	s9 =	sadd.s32 s10, s11  }
0x13: {  	v0 =	vimm.f32 $0.0e+00;
	s10 =	sadd.s32 s13, s30;
	s11 =	sadd.s32 $0x25080, s31;
	s13 =	simm.s32 $0xA800  }
.LBB2_1:
0x14: {  	[tilespmem:$0xA800] =	vst v0  }
0x15: {  	[tilespmem:$0xA810] =	vst v0  }
0x16: {  	[tilespmem:$0xA820] =	vst v0  }
0x17: {  	[tilespmem:$0xA830] =	vst v0  }
0x18: {  	[tilespmem:$0xA840] =	vst v0  }
0x19: {  	[tilespmem:$0xA850] =	vst v0  }
0x1a: {  	[tilespmem:$0xA860] =	vst v0  }
0x1b: {  	[tilespmem:$0xA870] =	vst v0  }
0x1c: {  	[tilespmem:$0xA880] =	vst v0  }
0x1d: {  	[tilespmem:$0xA890] =	vst v0  }
0x1e: {  	[tilespmem:$0xA8A0] =	vst v0  }
0x1f: {  	[tilespmem:$0xA8B0] =	vst v0  }
0x20: {  	[tilespmem:$0xA8C0] =	vst v0  }
0x21: {  	[tilespmem:$0xA8D0] =	vst v0  }
0x22: {  	[tilespmem:$0xA8E0] =	vst v0  }
0x23: {  	[tilespmem:$0xA8F0] =	vst v0  }
0x24: {  	[tilespmem:$0xA900] =	vst v0  }
0x25: {  	[tilespmem:$0xA910] =	vst v0  }
0x26: {  	[tilespmem:$0xA920] =	vst v0  }
0x27: {  	[tilespmem:$0xA930] =	vst v0  }
0x28: {  	[tilespmem:$0xA940] =	vst v0  }
0x29: {  	[tilespmem:$0xA950] =	vst v0  }
0x2a: {  	[tilespmem:$0xA960] =	vst v0  }
0x2b: {  	[tilespmem:$0xA970] =	vst v0  }
0x2c: {  	[tilespmem:$0xA980] =	vst v0  }
0x2d: {  	[tilespmem:$0xA990] =	vst v0  }
0x2e: {  	[tilespmem:$0xA9A0] =	vst v0  }
0x2f: {  	[tilespmem:$0xA9B0] =	vst v0  }
0x30: {  	[tilespmem:$0xA9C0] =	vst v0  }
0x31: {  	[tilespmem:$0xA9D0] =	vst v0  }
0x32: {  	[tilespmem:$0xA9E0] =	vst v0  }
0x33: {  	[tilespmem:$0xA9F0] =	vst v0  }
0x34: {  	[tilespmem:$0xAA00] =	vst v0  }
0x35: {  	[tilespmem:$0xAA10] =	vst v0  }
0x36: {  	[tilespmem:$0xAA20] =	vst v0  }
0x37: {  	[tilespmem:$0xAA30] =	vst v0  }
0x38: {  	[tilespmem:$0xAA40] =	vst v0  }
0x39: {  	[tilespmem:$0xAA50] =	vst v0  }
0x3a: {  	[tilespmem:$0xAA60] =	vst v0  }
0x3b: {  	[tilespmem:$0xAA70] =	vst v0  }
0x3c: {  	[tilespmem:$0xAA80] =	vst v0  }
0x3d: {  	[tilespmem:$0xAA90] =	vst v0  }
0x3e: {  	[tilespmem:$0xAAA0] =	vst v0  }
0x3f: {  	[tilespmem:$0xAAB0] =	vst v0  }
0x40: {  	[tilespmem:$0xAAC0] =	vst v0  }
0x41: {  	[tilespmem:$0xAAD0] =	vst v0  }
0x42: {  	[tilespmem:$0xAAE0] =	vst v0  }
0x43: {  	[tilespmem:$0xAAF0] =	vst v0  }
0x44: {  	[tilespmem:$0xAB00] =	vst v0  }
0x45: {  	[tilespmem:$0xAB10] =	vst v0  }
0x46: {  	[tilespmem:$0xAB20] =	vst v0  }
0x47: {  	[tilespmem:$0xAB30] =	vst v0  }
0x48: {  	[tilespmem:$0xAB40] =	vst v0  }
0x49: {  	[tilespmem:$0xAB50] =	vst v0  }
0x4a: {  	[tilespmem:$0xAB60] =	vst v0  }
0x4b: {  	[tilespmem:$0xAB70] =	vst v0  }
0x4c: {  	[tilespmem:$0xAB80] =	vst v0  }
0x4d: {  	[tilespmem:$0xAB90] =	vst v0  }
0x4e: {  	[tilespmem:$0xABA0] =	vst v0  }
0x4f: {  	[tilespmem:$0xABB0] =	vst v0  }
0x50: {  	[tilespmem:$0xABC0] =	vst v0  }
0x51: {  	[tilespmem:$0xABD0] =	vst v0  }
0x52: {  	[tilespmem:$0xABE0] =	vst v0  }
0x53: {  	[tilespmem:$0xABF0] =	vst v0  }
0x54: {  	_ =	sdelay $0x7ff  }
0x55: {  	s25 =	sadd.s32 $0x0, s5;
	_ =	sdelay $0x6d6  }
0x56: {  	[spmem:s25] =	stream.linear.scatter [tilespmem:s13], [sflag:$0x5], $0x400, $0x38;
	[tilespmem:$0x1E800] =	vst v63  }
0x57: {  	s25 =	simm.s32 $0x1000;
	_ =	swait.ge [sflag:s14], $0x400  }
.LBB2_2:
0x58: {  	s26 =	sshra.s32 s25, $0x2;
	[sflag:s14] =	ssyncset.done $0x0;
	p1 =	sne.s32 s25, $0x4E000  }
.Ltmp0:
0x59: {  	s26 =	sadd.s32 s26, s5;
	[sflag:s14] =	ssyncadd.s32 $0xFFFFFC00;
	(pc) =	sbr.rel @p1 .LBB2_2-.Ltmp0, $3  }
0x5a: {  	[spmem:s26] =	stream.linear.scatter [tilespmem:s13], [sflag:$0x5], $0x400, $0x38;
	[tilespmem:$0x1E800] =	vst v63  }
0x5b: {  	s25 =	sadd.s32 $0x1000, s25;
	_ =	sdelay $0x1  }
0x5c: {  	_ =	swait.ge [sflag:s14], $0x400  }
0x5d: {  	[sflag:s14] =	ssyncset.done $0x0  }
0x5e: {  	[sflag:s14] =	ssyncadd.s32 $0xFFFFFC00  }
0x5f: {  	_ =	sdelay $0x7ff  }
0x60: {  	_ =	sdelay $0x7ff  }
0x61: {  	_ =	sdelay $0x7ff  }
0x62: {  	_ =	sdelay $0x7ff  }
0x63: {  	_ =	sdelay $0x7ff  }
0x64: {  	_ =	sdelay $0x7ff  }
0x65: {  	_ =	sdelay $0x7ff  }
0x66: {  	_ =	sdelay $0x7ff  }
0x67: {  	_ =	sdelay $0x7ff  }
0x68: {  	_ =	sdelay $0x464  }
0x69: {  	s25 =	simm.s32 $0x0;
	[bflag:$0x0] =	sbarrier.arrive $0xFFFF  }
0x6a: {  	[tilespmem:s25], [sflag:$0x5] =	stream.linear.gather [hbm4b:s6+s25], $0x1400, $0x38;
	[tilespmem:$0x1E800] =	vst v63  }
0x6b: {  	_ =	swait.ge [sflag:s14], $0x1400  }
0x6c: {  	[sflag:s14] =	ssyncset.done $0x0  }
0x6d: {  	[sflag:s14] =	ssyncadd.s32 $0xFFFFEC00  }
0x6e: {  	[tilespmem:s15], [sflag:$0x5] =	stream.linear.gather [hbm4b:s7+s25], $0x1400, $0x38;
	[tilespmem:$0x1E800] =	vst v63  }
0x6f: {  	_ =	swait.ge [sflag:s14], $0x1400  }
0x70: {  	[sflag:s14] =	ssyncset.done $0x0  }
0x71: {  	s28 =	simm.s32 $0x0;
	[sflag:s14] =	ssyncadd.s32 $0xFFFFEC00  }
0x72: {  	[tilespmem:s17], [sflag:$0x1] =	stream.indirect.gather [hbm4b:s4+s16], $0x80, s28, s16, $0xb8;
	[tilespmem:$0x1E800] =	vst v63  }
0x73: {  	s29 =	simm.s32 $0x80  }
0x74: {  	[tilespmem:s18], [sflag:$0x2] =	stream.indirect.gather [hbm4b:s4+s16], $0x80, s29, s16, $0xb8;
	[tilespmem:$0x1E800] =	vst v63  }
0x75: {  	_ =	swait.ge [sflag:s19], $0x4000  }
0x76: {  	[sflag:s19] =	ssyncset.done $0x0  }
0x77: {  	s30 =	simm.s32 $0x1400;
	[sflag:s19] =	ssyncadd.s32 $0xFFFFC000  }
0x78: {  	[spmem:s1] =	stream.indirect.scatter.add.f32 [tilespmem:s17], [sflag:$0x3], $0x80, s30, s16, $0xb8;
	[tilespmem:$0x1E800] =	vst v63  }
0x79: {  	_ =	swait.ge [sflag:s20], $0x4000  }
0x7a: {  	[sflag:s20] =	ssyncset.done $0x0  }
0x7b: {  	s31 =	simm.s32 $0x1480;
	[sflag:s20] =	ssyncadd.s32 $0xFFFFC000  }
0x7c: {  	[spmem:s1] =	stream.indirect.scatter.add.f32 [tilespmem:s18], [sflag:$0x4], $0x80, s31, s16, $0xb8;
	[tilespmem:$0x1E800] =	vst v63  }
0x7d: {  	_ =	swait.ge [sflag:s21], $0x4000  }
0x7e: {  	[sflag:s21] =	ssyncset.done $0x0  }
0x7f: {  	[sflag:s21] =	ssyncadd.s32 $0xFFFFC000  }
0x80: {  	_ =	swait.ge [sflag:s22], $0x4000  }
0x81: {  	s26 =	simm.s32 $0x800;
	s25 =	simm.s32 $0x400;
	[sflag:s22] =	ssyncset.done $0x0  }
.LBB2_4:
0x82: {  	s28 =	sshra.s32 s25, $0x2  }
0x83: {  	[sflag:s22] =	ssyncadd.s32 $0xFFFFC000;
	s25 =	smov.u32 s26;
	s29 =	sadd.s32 $0x400, s26  }
0x84: {  	[tilespmem:s17], [sflag:$0x1] =	stream.indirect.gather [hbm4b:s4+s16], $0x80, s28, s16, $0xb8;
	[tilespmem:$0x1E800] =	vst v63  }
0x85: {  	p1 =	sne.s32 s26, $0x4C00;
	s26 =	sadd.s32 $0x80, s28  }
0x86: {  	[tilespmem:s18], [sflag:$0x2] =	stream.indirect.gather [hbm4b:s4+s16], $0x80, s26, s16, $0xb8;
	[tilespmem:$0x1E800] =	vst v63  }
0x87: {  	_ =	swait.ge [sflag:s19], $0x4000  }
0x88: {  	[sflag:s19] =	ssyncset.done $0x0  }
0x89: {  	s26 =	sadd.s32 $0x1400, s28;
	[sflag:s19] =	ssyncadd.s32 $0xFFFFC000  }
0x8a: {  	[spmem:s1] =	stream.indirect.scatter.add.f32 [tilespmem:s17], [sflag:$0x3], $0x80, s26, s16, $0xb8;
	[tilespmem:$0x1E800] =	vst v63  }
0x8b: {  	_ =	swait.ge [sflag:s20], $0x4000  }
0x8c: {  	[sflag:s20] =	ssyncset.done $0x0  }
0x8d: {  	s26 =	sadd.s32 $0x1480, s28;
	[sflag:s20] =	ssyncadd.s32 $0xFFFFC000  }
0x8e: {  	[spmem:s1] =	stream.indirect.scatter.add.f32 [tilespmem:s18], [sflag:$0x4], $0x80, s26, s16, $0xb8;
	[tilespmem:$0x1E800] =	vst v63  }
.Ltmp1:
0x8f: {  	_ =	swait.ge [sflag:s21], $0x4000;
	(pc) =	sbr.rel @p1 .LBB2_4-.Ltmp1, $4  }
0x90: {  	[sflag:s21] =	ssyncset.done $0x0  }
0x91: {  	[sflag:s21] =	ssyncadd.s32 $0xFFFFC000  }
0x92: {  	_ =	swait.ge [sflag:s22], $0x4000  }
0x93: {  	s26 =	smov.u32 s29;
	[sflag:s22] =	ssyncset.done $0x0  }
0x94: {  	s25 =	sshra.s32 s25, $0x2;
	[sflag:s22] =	ssyncadd.s32 $0xFFFFC000  }
0x95: {  	[tilespmem:s17], [sflag:$0x1] =	stream.indirect.gather [hbm4b:s4+s16], $0x80, s25, s16, $0xb8;
	[tilespmem:$0x1E800] =	vst v63  }
0x96: {  	s26 =	sadd.s32 $0x80, s25  }
0x97: {  	[tilespmem:s18], [sflag:$0x2] =	stream.indirect.gather [hbm4b:s4+s16], $0x80, s26, s16, $0xb8;
	[tilespmem:$0x1E800] =	vst v63  }
0x98: {  	_ =	swait.ge [sflag:s19], $0x4000  }
0x99: {  	[sflag:s19] =	ssyncset.done $0x0  }
0x9a: {  	s31 =	sadd.s32 $0x1400, s25;
	[sflag:s19] =	ssyncadd.s32 $0xFFFFC000  }
0x9b: {  	[spmem:s1] =	stream.indirect.scatter.add.f32 [tilespmem:s17], [sflag:$0x3], $0x80, s31, s16, $0xb8;
	[tilespmem:$0x1E800] =	vst v63  }
0x9c: {  	_ =	swait.ge [sflag:s20], $0x4000  }
0x9d: {  	[sflag:s20] =	ssyncset.done $0x0  }
0x9e: {  	s25 =	sadd.s32 $0x1480, s25;
	[sflag:s20] =	ssyncadd.s32 $0xFFFFC000  }
0x9f: {  	[spmem:s1] =	stream.indirect.scatter.add.f32 [tilespmem:s18], [sflag:$0x4], $0x80, s25, s16, $0xb8;
	[tilespmem:$0x1E800] =	vst v63  }
0xa0: {  	_ =	swait.ge [sflag:s21], $0x4000  }
0xa1: {  	[sflag:s21] =	ssyncset.done $0x0  }
0xa2: {  	[sflag:s21] =	ssyncadd.s32 $0xFFFFC000  }
0xa3: {  	_ =	swait.ge [sflag:s22], $0x4000  }
0xa4: {  	[sflag:s22] =	ssyncset.done $0x0  }
0xa5: {  	s26 =	simm.s32 $0x0;
	[sflag:s22] =	ssyncadd.s32 $0xFFFFC000  }
0xa6: {  	[tilespmem:s26], [sflag:$0x5] =	stream.linear.gather [hbm4b:s8+s26], $0x1400, $0x38;
	[tilespmem:$0x1E800] =	vst v63  }
0xa7: {  	_ =	swait.ge [sflag:s14], $0x1400  }
0xa8: {  	[sflag:s14] =	ssyncset.done $0x0  }
0xa9: {  	[sflag:s14] =	ssyncadd.s32 $0xFFFFEC00  }
0xaa: {  	[tilespmem:s15], [sflag:$0x5] =	stream.linear.gather [hbm4b:s9+s26], $0x1400, $0x38;
	[tilespmem:$0x1E800] =	vst v63  }
0xab: {  	_ =	swait.ge [sflag:s14], $0x1400  }
0xac: {  	[sflag:s14] =	ssyncset.done $0x0  }
0xad: {  	s28 =	simm.s32 $0x0;
	[sflag:s14] =	ssyncadd.s32 $0xFFFFEC00  }
0xae: {  	[tilespmem:s17], [sflag:$0x1] =	stream.indirect.gather [hbm4b:s4+s16], $0x80, s28, s16, $0xb8;
	[tilespmem:$0x1E800] =	vst v63  }
0xaf: {  	s29 =	simm.s32 $0x80  }
0xb0: {  	[tilespmem:s18], [sflag:$0x2] =	stream.indirect.gather [hbm4b:s4+s16], $0x80, s29, s16, $0xb8;
	[tilespmem:$0x1E800] =	vst v63  }
0xb1: {  	_ =	swait.ge [sflag:s19], $0x4000  }
0xb2: {  	[sflag:s19] =	ssyncset.done $0x0  }
0xb3: {  	s30 =	simm.s32 $0x1400;
	[sflag:s19] =	ssyncadd.s32 $0xFFFFC000  }
0xb4: {  	[spmem:s1] =	stream.indirect.scatter.add.f32 [tilespmem:s17], [sflag:$0x3], $0x80, s30, s16, $0xb8;
	[tilespmem:$0x1E800] =	vst v63  }
0xb5: {  	_ =	swait.ge [sflag:s20], $0x4000  }
0xb6: {  	[sflag:s20] =	ssyncset.done $0x0  }
0xb7: {  	s31 =	simm.s32 $0x1480;
	[sflag:s20] =	ssyncadd.s32 $0xFFFFC000  }
0xb8: {  	[spmem:s1] =	stream.indirect.scatter.add.f32 [tilespmem:s18], [sflag:$0x4], $0x80, s31, s16, $0xb8;
	[tilespmem:$0x1E800] =	vst v63  }
0xb9: {  	_ =	swait.ge [sflag:s21], $0x4000  }
0xba: {  	[sflag:s21] =	ssyncset.done $0x0  }
0xbb: {  	[sflag:s21] =	ssyncadd.s32 $0xFFFFC000  }
0xbc: {  	_ =	swait.ge [sflag:s22], $0x4000  }
0xbd: {  	s25 =	simm.s32 $0x400;
	s26 =	simm.s32 $0x800;
	[sflag:s22] =	ssyncset.done $0x0  }
.LBB2_6:
0xbe: {  	s28 =	sshra.s32 s25, $0x2  }
0xbf: {  	[sflag:s22] =	ssyncadd.s32 $0xFFFFC000;
	s25 =	smov.u32 s26;
	s29 =	sadd.s32 $0x400, s26  }
0xc0: {  	[tilespmem:s17], [sflag:$0x1] =	stream.indirect.gather [hbm4b:s4+s16], $0x80, s28, s16, $0xb8;
	[tilespmem:$0x1E800] =	vst v63  }
0xc1: {  	p1 =	sne.s32 s26, $0x4C00;
	s26 =	sadd.s32 $0x80, s28  }
0xc2: {  	[tilespmem:s18], [sflag:$0x2] =	stream.indirect.gather [hbm4b:s4+s16], $0x80, s26, s16, $0xb8;
	[tilespmem:$0x1E800] =	vst v63  }
0xc3: {  	_ =	swait.ge [sflag:s19], $0x4000  }
0xc4: {  	[sflag:s19] =	ssyncset.done $0x0  }
0xc5: {  	s26 =	sadd.s32 $0x1400, s28;
	[sflag:s19] =	ssyncadd.s32 $0xFFFFC000  }
0xc6: {  	[spmem:s1] =	stream.indirect.scatter.add.f32 [tilespmem:s17], [sflag:$0x3], $0x80, s26, s16, $0xb8;
	[tilespmem:$0x1E800] =	vst v63  }
0xc7: {  	_ =	swait.ge [sflag:s20], $0x4000  }
0xc8: {  	[sflag:s20] =	ssyncset.done $0x0  }
0xc9: {  	s26 =	sadd.s32 $0x1480, s28;
	[sflag:s20] =	ssyncadd.s32 $0xFFFFC000  }
0xca: {  	[spmem:s1] =	stream.indirect.scatter.add.f32 [tilespmem:s18], [sflag:$0x4], $0x80, s26, s16, $0xb8;
	[tilespmem:$0x1E800] =	vst v63  }
.Ltmp2:
0xcb: {  	_ =	swait.ge [sflag:s21], $0x4000;
	(pc) =	sbr.rel @p1 .LBB2_6-.Ltmp2, $4  }
0xcc: {  	[sflag:s21] =	ssyncset.done $0x0  }
0xcd: {  	[sflag:s21] =	ssyncadd.s32 $0xFFFFC000  }
0xce: {  	_ =	swait.ge [sflag:s22], $0x4000  }
0xcf: {  	s26 =	smov.u32 s29;
	[sflag:s22] =	ssyncset.done $0x0  }
0xd0: {  	s25 =	sshra.s32 s25, $0x2;
	[sflag:s22] =	ssyncadd.s32 $0xFFFFC000  }
0xd1: {  	[tilespmem:s17], [sflag:$0x1] =	stream.indirect.gather [hbm4b:s4+s16], $0x80, s25, s16, $0xb8;
	[tilespmem:$0x1E800] =	vst v63  }
0xd2: {  	s26 =	sadd.s32 $0x80, s25  }
0xd3: {  	[tilespmem:s18], [sflag:$0x2] =	stream.indirect.gather [hbm4b:s4+s16], $0x80, s26, s16, $0xb8;
	[tilespmem:$0x1E800] =	vst v63  }
0xd4: {  	_ =	swait.ge [sflag:s19], $0x4000  }
0xd5: {  	[sflag:s19] =	ssyncset.done $0x0  }
0xd6: {  	s31 =	sadd.s32 $0x1400, s25;
	[sflag:s19] =	ssyncadd.s32 $0xFFFFC000  }
0xd7: {  	[spmem:s1] =	stream.indirect.scatter.add.f32 [tilespmem:s17], [sflag:$0x3], $0x80, s31, s16, $0xb8;
	[tilespmem:$0x1E800] =	vst v63  }
0xd8: {  	_ =	swait.ge [sflag:s20], $0x4000  }
0xd9: {  	[sflag:s20] =	ssyncset.done $0x0  }
0xda: {  	s25 =	sadd.s32 $0x1480, s25;
	[sflag:s20] =	ssyncadd.s32 $0xFFFFC000  }
0xdb: {  	[spmem:s1] =	stream.indirect.scatter.add.f32 [tilespmem:s18], [sflag:$0x4], $0x80, s25, s16, $0xb8;
	[tilespmem:$0x1E800] =	vst v63  }
0xdc: {  	_ =	swait.ge [sflag:s21], $0x4000  }
0xdd: {  	[sflag:s21] =	ssyncset.done $0x0  }
0xde: {  	[sflag:s21] =	ssyncadd.s32 $0xFFFFC000  }
0xdf: {  	_ =	swait.ge [sflag:s22], $0x4000  }
0xe0: {  	[sflag:s22] =	ssyncset.done $0x0  }
0xe1: {  	[sflag:s22] =	ssyncadd.s32 $0xFFFFC000  }
0xe2: {  	_ =	sdelay $0x7ff  }
0xe3: {  	_ =	sdelay $0x7ff  }
0xe4: {  	_ =	sdelay $0x7ff  }
0xe5: {  	_ =	sdelay $0x7ff  }
0xe6: {  	_ =	sdelay $0x7ff  }
0xe7: {  	_ =	sdelay $0x7ff  }
0xe8: {  	_ =	sdelay $0x7ff  }
0xe9: {  	_ =	sdelay $0x7ff  }
0xea: {  	_ =	sdelay $0x7ff  }
0xeb: {  	_ =	sdelay $0x464  }
0xec: {  	s25 =	simm.s32 @p0 $0x1FC5;
	[bflag:$0x0] =	sbarrier.arrive $0xFFFF  }
0xed: {  	[hbm:s11], [sflag:s25] =	dma.local @p0 [spmem:s23], $0x2080  }
0xee: {  	s25 =	simm.s32 @p0 $0x5  }
0xef: {  	_ =	swait.ge @p0 [sflag:s25], $0x2080  }
0xf0: {  	s2 =	sadd.s32 $0x1, s2;
	s26 =	sshll.u32 @!p0 s3, $0x6;
	[sflag:s25] =	ssyncset.done @p0 $0x0  }
0xf1: {  	p1 =	sne.s32 s2, s12;
	[sflag:s25] =	ssyncadd.s32 @p0 $0xFFFFDF80;
	s25 =	sor.u32 @!p0 $0x1C05, s26  }
0xf2: {  	[hbm:s10], [sflag:s25] =	dma.local @!p0 [spmem:s24], $0x2780  }
.Ltmp3:
0xf3: {  	_ = 	snop;
	(pc) =	sbr.rel @p1 .LBB2_1-.Ltmp3, $4  }
0xf4: {  	s25 =	simm.s32 @!p0 $0x5  }
0xf5: {  	_ =	swait.ge @!p0 [sflag:s25], $0x2780  }
0xf6: {  	[sflag:s25] =	ssyncset.done @!p0 $0x0  }
0xf7: {  	[sflag:s25] =	ssyncadd.s32 @!p0 $0xFFFFD880  }
0xf8: {  	_ =	sfence.sel $0x180000  }
0xf9: {  	[bflag:$0x0] =	sbarrier.arrive $0xFFFF  }
0xfa: {  	p0 =	sne.s32 s3, $0x0;
	_ =	strace $0x9000004A  }
0xfb: {  	s0 =	sadd.s32 @!p0 $0x100000, s0;
	[bflag:$0x2] =	sbarrier.arrive $0xFFFF  }
0xfc: {  	[sflag:s0] =	ssyncadd.tile.s32 @!p0 $0x1;
	_ =	shalt  }
.Lfunc_end2:
_tile_overlayer_lowered:
.L_overlay_start_2:
0xfd: {  	(tag) =	ssettag $0x2  }
0xfe: {  	s0 =	rddreg [dreg:$0x0];
	s2 =	stileid.u32  }
0xff: {  	s1 =	rddreg [dreg:$0x1];
	p0 =	sne.s32 s2, $0x0  }
0x100: {  	s3 =	rddreg [dreg:$0x2];
	[bflag:$0x3] =	sbarrier.arrive $0xFFFF;
	s2 =	simm.s32 @!p0 $0x1C05  }
0x101: {  	[timem:s3], [sflag:s2] =	dma.local @!p0 [hbm:s0], s1  }
0x102: {  	s0 =	simm.s32 @!p0 $0x5  }
0x103: {  	_ =	swait.ge @!p0 [sflag:s0], s1  }
0x104: {  	s1 =	ssub.s32 @!p0 $0x0, s1;
	[sflag:s0] =	ssyncset.done @!p0 $0x0  }
0x105: {  	[sflag:s0] =	ssyncadd.s32 @!p0 s1  }
0x106: {  	[bflag:$0x3] =	sbarrier.arrive $0xFFFF  }
0x107: {  	_ =	shalt  }

// kernel: kernel.14.cloned.1.call-start
scs
__scs_entry_jumppad:
0x0: {  	(pc) =	sbr.rel $0x88, $3  }
0x1: {  	(tag) =	ssettag $0x0;
	lr =	simm.s32 $0x1  }
0x2: {  	[smem:$0x3F94] =	sst lr;
	_ =	strace $0xD0000000  }
0x3: {  	_ = 	snop  }
0x4: {  	_ = 	snop  }
0x5: {  	_ = 	snop  }
0x6: {  	_ = 	snop  }
0x7: {  	_ = 	snop  }
__scs_overlays_trampoline_lowered:
0x8: {  	[smem:$0x3FA3] =	sst s0  }
0x9: {  	[smem:$0x3FA4] =	sst s1  }
0xa: {  	[smem:$0x3FA5] =	sst s2  }
0xb: {  	[smem:$0x3FA6] =	sst s3  }
0xc: {  	[smem:$0x3FA7] =	sst s4  }
0xd: {  	[smem:$0x3FA8] =	sst s5  }
0xe: {  	[smem:$0x3FA9] =	sst s6  }
0xf: {  	[smem:$0x3FAA] =	sst s7  }
0x10: {  	[smem:$0x3FAB] =	sst s8  }
0x11: {  	[smem:$0x3FAC] =	sst s9;
	s0 =	simm.s32 @!p0 $0x0  }
0x12: {  	s1 =	sld [smem:$0x3F92];
	s0 =	simm.s32 @p0 $0x1  }
0x13: {  	[smem:$0x3FAD] =	sst s0;
	s0 =	simm.s32 @!p1 $0x0  }
0x14: {  	s2 =	sld [smem:$0x3F91];
	s0 =	simm.s32 @p1 $0x1  }
0x15: {  	[smem:$0x3FAE] =	sst s0;
	s0 =	simm.s32 @!p2 $0x0  }
0x16: {  	s3 =	sld [smem:$0x3FDB];
	s0 =	simm.s32 @p2 $0x1  }
0x17: {  	s4 =	simm.s32 $0x1BF5;
	[smem:$0x3FB0] =	sst s0  }
0x18: {  	s0 =	sld [smem:$0x3F93];
	_ =	swait.ge [sflag:s4], $0x0  }
0x19: {  	s7 =	sld [smem:$0x3F94]  }
0x1a: {  	s8 =	sadd.s32 $0xFFFFE003, lr  }
0x1b: {  	s9 =	sadd.s32 $0xFFFFFEF7, lr;
	s5 =	simm.s32 $0xFFFFFFFF;
	p2 =	slt.u32 s8, $0xFFFFF086  }
0x1c: {  	p1 =	slt.u32 s9, $0xF7A;
	s5 =	simm.s32 @!p2 $0x0  }
0x1d: {  	s5 =	simm.s32 @p1 $0x1;
	p0 =	seq.s32 s7, s2  }
0x1e: {  	s7 =	smul.u32 @!p0 $0xF7A, s2;
	p2 =	seq.s32 @!p0 s5, $0x0  }
0x1f: {  	s9 =	smul.u32 $0xF7A, s1;
	s8 =	simm.s32 @!p0 $0x1BF5;
	p2 =	por !p2, p0  }
0x20: {  	[sflag:s8] =	ssyncset.s32 @!p0 $0xFFFFF086;
	s6 =	sadd.s32 @!p0 s3, s7;
	s7 =	simm.s32 @!p0 $0x108  }
0x21: {  	s3 =	sadd.s32 s3, s9;
	s6 =	sadd.s32 @!p0 $0x88, s6;
	s7 =	simm.s32 @p2 $0x1082  }
0x22: {  	[simem:s7], [sflag:s8] =	dma.local @!p0 [hbm:s6], $0xF7A  }
0x23: {  	s9 =	sor.u32 $0xD0000000, s2;
	s6 =	simm.s32 $0x108;
	_ =	swait.ge @!p0 [sflag:s8], $0x0  }
0x24: {  	s3 =	sadd.s32 $0x88, s3;
	s6 =	simm.s32 @!p1 $0x1082;
	[sflag:s4] =	ssyncset.s32 $0xFFFFF086  }
0x25: {  	[simem:s6], [sflag:s4] =	dma.local [hbm:s3], $0xF7A  }
0x26: {  	[smem:$0x3F94] =	sst s1;
	(tag) =	ssettag s2;
	_ =	strace s9  }
0x27: {  	s1 =	sld [smem:$0x3FA4]  }
0x28: {  	s2 =	sld [smem:$0x3FA5]  }
0x29: {  	s4 =	sld [smem:$0x3FA7]  }
0x2a: {  	p0 =	seq.s32 s5, $0x0;
	s5 =	sld [smem:$0x3FA8]  }
0x2b: {  	s6 =	sld [smem:$0x3FA9]  }
0x2c: {  	s7 =	sld [smem:$0x3FAA]  }
0x2d: {  	s3 =	simm.s32 $0x108;
	s8 =	sld [smem:$0x3FAB]  }
0x2e: {  	s3 =	simm.s32 @!p0 $0x1082;
	s9 =	sld [smem:$0x3FAC]  }
0x2f: {  	lr =	sadd.s32 s0, s3;
	s0 =	sld [smem:$0x3FA3]  }
0x30: {  	s3 =	sld [smem:$0x3FA6]  }
0x31: {  	[smem:$0x3FAF] =	sst s10  }
0x32: {  	s10 =	sld [smem:$0x3FAD];
	_ =	sdelay $0x3  }
0x33: {  	p0 =	seq.s32 s10, $0x1;
	s10 =	sld [smem:$0x3FAF];
	_ =	sdelay $0x3  }
0x34: {  	[smem:$0x3FAF] =	sst s10  }
0x35: {  	s10 =	sld [smem:$0x3FAE];
	_ =	sdelay $0x3  }
0x36: {  	p1 =	seq.s32 s10, $0x1;
	s10 =	sld [smem:$0x3FAF];
	_ =	sdelay $0x3  }
0x37: {  	[smem:$0x3FAF] =	sst s10  }
0x38: {  	s10 =	sld [smem:$0x3FB0]  }
0x39: {  	_ = 	snop;
	(pc) =	sbr.ind lr, $3  }
0x3a: {  	_ = 	snop  }
0x3b: {  	_ = 	snop  }
0x3c: {  	p2 =	seq.s32 s10, $0x1;
	s10 =	sld [smem:$0x3FAF]  }
0x3d: {  	_ =	shalt  }
0x3e: {  	_ =	shalt  }
0x3f: {  	_ =	shalt  }
0x40: {  	_ =	shalt  }
0x41: {  	_ =	shalt  }
0x42: {  	_ =	shalt  }
0x43: {  	_ =	shalt  }
0x44: {  	_ =	shalt  }
0x45: {  	_ =	shalt  }
0x46: {  	_ =	shalt  }
0x47: {  	_ =	shalt  }
0x48: {  	_ =	shalt  }
0x49: {  	_ =	shalt  }
0x4a: {  	_ =	shalt  }
0x4b: {  	_ =	shalt  }
0x4c: {  	_ =	shalt  }
0x4d: {  	_ =	shalt  }
0x4e: {  	_ =	shalt  }
0x4f: {  	_ =	shalt  }
0x50: {  	_ =	shalt  }
0x51: {  	_ =	shalt  }
0x52: {  	_ =	shalt  }
0x53: {  	_ =	shalt  }
0x54: {  	_ =	shalt  }
0x55: {  	_ =	shalt  }
0x56: {  	_ =	shalt  }
0x57: {  	_ =	shalt  }
0x58: {  	_ =	shalt  }
0x59: {  	_ =	shalt  }
0x5a: {  	_ =	shalt  }
0x5b: {  	_ =	shalt  }
0x5c: {  	_ =	shalt  }
0x5d: {  	_ =	shalt  }
0x5e: {  	_ =	shalt  }
0x5f: {  	_ =	shalt  }
0x60: {  	_ =	shalt  }
0x61: {  	_ =	shalt  }
0x62: {  	_ =	shalt  }
0x63: {  	_ =	shalt  }
0x64: {  	_ =	shalt  }
0x65: {  	_ =	shalt  }
0x66: {  	_ =	shalt  }
0x67: {  	_ =	shalt  }
0x68: {  	_ =	shalt  }
0x69: {  	_ =	shalt  }
0x6a: {  	_ =	shalt  }
0x6b: {  	_ =	shalt  }
0x6c: {  	_ =	shalt  }
0x6d: {  	_ =	shalt  }
0x6e: {  	_ =	shalt  }
0x6f: {  	_ =	shalt  }
0x70: {  	_ =	shalt  }
0x71: {  	_ =	shalt  }
0x72: {  	_ =	shalt  }
0x73: {  	_ =	shalt  }
0x74: {  	_ =	shalt  }
0x75: {  	_ =	shalt  }
0x76: {  	_ =	shalt  }
0x77: {  	_ =	shalt  }
0x78: {  	_ =	shalt  }
0x79: {  	_ =	shalt  }
0x7a: {  	_ =	shalt  }
0x7b: {  	_ =	shalt  }
0x7c: {  	_ =	shalt  }
0x7d: {  	_ =	shalt  }
0x7e: {  	_ =	shalt  }
0x7f: {  	_ =	shalt  }
0x80: {  	_ =	shalt  }
0x81: {  	_ =	shalt  }
0x82: {  	_ =	shalt  }
0x83: {  	_ =	shalt  }
0x84: {  	_ =	shalt  }
0x85: {  	_ =	shalt  }
0x86: {  	_ =	shalt  }
0x87: {  	_ =	shalt  }
.Lfunc_end0:
.L_simem_size_0:
called_computation.2_lowered:
.L_overlay_start_0:
0x88: {  	s2 =	sld [smem:$0x3FD9]  }
0x89: {  	s3 =	sld [smem:$0x3FFE];
	_ =	sdelay $0x1  }
0x8a: {  	s1 =	srdreg.scid  }
0x8b: {  	s0 =	sand.u32 $0x1, s1  }
0x8c: {  	s16 =	sshll.u32 s0, $0xA;
	s2 =	sadd.s32 s3, s2  }
0x8d: {  	s2 =	sadd.s32 s2, s16  }
0x8e: {  	[smem:$0x3FBB] =	sst s2  }
0x8f: {  	_ = 	snop  }
0x90: {  	(tm) =	ssettm $0x1  }
0x91: {  	s17 =	sld [smem:$0x3FFB];
	_ =	sdelay $0x3  }
0x92: {  	_ =	strace s17  }
0x93: {  	s2 =	sld [smem:$0x3FFC];
	_ =	sdelay $0x3  }
0x94: {  	_ =	strace s2  }
0x95: {  	s2 =	sld [smem:$0x3FFD];
	_ =	sdelay $0x3  }
0x96: {  	_ =	strace s2  }
0x97: {  	_ =	strace $0x8FFFFFFF  }
0x98: {  	s18 =	sld [smem:$0x3FDB];
	_ =	sdelay $0x1  }
0x99: {  	s19 =	simm.s32 $_scs_section_size  }
0x9a: {  	s4 =	simm.s32 $_size__tile_overlayer_lowered;
	s5 =	simm.s32 $_tile_overlayer_lowered  }
0x9b: {  	s22 =	simm.s32 $0x1BFF;
	s21 =	sshll.u32 s5, $0x1;
	s2 =	sadd.s32 s19, s18  }
0x9c: {  	s6 =	simm.s32 $0x0;
	s20 =	sshll.u32 s4, $0x1;
	s4 =	sadd.s32 s21, s2  }
0x9d: {  	[timem:s6], [sflag:s22] =	dma.local [hbm:s4], s20  }
0x9e: {  	_ =	swait.ge [sflag:s22], s20  }
0x9f: {  	s3 =	ssub.s32 $0x0, s20;
	[sflag:s22] =	ssyncset.done $0x0  }
0xa0: {  	[sflag:s22] =	ssyncadd.s32 s3;
	_ =	sdelay $0x1  }
0xa1: {  	s23 =	simm.s32 $0x1B8B  }
0xa2: {  	_ =	swait.ge [sflag:s23], $0x1  }
0xa3: {  	[sflag:s23] =	ssyncset.done $0x0  }
0xa4: {  	s25 =	simm.s32 $0x1B8E;
	s24 =	sld [smem:$0x3FFE];
	[sflag:s23] =	ssyncadd.s32 $0xFFFFFFFF  }
0xa5: {  	s26 =	simm.s32 $execute0_lowered;
	[smem:$0x3FD2] =	sst s25  }
0xa6: {  	s4 =	sshll.u32 s26, $0x1;
	_ =	strace $0x8000004C;
	[dreg:$0x1] =	wrdreg $0xFFFFFFFF  }
0xa7: {  	s28 =	simm.s32 $_size_execute0_lowered;
	s2 =	sadd.s32 s2, s4;
	[dreg:$0x0] =	wrdreg $0x0  }
0xa8: {  	s4 =	sshll.u32 s28, $0x1;
	[dreg:$0x2] =	wrdreg s2  }
0xa9: {  	[dreg:$0x3] =	wrdreg s4  }
0xaa: {  	[dreg:$0x4] =	wrdreg $0xC0  }
0xab: {  	_ =	task [dreg:s6], $0x5FFFF  }
0xac: {  	[dreg:$0x1] =	wrdreg $0xFFFFFFFF  }
0xad: {  	[dreg:$0x0] =	wrdreg $0x60  }
0xae: {  	[dreg:$0x2] =	wrdreg s24  }
0xaf: {  	[dreg:$0x3] =	wrdreg $0xAC000  }
0xb0: {  	[dreg:$0x4] =	wrdreg $0x9  }
0xb1: {  	_ =	task.clear_ibuf [dreg:s6], $0x5FFFF;
	_ =	strace $0x9000004C  }
0xb2: {  	s29 =	simm.s32 $0x9;
	_ =	strace $0x8000004E  }
0xb3: {  	_ =	swait.ge [sflag:s29], $0x1  }
0xb4: {  	[sflag:s29] =	ssyncadd.s32 $0xFFFFFFFF  }
0xb5: {  	_ =	strace $0x9000004E  }
0xb6: {  	_ =	sfence  }
0xb7: {  	s30 =	sld [smem:$0x0];
	_ =	sdelay $0x2  }
0xb8: {  	s31 =	sshll.u32 s1, $0xD;
	s1 =	sshrl.u32 s1, $0x2  }
0xb9: {  	s3 =	sand.u32 $0x4000, s31;
	s1 =	sadd.s32 s1, s30  }
0xba: {  	s0 =	sor.u32 s3, s0;
	s1 =	sshll.u32 s1, $0x11  }
0xbb: {  	s0 =	sor.u32 s1, s0  }
0xbc: {  	s0 =	sadd.s32 $0x8F2B, s0  }
0xbd: {  	[sflag:s0] =	ssyncadd.remote.s32 $0x1  }
0xbe: {  	_ =	sfence.sel $0xFFFF  }
0xbf: {  	[dreg:$0x0] =	wrdreg $0xFFFFFFFF;
	(pc) =	sbr.abs _section_cstart, $3  }
0xc0: {  	[dreg:$0x1] =	wrdreg $0xFFFFFFFF  }
0xc1: {  	_ =	task.clear_ibuf [dreg:s6], $0x2FFFF;
	_ =	strace $0x9FFFFFFF  }
0xc2: {  	(tm) =	ssettm $0x7FFFFFFF  }
0xc3: {  	_ =	shalt  }
tec
execute0_lowered:
.L_overlay_start_1:
0x0: {  	(tag) =	ssettag $0x1  }
0x1: {  	s5 =	rddreg [dreg:$0x0]  }
0x2: {  	s1 =	rddreg [dreg:$0x1]  }
0x3: {  	s0 =	rddreg [dreg:$0x2];
	s2 =	simm.s32 $0x0;
	s3 =	srdreg.scid  }
0x4: {  	s17 =	simm.s32 $0x2800;
	s18 =	simm.s32 $0x6800;
	s19 =	simm.s32 $0x1  }
0x5: {  	s20 =	simm.s32 $0x2;
	s21 =	simm.s32 $0x3;
	s22 =	simm.s32 $0x4  }
0x6: {  	[smem:$0x7FF] =	sst s2;
	s6 =	sand.u32 $0x1, s3;
	s4 =	sadd.s32 $0x16C00, s5  }
0x7: {  	s3 =	stileid.u32;
	s8 =	sadd.s32 $0xCC00, s5;
	s10 =	sadd.s32 $0x2C00, s5  }
0x8: {  	s13 =	sadd.s32 $0x3DE00, s5;
	s23 =	sadd.s32 $0x128400, s1;
	s9 =	smul.u32 $0x4F000, s3  }
0x9: {  	_ =	strace $0x8000004D;
	s7 =	sshll.u32 s6, $0x4;
	s26 =	smul.u32 $0x138800, s6  }
0xa: {  	s11 =	ssub.s32 $0x2, s6;
	s15 =	smul.u32 $0x13C00, s3;
	s7 =	sor.u32 s3, s7  }
0xb: {  	p0 =	seq.s32 s3, $0xF;
	s24 =	sshrl.u32 s11, $0x1;
	s12 =	smul.u32 $0x500, s7  }
0xc: {  	s23 =	sshrl.u32 @p0 s23, $0x3;
	s7 =	smul.u32 $0x2800, s7;
	s14 =	ssub.s32 s11, s24  }
0xd: {  	s25 =	sshrl.u32 s9, $0x2;
	s29 =	sadd.s32 s15, s26;
	s16 =	sshrl.u32 s26, $0x3  }
0xe: {  	s24 =	sadd.s32 s15, s1;
	s15 =	simm.s32 $0x1400;
	s5 =	sadd.s32 s25, s1  }
0xf: {  	s30 =	sshrl.u32 s29, $0x3;
	s31 =	sadd.s32 s13, s16;
	s16 =	simm.s32 $0x80  }
0x10: {  	s24 =	sshrl.u32 @!p0 s24, $0x3;
	s28 =	sshrl.u32 s7, $0x3;
	s6 =	sadd.s32 s8, s12  }
0x11: {  	s7 =	sadd.s32 s10, s12;
	s12 =	smax.u32 s14, $0x1;
	s11 =	sadd.s32 $0x280, s28  }
0x12: {  	s14 =	simm.s32 $0x5;
	s8 =	sadd.s32 s8, s11;
	s9 =	sadd.s32 s10, s11  }
0x13: {  	v0 =	vimm.f32 $0.0e+00;
	s10 =	sadd.s32 s13, s30;
	s11 =	sadd.s32 $0x25080, s31;
	s13 =	simm.s32 $0xA800  }
.LBB2_1:
0x14: {  	[tilespmem:$0xA800] =	vst v0  }
0x15: {  	[tilespmem:$0xA810] =	vst v0  }
0x16: {  	[tilespmem:$0xA820] =	vst v0  }
0x17: {  	[tilespmem:$0xA830] =	vst v0  }
0x18: {  	[tilespmem:$0xA840] =	vst v0  }
0x19: {  	[tilespmem:$0xA850] =	vst v0  }
0x1a: {  	[tilespmem:$0xA860] =	vst v0  }
0x1b: {  	[tilespmem:$0xA870] =	vst v0  }
0x1c: {  	[tilespmem:$0xA880] =	vst v0  }
0x1d: {  	[tilespmem:$0xA890] =	vst v0  }
0x1e: {  	[tilespmem:$0xA8A0] =	vst v0  }
0x1f: {  	[tilespmem:$0xA8B0] =	vst v0  }
0x20: {  	[tilespmem:$0xA8C0] =	vst v0  }
0x21: {  	[tilespmem:$0xA8D0] =	vst v0  }
0x22: {  	[tilespmem:$0xA8E0] =	vst v0  }
0x23: {  	[tilespmem:$0xA8F0] =	vst v0  }
0x24: {  	[tilespmem:$0xA900] =	vst v0  }
0x25: {  	[tilespmem:$0xA910] =	vst v0  }
0x26: {  	[tilespmem:$0xA920] =	vst v0  }
0x27: {  	[tilespmem:$0xA930] =	vst v0  }
0x28: {  	[tilespmem:$0xA940] =	vst v0  }
0x29: {  	[tilespmem:$0xA950] =	vst v0  }
0x2a: {  	[tilespmem:$0xA960] =	vst v0  }
0x2b: {  	[tilespmem:$0xA970] =	vst v0  }
0x2c: {  	[tilespmem:$0xA980] =	vst v0  }
0x2d: {  	[tilespmem:$0xA990] =	vst v0  }
0x2e: {  	[tilespmem:$0xA9A0] =	vst v0  }
0x2f: {  	[tilespmem:$0xA9B0] =	vst v0  }
0x30: {  	[tilespmem:$0xA9C0] =	vst v0  }
0x31: {  	[tilespmem:$0xA9D0] =	vst v0  }
0x32: {  	[tilespmem:$0xA9E0] =	vst v0  }
0x33: {  	[tilespmem:$0xA9F0] =	vst v0  }
0x34: {  	[tilespmem:$0xAA00] =	vst v0  }
0x35: {  	[tilespmem:$0xAA10] =	vst v0  }
0x36: {  	[tilespmem:$0xAA20] =	vst v0  }
0x37: {  	[tilespmem:$0xAA30] =	vst v0  }
0x38: {  	[tilespmem:$0xAA40] =	vst v0  }
0x39: {  	[tilespmem:$0xAA50] =	vst v0  }
0x3a: {  	[tilespmem:$0xAA60] =	vst v0  }
0x3b: {  	[tilespmem:$0xAA70] =	vst v0  }
0x3c: {  	[tilespmem:$0xAA80] =	vst v0  }
0x3d: {  	[tilespmem:$0xAA90] =	vst v0  }
0x3e: {  	[tilespmem:$0xAAA0] =	vst v0  }
0x3f: {  	[tilespmem:$0xAAB0] =	vst v0  }
0x40: {  	[tilespmem:$0xAAC0] =	vst v0  }
0x41: {  	[tilespmem:$0xAAD0] =	vst v0  }
0x42: {  	[tilespmem:$0xAAE0] =	vst v0  }
0x43: {  	[tilespmem:$0xAAF0] =	vst v0  }
0x44: {  	[tilespmem:$0xAB00] =	vst v0  }
0x45: {  	[tilespmem:$0xAB10] =	vst v0  }
0x46: {  	[tilespmem:$0xAB20] =	vst v0  }
0x47: {  	[tilespmem:$0xAB30] =	vst v0  }
0x48: {  	[tilespmem:$0xAB40] =	vst v0  }
0x49: {  	[tilespmem:$0xAB50] =	vst v0  }
0x4a: {  	[tilespmem:$0xAB60] =	vst v0  }
0x4b: {  	[tilespmem:$0xAB70] =	vst v0  }
0x4c: {  	[tilespmem:$0xAB80] =	vst v0  }
0x4d: {  	[tilespmem:$0xAB90] =	vst v0  }
0x4e: {  	[tilespmem:$0xABA0] =	vst v0  }
0x4f: {  	[tilespmem:$0xABB0] =	vst v0  }
0x50: {  	[tilespmem:$0xABC0] =	vst v0  }
0x51: {  	[tilespmem:$0xABD0] =	vst v0  }
0x52: {  	[tilespmem:$0xABE0] =	vst v0  }
0x53: {  	[tilespmem:$0xABF0] =	vst v0  }
0x54: {  	_ =	sdelay $0x7ff  }
0x55: {  	s25 =	sadd.s32 $0x0, s5;
	_ =	sdelay $0x6d6  }
0x56: {  	[spmem:s25] =	stream.linear.scatter [tilespmem:s13], [sflag:$0x5], $0x400, $0x38;
	[tilespmem:$0x1E800] =	vst v63  }
0x57: {  	s25 =	simm.s32 $0x1000;
	_ =	swait.ge [sflag:s14], $0x400  }
.LBB2_2:
0x58: {  	s26 =	sshra.s32 s25, $0x2;
	[sflag:s14] =	ssyncset.done $0x0;
	p1 =	sne.s32 s25, $0x4E000  }
.Ltmp0:
0x59: {  	s26 =	sadd.s32 s26, s5;
	[sflag:s14] =	ssyncadd.s32 $0xFFFFFC00;
	(pc) =	sbr.rel @p1 .LBB2_2-.Ltmp0, $3  }
0x5a: {  	[spmem:s26] =	stream.linear.scatter [tilespmem:s13], [sflag:$0x5], $0x400, $0x38;
	[tilespmem:$0x1E800] =	vst v63  }
0x5b: {  	s25 =	sadd.s32 $0x1000, s25;
	_ =	sdelay $0x1  }
0x5c: {  	_ =	swait.ge [sflag:s14], $0x400  }
0x5d: {  	[sflag:s14] =	ssyncset.done $0x0  }
0x5e: {  	[sflag:s14] =	ssyncadd.s32 $0xFFFFFC00  }
0x5f: {  	_ =	sdelay $0x7ff  }
0x60: {  	_ =	sdelay $0x7ff  }
0x61: {  	_ =	sdelay $0x7ff  }
0x62: {  	_ =	sdelay $0x7ff  }
0x63: {  	_ =	sdelay $0x7ff  }
0x64: {  	_ =	sdelay $0x7ff  }
0x65: {  	_ =	sdelay $0x7ff  }
0x66: {  	_ =	sdelay $0x7ff  }
0x67: {  	_ =	sdelay $0x7ff  }
0x68: {  	_ =	sdelay $0x464  }
0x69: {  	s25 =	simm.s32 $0x0;
	[bflag:$0x0] =	sbarrier.arrive $0xFFFF  }
0x6a: {  	[tilespmem:s25], [sflag:$0x5] =	stream.linear.gather [hbm4b:s6+s25], $0x1400, $0x38;
	[tilespmem:$0x1E800] =	vst v63  }
0x6b: {  	_ =	swait.ge [sflag:s14], $0x1400  }
0x6c: {  	[sflag:s14] =	ssyncset.done $0x0  }
0x6d: {  	[sflag:s14] =	ssyncadd.s32 $0xFFFFEC00  }
0x6e: {  	[tilespmem:s15], [sflag:$0x5] =	stream.linear.gather [hbm4b:s7+s25], $0x1400, $0x38;
	[tilespmem:$0x1E800] =	vst v63  }
0x6f: {  	_ =	swait.ge [sflag:s14], $0x1400  }
0x70: {  	[sflag:s14] =	ssyncset.done $0x0  }
0x71: {  	s28 =	simm.s32 $0x0;
	[sflag:s14] =	ssyncadd.s32 $0xFFFFEC00  }
0x72: {  	[tilespmem:s17], [sflag:$0x1] =	stream.indirect.gather [hbm4b:s4+s16], $0x80, s28, s16, $0xb8;
	[tilespmem:$0x1E800] =	vst v63  }
0x73: {  	s29 =	simm.s32 $0x80  }
0x74: {  	[tilespmem:s18], [sflag:$0x2] =	stream.indirect.gather [hbm4b:s4+s16], $0x80, s29, s16, $0xb8;
	[tilespmem:$0x1E800] =	vst v63  }
0x75: {  	_ =	swait.ge [sflag:s19], $0x4000  }
0x76: {  	[sflag:s19] =	ssyncset.done $0x0  }
0x77: {  	s30 =	simm.s32 $0x1400;
	[sflag:s19] =	ssyncadd.s32 $0xFFFFC000  }
0x78: {  	[spmem:s1] =	stream.indirect.scatter.add.f32 [tilespmem:s17], [sflag:$0x3], $0x80, s30, s16, $0xb8;
	[tilespmem:$0x1E800] =	vst v63  }
0x79: {  	_ =	swait.ge [sflag:s20], $0x4000  }
0x7a: {  	[sflag:s20] =	ssyncset.done $0x0  }
0x7b: {  	s31 =	simm.s32 $0x1480;
	[sflag:s20] =	ssyncadd.s32 $0xFFFFC000  }
0x7c: {  	[spmem:s1] =	stream.indirect.scatter.add.f32 [tilespmem:s18], [sflag:$0x4], $0x80, s31, s16, $0xb8;
	[tilespmem:$0x1E800] =	vst v63  }
0x7d: {  	_ =	swait.ge [sflag:s21], $0x4000  }
0x7e: {  	[sflag:s21] =	ssyncset.done $0x0  }
0x7f: {  	[sflag:s21] =	ssyncadd.s32 $0xFFFFC000  }
0x80: {  	_ =	swait.ge [sflag:s22], $0x4000  }
0x81: {  	s26 =	simm.s32 $0x800;
	s25 =	simm.s32 $0x400;
	[sflag:s22] =	ssyncset.done $0x0  }
.LBB2_4:
0x82: {  	s28 =	sshra.s32 s25, $0x2  }
0x83: {  	[sflag:s22] =	ssyncadd.s32 $0xFFFFC000;
	s25 =	smov.u32 s26;
	s29 =	sadd.s32 $0x400, s26  }
0x84: {  	[tilespmem:s17], [sflag:$0x1] =	stream.indirect.gather [hbm4b:s4+s16], $0x80, s28, s16, $0xb8;
	[tilespmem:$0x1E800] =	vst v63  }
0x85: {  	p1 =	sne.s32 s26, $0x4C00;
	s26 =	sadd.s32 $0x80, s28  }
0x86: {  	[tilespmem:s18], [sflag:$0x2] =	stream.indirect.gather [hbm4b:s4+s16], $0x80, s26, s16, $0xb8;
	[tilespmem:$0x1E800] =	vst v63  }
0x87: {  	_ =	swait.ge [sflag:s19], $0x4000  }
0x88: {  	[sflag:s19] =	ssyncset.done $0x0  }
0x89: {  	s26 =	sadd.s32 $0x1400, s28;
	[sflag:s19] =	ssyncadd.s32 $0xFFFFC000  }
0x8a: {  	[spmem:s1] =	stream.indirect.scatter.add.f32 [tilespmem:s17], [sflag:$0x3], $0x80, s26, s16, $0xb8;
	[tilespmem:$0x1E800] =	vst v63  }
0x8b: {  	_ =	swait.ge [sflag:s20], $0x4000  }
0x8c: {  	[sflag:s20] =	ssyncset.done $0x0  }
0x8d: {  	s26 =	sadd.s32 $0x1480, s28;
	[sflag:s20] =	ssyncadd.s32 $0xFFFFC000  }
0x8e: {  	[spmem:s1] =	stream.indirect.scatter.add.f32 [tilespmem:s18], [sflag:$0x4], $0x80, s26, s16, $0xb8;
	[tilespmem:$0x1E800] =	vst v63  }
.Ltmp1:
0x8f: {  	_ =	swait.ge [sflag:s21], $0x4000;
	(pc) =	sbr.rel @p1 .LBB2_4-.Ltmp1, $4  }
0x90: {  	[sflag:s21] =	ssyncset.done $0x0  }
0x91: {  	[sflag:s21] =	ssyncadd.s32 $0xFFFFC000  }
0x92: {  	_ =	swait.ge [sflag:s22], $0x4000  }
0x93: {  	s26 =	smov.u32 s29;
	[sflag:s22] =	ssyncset.done $0x0  }
0x94: {  	s25 =	sshra.s32 s25, $0x2;
	[sflag:s22] =	ssyncadd.s32 $0xFFFFC000  }
0x95: {  	[tilespmem:s17], [sflag:$0x1] =	stream.indirect.gather [hbm4b:s4+s16], $0x80, s25, s16, $0xb8;
	[tilespmem:$0x1E800] =	vst v63  }
0x96: {  	s26 =	sadd.s32 $0x80, s25  }
0x97: {  	[tilespmem:s18], [sflag:$0x2] =	stream.indirect.gather [hbm4b:s4+s16], $0x80, s26, s16, $0xb8;
	[tilespmem:$0x1E800] =	vst v63  }
0x98: {  	_ =	swait.ge [sflag:s19], $0x4000  }
0x99: {  	[sflag:s19] =	ssyncset.done $0x0  }
0x9a: {  	s31 =	sadd.s32 $0x1400, s25;
	[sflag:s19] =	ssyncadd.s32 $0xFFFFC000  }
0x9b: {  	[spmem:s1] =	stream.indirect.scatter.add.f32 [tilespmem:s17], [sflag:$0x3], $0x80, s31, s16, $0xb8;
	[tilespmem:$0x1E800] =	vst v63  }
0x9c: {  	_ =	swait.ge [sflag:s20], $0x4000  }
0x9d: {  	[sflag:s20] =	ssyncset.done $0x0  }
0x9e: {  	s25 =	sadd.s32 $0x1480, s25;
	[sflag:s20] =	ssyncadd.s32 $0xFFFFC000  }
0x9f: {  	[spmem:s1] =	stream.indirect.scatter.add.f32 [tilespmem:s18], [sflag:$0x4], $0x80, s25, s16, $0xb8;
	[tilespmem:$0x1E800] =	vst v63  }
0xa0: {  	_ =	swait.ge [sflag:s21], $0x4000  }
0xa1: {  	[sflag:s21] =	ssyncset.done $0x0  }
0xa2: {  	[sflag:s21] =	ssyncadd.s32 $0xFFFFC000  }
0xa3: {  	_ =	swait.ge [sflag:s22], $0x4000  }
0xa4: {  	[sflag:s22] =	ssyncset.done $0x0  }
0xa5: {  	s26 =	simm.s32 $0x0;
	[sflag:s22] =	ssyncadd.s32 $0xFFFFC000  }
0xa6: {  	[tilespmem:s26], [sflag:$0x5] =	stream.linear.gather [hbm4b:s8+s26], $0x1400, $0x38;
	[tilespmem:$0x1E800] =	vst v63  }
0xa7: {  	_ =	swait.ge [sflag:s14], $0x1400  }
0xa8: {  	[sflag:s14] =	ssyncset.done $0x0  }
0xa9: {  	[sflag:s14] =	ssyncadd.s32 $0xFFFFEC00  }
0xaa: {  	[tilespmem:s15], [sflag:$0x5] =	stream.linear.gather [hbm4b:s9+s26], $0x1400, $0x38;
	[tilespmem:$0x1E800] =	vst v63  }
0xab: {  	_ =	swait.ge [sflag:s14], $0x1400  }
0xac: {  	[sflag:s14] =	ssyncset.done $0x0  }
0xad: {  	s28 =	simm.s32 $0x0;
	[sflag:s14] =	ssyncadd.s32 $0xFFFFEC00  }
0xae: {  	[tilespmem:s17], [sflag:$0x1] =	stream.indirect.gather [hbm4b:s4+s16], $0x80, s28, s16, $0xb8;
	[tilespmem:$0x1E800] =	vst v63  }
0xaf: {  	s29 =	simm.s32 $0x80  }
0xb0: {  	[tilespmem:s18], [sflag:$0x2] =	stream.indirect.gather [hbm4b:s4+s16], $0x80, s29, s16, $0xb8;
	[tilespmem:$0x1E800] =	vst v63  }
0xb1: {  	_ =	swait.ge [sflag:s19], $0x4000  }
0xb2: {  	[sflag:s19] =	ssyncset.done $0x0  }
0xb3: {  	s30 =	simm.s32 $0x1400;
	[sflag:s19] =	ssyncadd.s32 $0xFFFFC000  }
0xb4: {  	[spmem:s1] =	stream.indirect.scatter.add.f32 [tilespmem:s17], [sflag:$0x3], $0x80, s30, s16, $0xb8;
	[tilespmem:$0x1E800] =	vst v63  }
0xb5: {  	_ =	swait.ge [sflag:s20], $0x4000  }
0xb6: {  	[sflag:s20] =	ssyncset.done $0x0  }
0xb7: {  	s31 =	simm.s32 $0x1480;
	[sflag:s20] =	ssyncadd.s32 $0xFFFFC000  }
0xb8: {  	[spmem:s1] =	stream.indirect.scatter.add.f32 [tilespmem:s18], [sflag:$0x4], $0x80, s31, s16, $0xb8;
	[tilespmem:$0x1E800] =	vst v63  }
0xb9: {  	_ =	swait.ge [sflag:s21], $0x4000  }
0xba: {  	[sflag:s21] =	ssyncset.done $0x0  }
0xbb: {  	[sflag:s21] =	ssyncadd.s32 $0xFFFFC000  }
0xbc: {  	_ =	swait.ge [sflag:s22], $0x4000  }
0xbd: {  	s25 =	simm.s32 $0x400;
	s26 =	simm.s32 $0x800;
	[sflag:s22] =	ssyncset.done $0x0  }
.LBB2_6:
0xbe: {  	s28 =	sshra.s32 s25, $0x2  }
0xbf: {  	[sflag:s22] =	ssyncadd.s32 $0xFFFFC000;
	s25 =	smov.u32 s26;
	s29 =	sadd.s32 $0x400, s26  }
0xc0: {  	[tilespmem:s17], [sflag:$0x1] =	stream.indirect.gather [hbm4b:s4+s16], $0x80, s28, s16, $0xb8;
	[tilespmem:$0x1E800] =	vst v63  }
0xc1: {  	p1 =	sne.s32 s26, $0x4C00;
	s26 =	sadd.s32 $0x80, s28  }
0xc2: {  	[tilespmem:s18], [sflag:$0x2] =	stream.indirect.gather [hbm4b:s4+s16], $0x80, s26, s16, $0xb8;
	[tilespmem:$0x1E800] =	vst v63  }
0xc3: {  	_ =	swait.ge [sflag:s19], $0x4000  }
0xc4: {  	[sflag:s19] =	ssyncset.done $0x0  }
0xc5: {  	s26 =	sadd.s32 $0x1400, s28;
	[sflag:s19] =	ssyncadd.s32 $0xFFFFC000  }
0xc6: {  	[spmem:s1] =	stream.indirect.scatter.add.f32 [tilespmem:s17], [sflag:$0x3], $0x80, s26, s16, $0xb8;
	[tilespmem:$0x1E800] =	vst v63  }
0xc7: {  	_ =	swait.ge [sflag:s20], $0x4000  }
0xc8: {  	[sflag:s20] =	ssyncset.done $0x0  }
0xc9: {  	s26 =	sadd.s32 $0x1480, s28;
	[sflag:s20] =	ssyncadd.s32 $0xFFFFC000  }
0xca: {  	[spmem:s1] =	stream.indirect.scatter.add.f32 [tilespmem:s18], [sflag:$0x4], $0x80, s26, s16, $0xb8;
	[tilespmem:$0x1E800] =	vst v63  }
.Ltmp2:
0xcb: {  	_ =	swait.ge [sflag:s21], $0x4000;
	(pc) =	sbr.rel @p1 .LBB2_6-.Ltmp2, $4  }
0xcc: {  	[sflag:s21] =	ssyncset.done $0x0  }
0xcd: {  	[sflag:s21] =	ssyncadd.s32 $0xFFFFC000  }
0xce: {  	_ =	swait.ge [sflag:s22], $0x4000  }
0xcf: {  	s26 =	smov.u32 s29;
	[sflag:s22] =	ssyncset.done $0x0  }
0xd0: {  	s25 =	sshra.s32 s25, $0x2;
	[sflag:s22] =	ssyncadd.s32 $0xFFFFC000  }
0xd1: {  	[tilespmem:s17], [sflag:$0x1] =	stream.indirect.gather [hbm4b:s4+s16], $0x80, s25, s16, $0xb8;
	[tilespmem:$0x1E800] =	vst v63  }
0xd2: {  	s26 =	sadd.s32 $0x80, s25  }
0xd3: {  	[tilespmem:s18], [sflag:$0x2] =	stream.indirect.gather [hbm4b:s4+s16], $0x80, s26, s16, $0xb8;
	[tilespmem:$0x1E800] =	vst v63  }
0xd4: {  	_ =	swait.ge [sflag:s19], $0x4000  }
0xd5: {  	[sflag:s19] =	ssyncset.done $0x0  }
0xd6: {  	s31 =	sadd.s32 $0x1400, s25;
	[sflag:s19] =	ssyncadd.s32 $0xFFFFC000  }
0xd7: {  	[spmem:s1] =	stream.indirect.scatter.add.f32 [tilespmem:s17], [sflag:$0x3], $0x80, s31, s16, $0xb8;
	[tilespmem:$0x1E800] =	vst v63  }
0xd8: {  	_ =	swait.ge [sflag:s20], $0x4000  }
0xd9: {  	[sflag:s20] =	ssyncset.done $0x0  }
0xda: {  	s25 =	sadd.s32 $0x1480, s25;
	[sflag:s20] =	ssyncadd.s32 $0xFFFFC000  }
0xdb: {  	[spmem:s1] =	stream.indirect.scatter.add.f32 [tilespmem:s18], [sflag:$0x4], $0x80, s25, s16, $0xb8;
	[tilespmem:$0x1E800] =	vst v63  }
0xdc: {  	_ =	swait.ge [sflag:s21], $0x4000  }
0xdd: {  	[sflag:s21] =	ssyncset.done $0x0  }
0xde: {  	[sflag:s21] =	ssyncadd.s32 $0xFFFFC000  }
0xdf: {  	_ =	swait.ge [sflag:s22], $0x4000  }
0xe0: {  	[sflag:s22] =	ssyncset.done $0x0  }
0xe1: {  	[sflag:s22] =	ssyncadd.s32 $0xFFFFC000  }
0xe2: {  	_ =	sdelay $0x7ff  }
0xe3: {  	_ =	sdelay $0x7ff  }
0xe4: {  	_ =	sdelay $0x7ff  }
0xe5: {  	_ =	sdelay $0x7ff  }
0xe6: {  	_ =	sdelay $0x7ff  }
0xe7: {  	_ =	sdelay $0x7ff  }
0xe8: {  	_ =	sdelay $0x7ff  }
0xe9: {  	_ =	sdelay $0x7ff  }
0xea: {  	_ =	sdelay $0x7ff  }
0xeb: {  	_ =	sdelay $0x464  }
0xec: {  	s25 =	simm.s32 @p0 $0x1FC5;
	[bflag:$0x0] =	sbarrier.arrive $0xFFFF  }
0xed: {  	[hbm:s11], [sflag:s25] =	dma.local @p0 [spmem:s23], $0x2080  }
0xee: {  	s25 =	simm.s32 @p0 $0x5  }
0xef: {  	_ =	swait.ge @p0 [sflag:s25], $0x2080  }
0xf0: {  	s2 =	sadd.s32 $0x1, s2;
	s26 =	sshll.u32 @!p0 s3, $0x6;
	[sflag:s25] =	ssyncset.done @p0 $0x0  }
0xf1: {  	p1 =	sne.s32 s2, s12;
	[sflag:s25] =	ssyncadd.s32 @p0 $0xFFFFDF80;
	s25 =	sor.u32 @!p0 $0x1C05, s26  }
0xf2: {  	[hbm:s10], [sflag:s25] =	dma.local @!p0 [spmem:s24], $0x2780  }
.Ltmp3:
0xf3: {  	_ = 	snop;
	(pc) =	sbr.rel @p1 .LBB2_1-.Ltmp3, $4  }
0xf4: {  	s25 =	simm.s32 @!p0 $0x5  }
0xf5: {  	_ =	swait.ge @!p0 [sflag:s25], $0x2780  }
0xf6: {  	[sflag:s25] =	ssyncset.done @!p0 $0x0  }
0xf7: {  	[sflag:s25] =	ssyncadd.s32 @!p0 $0xFFFFD880  }
0xf8: {  	_ =	sfence.sel $0x180000  }
0xf9: {  	[bflag:$0x0] =	sbarrier.arrive $0xFFFF  }
0xfa: {  	p0 =	sne.s32 s3, $0x0;
	_ =	strace $0x9000004D  }
0xfb: {  	s0 =	sadd.s32 @!p0 $0x100000, s0;
	[bflag:$0x2] =	sbarrier.arrive $0xFFFF  }
0xfc: {  	[sflag:s0] =	ssyncadd.tile.s32 @!p0 $0x1;
	_ =	shalt  }
.Lfunc_end2:
_tile_overlayer_lowered:
.L_overlay_start_2:
0xfd: {  	(tag) =	ssettag $0x2  }
0xfe: {  	s0 =	rddreg [dreg:$0x0];
	s2 =	stileid.u32  }
0xff: {  	s1 =	rddreg [dreg:$0x1];
	p0 =	sne.s32 s2, $0x0  }
0x100: {  	s3 =	rddreg [dreg:$0x2];
	[bflag:$0x3] =	sbarrier.arrive $0xFFFF;
	s2 =	simm.s32 @!p0 $0x1C05  }
0x101: {  	[timem:s3], [sflag:s2] =	dma.local @!p0 [hbm:s0], s1  }
0x102: {  	s0 =	simm.s32 @!p0 $0x5  }
0x103: {  	_ =	swait.ge @!p0 [sflag:s0], s1  }
0x104: {  	s1 =	ssub.s32 @!p0 $0x0, s1;
	[sflag:s0] =	ssyncset.done @!p0 $0x0  }
0x105: {  	[sflag:s0] =	ssyncadd.s32 @!p0 s1  }
0x106: {  	[bflag:$0x3] =	sbarrier.arrive $0xFFFF  }
0x107: {  	_ =	shalt  }

// kernel: kernel.8.cloned.1.call-start
scs
__scs_entry_jumppad:
0x0: {  	(pc) =	sbr.rel $0x88, $3  }
0x1: {  	(tag) =	ssettag $0x0;
	lr =	simm.s32 $0x1  }
0x2: {  	[smem:$0x3F94] =	sst lr;
	_ =	strace $0xD0000000  }
0x3: {  	_ = 	snop  }
0x4: {  	_ = 	snop  }
0x5: {  	_ = 	snop  }
0x6: {  	_ = 	snop  }
0x7: {  	_ = 	snop  }
__scs_overlays_trampoline_lowered:
0x8: {  	[smem:$0x3FA3] =	sst s0  }
0x9: {  	[smem:$0x3FA4] =	sst s1  }
0xa: {  	[smem:$0x3FA5] =	sst s2  }
0xb: {  	[smem:$0x3FA6] =	sst s3  }
0xc: {  	[smem:$0x3FA7] =	sst s4  }
0xd: {  	[smem:$0x3FA8] =	sst s5  }
0xe: {  	[smem:$0x3FA9] =	sst s6  }
0xf: {  	[smem:$0x3FAA] =	sst s7  }
0x10: {  	[smem:$0x3FAB] =	sst s8  }
0x11: {  	[smem:$0x3FAC] =	sst s9;
	s0 =	simm.s32 @!p0 $0x0  }
0x12: {  	s1 =	sld [smem:$0x3F92];
	s0 =	simm.s32 @p0 $0x1  }
0x13: {  	[smem:$0x3FAD] =	sst s0;
	s0 =	simm.s32 @!p1 $0x0  }
0x14: {  	s2 =	sld [smem:$0x3F91];
	s0 =	simm.s32 @p1 $0x1  }
0x15: {  	[smem:$0x3FAE] =	sst s0;
	s0 =	simm.s32 @!p2 $0x0  }
0x16: {  	s3 =	sld [smem:$0x3FDB];
	s0 =	simm.s32 @p2 $0x1  }
0x17: {  	s4 =	simm.s32 $0x1BF5;
	[smem:$0x3FB0] =	sst s0  }
0x18: {  	s0 =	sld [smem:$0x3F93];
	_ =	swait.ge [sflag:s4], $0x0  }
0x19: {  	s7 =	sld [smem:$0x3F94]  }
0x1a: {  	s8 =	sadd.s32 $0xFFFFE003, lr  }
0x1b: {  	s9 =	sadd.s32 $0xFFFFFEF7, lr;
	s5 =	simm.s32 $0xFFFFFFFF;
	p2 =	slt.u32 s8, $0xFFFFF086  }
0x1c: {  	p1 =	slt.u32 s9, $0xF7A;
	s5 =	simm.s32 @!p2 $0x0  }
0x1d: {  	s5 =	simm.s32 @p1 $0x1;
	p0 =	seq.s32 s7, s2  }
0x1e: {  	s7 =	smul.u32 @!p0 $0xF7A, s2;
	p2 =	seq.s32 @!p0 s5, $0x0  }
0x1f: {  	s9 =	smul.u32 $0xF7A, s1;
	s8 =	simm.s32 @!p0 $0x1BF5;
	p2 =	por !p2, p0  }
0x20: {  	[sflag:s8] =	ssyncset.s32 @!p0 $0xFFFFF086;
	s6 =	sadd.s32 @!p0 s3, s7;
	s7 =	simm.s32 @!p0 $0x108  }
0x21: {  	s3 =	sadd.s32 s3, s9;
	s6 =	sadd.s32 @!p0 $0x88, s6;
	s7 =	simm.s32 @p2 $0x1082  }
0x22: {  	[simem:s7], [sflag:s8] =	dma.local @!p0 [hbm:s6], $0xF7A  }
0x23: {  	s9 =	sor.u32 $0xD0000000, s2;
	s6 =	simm.s32 $0x108;
	_ =	swait.ge @!p0 [sflag:s8], $0x0  }
0x24: {  	s3 =	sadd.s32 $0x88, s3;
	s6 =	simm.s32 @!p1 $0x1082;
	[sflag:s4] =	ssyncset.s32 $0xFFFFF086  }
0x25: {  	[simem:s6], [sflag:s4] =	dma.local [hbm:s3], $0xF7A  }
0x26: {  	[smem:$0x3F94] =	sst s1;
	(tag) =	ssettag s2;
	_ =	strace s9  }
0x27: {  	s1 =	sld [smem:$0x3FA4]  }
0x28: {  	s2 =	sld [smem:$0x3FA5]  }
0x29: {  	s4 =	sld [smem:$0x3FA7]  }
0x2a: {  	p0 =	seq.s32 s5, $0x0;
	s5 =	sld [smem:$0x3FA8]  }
0x2b: {  	s6 =	sld [smem:$0x3FA9]  }
0x2c: {  	s7 =	sld [smem:$0x3FAA]  }
0x2d: {  	s3 =	simm.s32 $0x108;
	s8 =	sld [smem:$0x3FAB]  }
0x2e: {  	s3 =	simm.s32 @!p0 $0x1082;
	s9 =	sld [smem:$0x3FAC]  }
0x2f: {  	lr =	sadd.s32 s0, s3;
	s0 =	sld [smem:$0x3FA3]  }
0x30: {  	s3 =	sld [smem:$0x3FA6]  }
0x31: {  	[smem:$0x3FAF] =	sst s10  }
0x32: {  	s10 =	sld [smem:$0x3FAD];
	_ =	sdelay $0x3  }
0x33: {  	p0 =	seq.s32 s10, $0x1;
	s10 =	sld [smem:$0x3FAF];
	_ =	sdelay $0x3  }
0x34: {  	[smem:$0x3FAF] =	sst s10  }
0x35: {  	s10 =	sld [smem:$0x3FAE];
	_ =	sdelay $0x3  }
0x36: {  	p1 =	seq.s32 s10, $0x1;
	s10 =	sld [smem:$0x3FAF];
	_ =	sdelay $0x3  }
0x37: {  	[smem:$0x3FAF] =	sst s10  }
0x38: {  	s10 =	sld [smem:$0x3FB0]  }
0x39: {  	_ = 	snop;
	(pc) =	sbr.ind lr, $3  }
0x3a: {  	_ = 	snop  }
0x3b: {  	_ = 	snop  }
0x3c: {  	p2 =	seq.s32 s10, $0x1;
	s10 =	sld [smem:$0x3FAF]  }
0x3d: {  	_ =	shalt  }
0x3e: {  	_ =	shalt  }
0x3f: {  	_ =	shalt  }
0x40: {  	_ =	shalt  }
0x41: {  	_ =	shalt  }
0x42: {  	_ =	shalt  }
0x43: {  	_ =	shalt  }
0x44: {  	_ =	shalt  }
0x45: {  	_ =	shalt  }
0x46: {  	_ =	shalt  }
0x47: {  	_ =	shalt  }
0x48: {  	_ =	shalt  }
0x49: {  	_ =	shalt  }
0x4a: {  	_ =	shalt  }
0x4b: {  	_ =	shalt  }
0x4c: {  	_ =	shalt  }
0x4d: {  	_ =	shalt  }
0x4e: {  	_ =	shalt  }
0x4f: {  	_ =	shalt  }
0x50: {  	_ =	shalt  }
0x51: {  	_ =	shalt  }
0x52: {  	_ =	shalt  }
0x53: {  	_ =	shalt  }
0x54: {  	_ =	shalt  }
0x55: {  	_ =	shalt  }
0x56: {  	_ =	shalt  }
0x57: {  	_ =	shalt  }
0x58: {  	_ =	shalt  }
0x59: {  	_ =	shalt  }
0x5a: {  	_ =	shalt  }
0x5b: {  	_ =	shalt  }
0x5c: {  	_ =	shalt  }
0x5d: {  	_ =	shalt  }
0x5e: {  	_ =	shalt  }
0x5f: {  	_ =	shalt  }
0x60: {  	_ =	shalt  }
0x61: {  	_ =	shalt  }
0x62: {  	_ =	shalt  }
0x63: {  	_ =	shalt  }
0x64: {  	_ =	shalt  }
0x65: {  	_ =	shalt  }
0x66: {  	_ =	shalt  }
0x67: {  	_ =	shalt  }
0x68: {  	_ =	shalt  }
0x69: {  	_ =	shalt  }
0x6a: {  	_ =	shalt  }
0x6b: {  	_ =	shalt  }
0x6c: {  	_ =	shalt  }
0x6d: {  	_ =	shalt  }
0x6e: {  	_ =	shalt  }
0x6f: {  	_ =	shalt  }
0x70: {  	_ =	shalt  }
0x71: {  	_ =	shalt  }
0x72: {  	_ =	shalt  }
0x73: {  	_ =	shalt  }
0x74: {  	_ =	shalt  }
0x75: {  	_ =	shalt  }
0x76: {  	_ =	shalt  }
0x77: {  	_ =	shalt  }
0x78: {  	_ =	shalt  }
0x79: {  	_ =	shalt  }
0x7a: {  	_ =	shalt  }
0x7b: {  	_ =	shalt  }
0x7c: {  	_ =	shalt  }
0x7d: {  	_ =	shalt  }
0x7e: {  	_ =	shalt  }
0x7f: {  	_ =	shalt  }
0x80: {  	_ =	shalt  }
0x81: {  	_ =	shalt  }
0x82: {  	_ =	shalt  }
0x83: {  	_ =	shalt  }
0x84: {  	_ =	shalt  }
0x85: {  	_ =	shalt  }
0x86: {  	_ =	shalt  }
0x87: {  	_ =	shalt  }
.Lfunc_end0:
.L_simem_size_0:
called_computation_lowered:
.L_overlay_start_0:
0x88: {  	s2 =	sld [smem:$0x3FD9]  }
0x89: {  	s3 =	sld [smem:$0x3FFE];
	_ =	sdelay $0x1  }
0x8a: {  	s1 =	srdreg.scid  }
0x8b: {  	s0 =	sand.u32 $0x1, s1  }
0x8c: {  	s16 =	sshll.u32 s0, $0xA;
	s2 =	sadd.s32 s3, s2  }
0x8d: {  	s2 =	sadd.s32 s2, s16  }
0x8e: {  	[smem:$0x3FBB] =	sst s2  }
0x8f: {  	_ = 	snop  }
0x90: {  	(tm) =	ssettm $0x1  }
0x91: {  	s17 =	sld [smem:$0x3FFB];
	_ =	sdelay $0x3  }
0x92: {  	_ =	strace s17  }
0x93: {  	s2 =	sld [smem:$0x3FFC];
	_ =	sdelay $0x3  }
0x94: {  	_ =	strace s2  }
0x95: {  	s2 =	sld [smem:$0x3FFD];
	_ =	sdelay $0x3  }
0x96: {  	_ =	strace s2  }
0x97: {  	_ =	strace $0x8FFFFFFF  }
0x98: {  	s18 =	sld [smem:$0x3FDB];
	_ =	sdelay $0x1  }
0x99: {  	s19 =	simm.s32 $_scs_section_size  }
0x9a: {  	s4 =	simm.s32 $_size__tile_overlayer_lowered;
	s5 =	simm.s32 $_tile_overlayer_lowered  }
0x9b: {  	s22 =	simm.s32 $0x1BFF;
	s21 =	sshll.u32 s5, $0x1;
	s2 =	sadd.s32 s19, s18  }
0x9c: {  	s6 =	simm.s32 $0x0;
	s20 =	sshll.u32 s4, $0x1;
	s4 =	sadd.s32 s21, s2  }
0x9d: {  	[timem:s6], [sflag:s22] =	dma.local [hbm:s4], s20  }
0x9e: {  	_ =	swait.ge [sflag:s22], s20  }
0x9f: {  	s3 =	ssub.s32 $0x0, s20;
	[sflag:s22] =	ssyncset.done $0x0  }
0xa0: {  	[sflag:s22] =	ssyncadd.s32 s3;
	_ =	sdelay $0x1  }
0xa1: {  	s23 =	simm.s32 $0x1B8B  }
0xa2: {  	_ =	swait.ge [sflag:s23], $0x1  }
0xa3: {  	[sflag:s23] =	ssyncset.done $0x0  }
0xa4: {  	s25 =	simm.s32 $0x1B8E;
	s24 =	sld [smem:$0x3FFE];
	[sflag:s23] =	ssyncadd.s32 $0xFFFFFFFF  }
0xa5: {  	s26 =	simm.s32 $execute0_lowered;
	[smem:$0x3FD2] =	sst s25  }
0xa6: {  	s4 =	sshll.u32 s26, $0x1;
	_ =	strace $0x80000046;
	[dreg:$0x1] =	wrdreg $0xFFFFFFFF  }
0xa7: {  	s28 =	simm.s32 $_size_execute0_lowered;
	s2 =	sadd.s32 s2, s4;
	[dreg:$0x0] =	wrdreg $0x0  }
0xa8: {  	s4 =	sshll.u32 s28, $0x1;
	[dreg:$0x2] =	wrdreg s2  }
0xa9: {  	[dreg:$0x3] =	wrdreg s4  }
0xaa: {  	[dreg:$0x4] =	wrdreg $0xC0  }
0xab: {  	_ =	task [dreg:s6], $0x5FFFF  }
0xac: {  	[dreg:$0x1] =	wrdreg $0xFFFFFFFF  }
0xad: {  	[dreg:$0x0] =	wrdreg $0x60  }
0xae: {  	[dreg:$0x2] =	wrdreg s24  }
0xaf: {  	[dreg:$0x3] =	wrdreg $0x2AF80  }
0xb0: {  	[dreg:$0x4] =	wrdreg $0x9  }
0xb1: {  	_ =	task.clear_ibuf [dreg:s6], $0x5FFFF;
	_ =	strace $0x90000046  }
0xb2: {  	s29 =	simm.s32 $0x9;
	_ =	strace $0x80000048  }
0xb3: {  	_ =	swait.ge [sflag:s29], $0x1  }
0xb4: {  	[sflag:s29] =	ssyncadd.s32 $0xFFFFFFFF  }
0xb5: {  	_ =	strace $0x90000048  }
0xb6: {  	_ =	sfence  }
0xb7: {  	s30 =	sld [smem:$0x0];
	_ =	sdelay $0x2  }
0xb8: {  	s31 =	sshll.u32 s1, $0xD;
	s1 =	sshrl.u32 s1, $0x2  }
0xb9: {  	s3 =	sand.u32 $0x4000, s31;
	s1 =	sadd.s32 s1, s30  }
0xba: {  	s0 =	sor.u32 s3, s0;
	s1 =	sshll.u32 s1, $0x11  }
0xbb: {  	s0 =	sor.u32 s1, s0  }
0xbc: {  	s0 =	sadd.s32 $0x8F2B, s0  }
0xbd: {  	[sflag:s0] =	ssyncadd.remote.s32 $0x1  }
0xbe: {  	_ =	sfence.sel $0xFFFF  }
0xbf: {  	[dreg:$0x0] =	wrdreg $0xFFFFFFFF;
	(pc) =	sbr.abs _section_cstart, $3  }
0xc0: {  	[dreg:$0x1] =	wrdreg $0xFFFFFFFF  }
0xc1: {  	_ =	task.clear_ibuf [dreg:s6], $0x2FFFF;
	_ =	strace $0x9FFFFFFF  }
0xc2: {  	(tm) =	ssettm $0x7FFFFFFF  }
0xc3: {  	_ =	shalt  }
tec
execute0_lowered:
.L_overlay_start_1:
0x0: {  	(tag) =	ssettag $0x1  }
0x1: {  	s5 =	rddreg [dreg:$0x0]  }
0x2: {  	s0 =	srdreg.scid;
	s2 =	rddreg [dreg:$0x1]  }
0x3: {  	s3 =	simm.s32 $0x0;
	s11 =	simm.s32 $0x80;
	s12 =	simm.s32 $0x2800  }
0x4: {  	s16 =	simm.s32 $0x0;
	s4 =	sand.u32 $0x1, s0;
	s0 =	stileid.u32  }
0x5: {  	[smem:$0x7FF] =	sst s3;
	s9 =	sadd.s32 $0x16C00, s5;
	s13 =	sadd.s32 $0x2508, s2  }
0x6: {  	s1 =	sshll.u32 s4, $0x4;
	s7 =	smul.u32 $0x278, s0;
	s8 =	ssub.s32 $0x2, s4  }
0x7: {  	s4 =	smul.u32 $0x2710, s4;
	p0 =	seq.s32 s0, $0xF;
	s6 =	sor.u32 s0, s1  }
0x8: {  	s1 =	rddreg [dreg:$0x2];
	_ =	strace $0x80000047;
	s29 =	sshrl.u32 s8, $0x1  }
0x9: {  	s13 =	sshrl.u32 @p0 s13, $0x3;
	s14 =	sshll.u32 @!p0 s0, $0x6;
	s6 =	smul.u32 $0x500, s6  }
0xa: {  	s8 =	ssub.s32 s8, s29;
	s30 =	sadd.s32 s7, s4;
	s10 =	sadd.s32 $0x2508, s4  }
0xb: {  	s4 =	sadd.s32 s7, s2;
	s14 =	sor.u32 @!p0 $0x1C01, s14;
	s31 =	sshrl.u32 s30, $0x3  }
0xc: {  	s10 =	sshrl.u32 s10, $0x3;
	s8 =	smax.u32 s8, $0x1;
	s15 =	sshrl.u32 @!p0 s4, $0x3  }
0xd: {  	s6 =	sadd.s32 s6, s5;
	s7 =	sadd.s32 s9, s10;
	s10 =	simm.s32 $0x1  }
0xe: {  	v0 =	vimm.f32 $1.000000000e+00;
	v1 =	vimm.f32 $0.0e+00;
	s5 =	sadd.s32 $0x2C00, s6;
	s6 =	sadd.s32 s9, s31;
	s9 =	simm.s32 $0x2880  }
.LBB2_1:
0xf: {  	[tilespmem:$0x2800] =	vst v0  }
0x10: {  	[tilespmem:$0x2810] =	vst v0  }
0x11: {  	[tilespmem:$0x2820] =	vst v0  }
0x12: {  	[tilespmem:$0x2830] =	vst v0  }
0x13: {  	[tilespmem:$0x2840] =	vst v0  }
0x14: {  	[tilespmem:$0x2850] =	vst v0  }
0x15: {  	[tilespmem:$0x2860] =	vst v0  }
0x16: {  	[tilespmem:$0x2870] =	vst v0  }
0x17: {  	[tilespmem:$0x2880] =	vst v1  }
0x18: {  	[tilespmem:$0x2890] =	vst v1  }
0x19: {  	[tilespmem:$0x28A0] =	vst v1  }
0x1a: {  	[tilespmem:$0x28B0] =	vst v1  }
0x1b: {  	[tilespmem:$0x28C0] =	vst v1  }
0x1c: {  	[tilespmem:$0x28D0] =	vst v1  }
0x1d: {  	[tilespmem:$0x28E0] =	vst v1  }
0x1e: {  	[tilespmem:$0x28F0] =	vst v1  }
0x1f: {  	[tilespmem:$0x2900] =	vst v1  }
0x20: {  	[tilespmem:$0x2910] =	vst v1  }
0x21: {  	[tilespmem:$0x2920] =	vst v1  }
0x22: {  	[tilespmem:$0x2930] =	vst v1  }
0x23: {  	[tilespmem:$0x2940] =	vst v1  }
0x24: {  	[tilespmem:$0x2950] =	vst v1  }
0x25: {  	[tilespmem:$0x2960] =	vst v1  }
0x26: {  	[tilespmem:$0x2970] =	vst v1  }
0x27: {  	[tilespmem:$0x2980] =	vst v1  }
0x28: {  	[tilespmem:$0x2990] =	vst v1  }
0x29: {  	[tilespmem:$0x29A0] =	vst v1  }
0x2a: {  	[tilespmem:$0x29B0] =	vst v1  }
0x2b: {  	[tilespmem:$0x29C0] =	vst v1  }
0x2c: {  	[tilespmem:$0x29D0] =	vst v1  }
0x2d: {  	[tilespmem:$0x29E0] =	vst v1  }
0x2e: {  	[tilespmem:$0x29F0] =	vst v1  }
0x2f: {  	[tilespmem:$0x2A00] =	vst v1  }
0x30: {  	[tilespmem:$0x2A10] =	vst v1  }
0x31: {  	[tilespmem:$0x2A20] =	vst v1  }
0x32: {  	[tilespmem:$0x2A30] =	vst v1  }
0x33: {  	[tilespmem:$0x2A40] =	vst v1  }
0x34: {  	[tilespmem:$0x2A50] =	vst v1  }
0x35: {  	[tilespmem:$0x2A60] =	vst v1  }
0x36: {  	[tilespmem:$0x2A70] =	vst v1  }
0x37: {  	[tilespmem:$0x2A80] =	vst v1  }
0x38: {  	[tilespmem:$0x2A90] =	vst v1  }
0x39: {  	[tilespmem:$0x2AA0] =	vst v1  }
0x3a: {  	[tilespmem:$0x2AB0] =	vst v1  }
0x3b: {  	[tilespmem:$0x2AC0] =	vst v1  }
0x3c: {  	[tilespmem:$0x2AD0] =	vst v1  }
0x3d: {  	[tilespmem:$0x2AE0] =	vst v1  }
0x3e: {  	_ =	sdelay $0x7ff  }
0x3f: {  	_ =	sdelay $0x6d6  }
0x40: {  	[spmem:s4] =	stream.linear.scatter [tilespmem:s9], [sflag:$0x1], $0x278, $0x38;
	[tilespmem:$0x2D70] =	vst v63  }
0x41: {  	_ =	swait.ge [sflag:s10], $0x278  }
0x42: {  	[sflag:s10] =	ssyncset.done $0x0  }
0x43: {  	[sflag:s10] =	ssyncadd.s32 $0xFFFFFD88  }
0x44: {  	_ =	sdelay $0x7ff  }
0x45: {  	_ =	sdelay $0x7ff  }
0x46: {  	_ =	sdelay $0x7ff  }
0x47: {  	_ =	sdelay $0x7ff  }
0x48: {  	_ =	sdelay $0x7ff  }
0x49: {  	_ =	sdelay $0x7ff  }
0x4a: {  	_ =	sdelay $0x7ff  }
0x4b: {  	_ =	sdelay $0x7ff  }
0x4c: {  	_ =	sdelay $0x7ff  }
0x4d: {  	_ =	sdelay $0x464  }
0x4e: {  	[bflag:$0x0] =	sbarrier.arrive $0xFFFF  }
0x4f: {  	[tilespmem:s3], [sflag:$0x1] =	stream.linear.gather [hbm4b:s5+s3], $0x2800, $0x38;
	[tilespmem:$0x2D70] =	vst v63  }
0x50: {  	_ =	swait.ge [sflag:s10], $0x2800  }
0x51: {  	[sflag:s10] =	ssyncset.done $0x0  }
0x52: {  	s17 =	simm.s32 $0x0;
	[sflag:s10] =	ssyncadd.s32 $0xFFFFD800  }
0x53: {  	[spmem:s2] =	stream.indirect.scatter.add.f32 [tilespmem:s12], [sflag:$0x1], $0x1, s17, s11, $0xb8;
	[tilespmem:$0x2D70] =	vst v63  }
0x54: {  	_ =	swait.ge [sflag:s10], $0x80  }
0x55: {  	s17 =	simm.s32 $0x200;
	[sflag:s10] =	ssyncset.done $0x0  }
.LBB2_2:
0x56: {  	s18 =	sshra.s32 s17, $0x2;
	[sflag:s10] =	ssyncadd.s32 $0xFFFFFF80;
	p1 =	sne.s32 s17, $0x9E00  }
0x57: {  	[spmem:s2] =	stream.indirect.scatter.add.f32 [tilespmem:s12], [sflag:$0x1], $0x1, s18, s11, $0xb8;
	[tilespmem:$0x2D70] =	vst v63  }
.Ltmp0:
0x58: {  	_ = 	snop;
	(pc) =	sbr.rel @p1 .LBB2_2-.Ltmp0, $4  }
0x59: {  	_ = 	snop  }
0x5a: {  	s17 =	sadd.s32 $0x200, s17  }
0x5b: {  	_ =	swait.ge [sflag:s10], $0x80  }
0x5c: {  	[sflag:s10] =	ssyncset.done $0x0  }
0x5d: {  	[sflag:s10] =	ssyncadd.s32 $0xFFFFFF80  }
0x5e: {  	_ =	sdelay $0x7ff  }
0x5f: {  	_ =	sdelay $0x7ff  }
0x60: {  	_ =	sdelay $0x7ff  }
0x61: {  	_ =	sdelay $0x7ff  }
0x62: {  	_ =	sdelay $0x7ff  }
0x63: {  	_ =	sdelay $0x7ff  }
0x64: {  	_ =	sdelay $0x7ff  }
0x65: {  	_ =	sdelay $0x7ff  }
0x66: {  	_ =	sdelay $0x7ff  }
0x67: {  	_ =	sdelay $0x464  }
0x68: {  	s17 =	simm.s32 @p0 $0x1FC1;
	[bflag:$0x0] =	sbarrier.arrive $0xFFFF  }
0x69: {  	[hbm:s7], [sflag:s17] =	dma.local @p0 [spmem:s13], $0x41  }
0x6a: {  	s17 =	simm.s32 @p0 $0x1  }
0x6b: {  	s16 =	sadd.s32 $0x1, s16;
	_ =	swait.ge @p0 [sflag:s17], $0x41  }
0x6c: {  	p1 =	sne.s32 s16, s8;
	[sflag:s17] =	ssyncset.done @p0 $0x0  }
.Ltmp1:
0x6d: {  	[sflag:s17] =	ssyncadd.s32 @p0 $0xFFFFFFBF;
	s17 =	simm.s32 @!p0 $0x1;
	(pc) =	sbr.rel @p1 .LBB2_1-.Ltmp1, $4  }
0x6e: {  	[hbm:s6], [sflag:s14] =	dma.local @!p0 [spmem:s15], $0x4F  }
0x6f: {  	_ =	swait.ge @!p0 [sflag:s17], $0x4F  }
0x70: {  	[sflag:s17] =	ssyncset.done @!p0 $0x0  }
0x71: {  	[sflag:s17] =	ssyncadd.s32 @!p0 $0xFFFFFFB1  }
0x72: {  	_ =	sfence.sel $0x180000  }
0x73: {  	[bflag:$0x0] =	sbarrier.arrive $0xFFFF  }
0x74: {  	p0 =	sne.s32 s0, $0x0;
	_ =	strace $0x90000047  }
0x75: {  	s0 =	sadd.s32 @!p0 $0x100000, s1;
	[bflag:$0x2] =	sbarrier.arrive $0xFFFF  }
0x76: {  	[sflag:s0] =	ssyncadd.tile.s32 @!p0 $0x1;
	_ =	shalt  }
.Lfunc_end2:
_tile_overlayer_lowered:
.L_overlay_start_2:
0x77: {  	(tag) =	ssettag $0x2  }
0x78: {  	s0 =	rddreg [dreg:$0x0];
	s2 =	stileid.u32  }
0x79: {  	s1 =	rddreg [dreg:$0x1];
	p0 =	sne.s32 s2, $0x0  }
0x7a: {  	s3 =	rddreg [dreg:$0x2];
	[bflag:$0x3] =	sbarrier.arrive $0xFFFF;
	s2 =	simm.s32 @!p0 $0x1C01  }
0x7b: {  	[timem:s3], [sflag:s2] =	dma.local @!p0 [hbm:s0], s1  }
0x7c: {  	s0 =	simm.s32 @!p0 $0x1  }
0x7d: {  	_ =	swait.ge @!p0 [sflag:s0], s1  }
0x7e: {  	s1 =	ssub.s32 @!p0 $0x0, s1;
	[sflag:s0] =	ssyncset.done @!p0 $0x0  }
0x7f: {  	[sflag:s0] =	ssyncadd.s32 @!p0 s1  }
0x80: {  	[bflag:$0x3] =	sbarrier.arrive $0xFFFF  }
0x81: {  	_ =	shalt  }

</sc_bundles>
